<compile_context>
chip_gen: v7x
topology: tpu7x:2x2x1
jax: 0.10.2.dev20260603
libtpu: 0.0.44.dev20260713+nightly
codegen_flags: <defaults>
</compile_context>

<pallas_src>
import functools

import jax
import jax.numpy as jnp
from jax import lax
from jax.experimental import pallas as pl
from jax.experimental.pallas import tpu as pltpu
from jax.experimental.pallas import tpu_sc as plsc

E = 320000
D = 128
DW = D // 2
L = 16
NUM_WORKERS = 32
E_PER_W = E // NUM_WORKERS
C = 400
NCHUNK = E_PER_W // C
G = C // L

_mesh = plsc.VectorSubcoreMesh(core_axis_name="c", subcore_axis_name="s")


@functools.partial(
    pl.kernel,
    mesh=_mesh,
    out_type=jax.ShapeDtypeStruct((E,), jnp.float32),
    compiler_params=pltpu.CompilerParams(
        needs_layout_passes=False, disable_bounds_checks=True,
        use_tc_tiling_on_sc=False),
    scratch_types=[
        pltpu.VMEM((E_PER_W,), jnp.int32),
        pltpu.VMEM((E_PER_W,), jnp.int32),
        pltpu.VMEM((2, C, DW), jnp.int32),
        pltpu.VMEM((2, C, DW), jnp.int32),
        pltpu.VMEM((2, C), jnp.float32),
        pltpu.SemaphoreType.DMA,
        pltpu.SemaphoreType.DMA,
        pltpu.SemaphoreType.DMA,
    ],
)
def _decode(z_hbm, ei_hbm, out_hbm,
            src_idx, dst_idx, srows, drows, outv, sem_s, sem_d, sem_o):
    wid = lax.axis_index("s") * 2 + lax.axis_index("c")
    base = wid * E_PER_W

    pltpu.sync_copy(ei_hbm.at[0, pl.ds(base, E_PER_W)], src_idx)
    pltpu.sync_copy(ei_hbm.at[1, pl.ds(base, E_PER_W)], dst_idx)

    def issue(c, slot):
        off = c * C
        pltpu.async_copy(z_hbm.at[src_idx.at[pl.ds(off, C)]], srows.at[slot], sem_s)
        pltpu.async_copy(z_hbm.at[dst_idx.at[pl.ds(off, C)]], drows.at[slot], sem_d)

    def drain(c, slot):
        off = c * C
        pltpu.make_async_copy(
            z_hbm.at[src_idx.at[pl.ds(off, C)]], srows.at[slot], sem_s).wait()
        pltpu.make_async_copy(
            z_hbm.at[dst_idx.at[pl.ds(off, C)]], drows.at[slot], sem_d).wait()

    lanes = lax.iota(jnp.int32, L)
    lanes_dw = lanes * DW
    zv = jnp.zeros((L,), jnp.int32)
    colvs = [(lanes + b) & (L - 1) for b in range(L)]

    def store_out(c, slot):
        pltpu.async_copy(outv.at[slot], out_hbm.at[pl.ds(base + c * C, C)], sem_o)

    def drain_out(c, slot):
        pltpu.make_async_copy(
            outv.at[slot], out_hbm.at[pl.ds(base + c * C, C)], sem_o).wait()

    def compute(c, slot):
        sr = srows.at[slot]
        dr = drows.at[slot]

        def group_body(g, carry):
            ridx = g * (L * DW) + lanes_dw

            def k_body(k, accs):
                a0, a1, a2, a3 = accs
                ridx_k = ridx + k * L
                for b in range(L):
                    idx = ridx_k + colvs[b]
                    sw = plsc.load_gather(sr, [zv, idx])
                    dw = plsc.load_gather(dr, [zv, idx])
                    prod = (plsc.bitcast(sw, jnp.bfloat16)
                            * plsc.bitcast(dw, jnp.bfloat16))
                    pa, pb = plsc.unpack(prod, format=plsc.PackFormat.INTERLEAVED)
                    if b % 2 == 0:
                        a0 = a0 + pa
                        a1 = a1 + pb
                    else:
                        a2 = a2 + pa
                        a3 = a3 + pb
                return a0, a1, a2, a3

            zf = jnp.zeros((L,), jnp.float32)
            a0, a1, a2, a3 = lax.fori_loop(0, DW // L, k_body, (zf, zf, zf, zf))
            outv[slot, pl.ds(g * L, L)] = (a0 + a1) + (a2 + a3)
            return carry

        lax.fori_loop(0, G, group_body, 0)

        def sig_body(g, carry):
            v = outv[slot, pl.ds(g * L, L)]
            outv[slot, pl.ds(g * L, L)] = 1.0 / (1.0 + jnp.exp(-v))
            return carry

        lax.fori_loop(0, G, sig_body, 0, unroll=5)

    issue(0, 0)
    issue(1, 1)

    def step(s, carry):
        c0 = 2 * s
        drain(c0, 0)

        @pl.when(s > 0)
        def _():
            drain_out(c0 - 2, 0)

        compute(c0, 0)
        store_out(c0, 0)
        issue(c0 + 2, 0)
        drain(c0 + 1, 1)

        @pl.when(s > 0)
        def _():
            drain_out(c0 - 1, 1)

        compute(c0 + 1, 1)
        store_out(c0 + 1, 1)

        @pl.when(s < (NCHUNK - 3) // 2)
        def _():
            issue(c0 + 3, 1)

        return carry

    lax.fori_loop(0, (NCHUNK - 1) // 2, step, 0)
    drain(NCHUNK - 1, 0)
    drain_out(NCHUNK - 3, 0)
    compute(NCHUNK - 1, 0)
    store_out(NCHUNK - 1, 0)
    drain_out(NCHUNK - 2, 1)
    drain_out(NCHUNK - 1, 0)


def kernel(z, edge_index):
    u = jax.lax.bitcast_convert_type(z, jnp.uint32)
    r = (u + jnp.uint32(0x7FFF) + ((u >> 16) & jnp.uint32(1))) >> 16
    zp = jax.lax.bitcast_convert_type(
        (r[:, DW:] << 16) | r[:, :DW], jnp.int32)
    return _decode(zp, edge_index.astype(jnp.int32))

# --- scband reference (transcript-rebuilt; emitter-appended) ---
"""Pipeline reference for scband-inner-product-decoder-6030134083621 (READ-ONLY COPY).

The authoritative reference and input builder live on the scoring server;
editing this copy changes nothing except your own understanding.
"""

import jax, jax.numpy as jnp
import numpy as np


def setup_inputs(seed: int = 0) -> dict:
    key = jax.random.key(seed)
    k1, k2 = jax.random.split(key)
    z = jax.random.normal(k1, (10000, 128), dtype=jnp.float32)
    edge_index = jax.random.randint(k2, (2, 320000), 0, 10000, dtype=jnp.int64)
    return {"z": z, "edge_index": edge_index}


def reference(z, edge_index):
    # InnerProductDecoder.forward: sigmoid((z[src] * z[dst]).sum(-1))
    src = jnp.take(z, edge_index[0], axis=0)
    dst = jnp.take(z, edge_index[1], axis=0)
    value = jnp.sum(src * dst, axis=1)
    return jax.nn.sigmoid(value)

if __name__ == "__main__":
    import jax
    _d = setup_inputs()
    print(jax.jit(kernel)(*tuple(_d.values())))

</pallas_src>

<mosaic_0001>
#map = affine_map<(d0, d1) -> (0, 0)>
#map1 = affine_map<(d0, d1) -> (0)>
module attributes {stable_mosaic.version = 14 : i64} {
  func.func @_decode(%arg0: i32, %arg1: i32, %arg2: memref<10000x64xi32, #tpu.memory_space<hbm>>, %arg3: memref<2x320000xi32, #tpu.memory_space<hbm>>, %arg4: memref<320000xf32, #tpu.memory_space<hbm>>, %arg5: memref<10000xi32, #tpu.memory_space<vmem>>, %arg6: memref<10000xi32, #tpu.memory_space<vmem>>, %arg7: memref<2x400x64xi32, #tpu.memory_space<vmem>>, %arg8: memref<2x400x64xi32, #tpu.memory_space<vmem>>, %arg9: memref<2x400xf32, #tpu.memory_space<vmem>>, %arg10: memref<!tpu.dma_semaphore, #tpu.memory_space<semaphore_mem>>, %arg11: memref<!tpu.dma_semaphore, #tpu.memory_space<semaphore_mem>>, %arg12: memref<!tpu.dma_semaphore, #tpu.memory_space<semaphore_mem>>) attributes {dimension_semantics = [#tpu.dimension_semantics<core_parallel>, #tpu.dimension_semantics<subcore_parallel>], iteration_bounds = array<i64: 2, 16>, scalar_prefetch = 0 : i64, scratch_operands = 8 : i64, tpu.core_type = #tpu.core_type<sc_vector_subcore>, window_params = [{transform_indices = #map}, {transform_indices = #map}, {transform_indices = #map1}]} {
    %mul3A = arith.constant 2 : i32
    %mul3A_0 = arith.muli %arg1, %mul3A : i32
    %add3A = arith.addi %mul3A_0, %arg0 : i32
    %mul3A_1 = arith.constant 10000 : i32
    %mul3A_2 = arith.muli %add3A, %mul3A_1 : i32
    %run_scoped3A = arith.constant 0 : i32
    "tpu.region"() ({
      %run_scoped3A_224 = tpu.sem_alloc : memref<!tpu.dma_semaphore, #tpu.memory_space<semaphore_mem>>
      %dma_start3A_225 = tpu.memref_slice %arg3[%run_scoped3A, %mul3A_2] : memref<2x320000xi32, #tpu.memory_space<hbm>> -> memref<1x10000xi32, #tpu.memory_space<hbm>>
      %dma_start3A_226 = tpu.memref_squeeze %dma_start3A_225 : memref<1x10000xi32, #tpu.memory_space<hbm>> -> memref<10000xi32, #tpu.memory_space<hbm>>
      %dma_start3A_227 = tpu.memref_slice %arg3[%run_scoped3A, %mul3A_2] : memref<2x320000xi32, #tpu.memory_space<hbm>> -> memref<1x10000xi32, #tpu.memory_space<hbm>>
      %dma_start3A_228 = tpu.memref_squeeze %dma_start3A_227 : memref<1x10000xi32, #tpu.memory_space<hbm>> -> memref<10000xi32, #tpu.memory_space<hbm>>
      tpu.enqueue_dma source(%dma_start3A_228 : memref<10000xi32, #tpu.memory_space<hbm>>) target(%arg5 : memref<10000xi32, #tpu.memory_space<vmem>>) target_semaphore(%run_scoped3A_224 : memref<!tpu.dma_semaphore, #tpu.memory_space<semaphore_mem>>)
      %dma_wait3A_229 = tpu.memref_slice %arg3[%run_scoped3A, %mul3A_2] : memref<2x320000xi32, #tpu.memory_space<hbm>> -> memref<1x10000xi32, #tpu.memory_space<hbm>>
      %dma_wait3A_230 = tpu.memref_squeeze %dma_wait3A_229 : memref<1x10000xi32, #tpu.memory_space<hbm>> -> memref<10000xi32, #tpu.memory_space<hbm>>
      %dma_wait3A_231 = tpu.memref_slice %arg3[%run_scoped3A, %mul3A_2] : memref<2x320000xi32, #tpu.memory_space<hbm>> -> memref<1x10000xi32, #tpu.memory_space<hbm>>
      %dma_wait3A_232 = tpu.memref_squeeze %dma_wait3A_231 : memref<1x10000xi32, #tpu.memory_space<hbm>> -> memref<10000xi32, #tpu.memory_space<hbm>>
      tpu.wait_dma2 semaphore(%run_scoped3A_224 : memref<!tpu.dma_semaphore, #tpu.memory_space<semaphore_mem>>) src(%dma_wait3A_232 : memref<10000xi32, #tpu.memory_space<hbm>>) dst(%arg5 : memref<10000xi32, #tpu.memory_space<vmem>>)
      tpu.yield
    }) : () -> ()
    %run_scoped3A_3 = arith.constant 1 : i32
    "tpu.region"() ({
      %run_scoped3A_224 = tpu.sem_alloc : memref<!tpu.dma_semaphore, #tpu.memory_space<semaphore_mem>>
      %dma_start3A_225 = tpu.memref_slice %arg3[%run_scoped3A_3, %mul3A_2] : memref<2x320000xi32, #tpu.memory_space<hbm>> -> memref<1x10000xi32, #tpu.memory_space<hbm>>
      %dma_start3A_226 = tpu.memref_squeeze %dma_start3A_225 : memref<1x10000xi32, #tpu.memory_space<hbm>> -> memref<10000xi32, #tpu.memory_space<hbm>>
      %dma_start3A_227 = tpu.memref_slice %arg3[%run_scoped3A_3, %mul3A_2] : memref<2x320000xi32, #tpu.memory_space<hbm>> -> memref<1x10000xi32, #tpu.memory_space<hbm>>
      %dma_start3A_228 = tpu.memref_squeeze %dma_start3A_227 : memref<1x10000xi32, #tpu.memory_space<hbm>> -> memref<10000xi32, #tpu.memory_space<hbm>>
      tpu.enqueue_dma source(%dma_start3A_228 : memref<10000xi32, #tpu.memory_space<hbm>>) target(%arg6 : memref<10000xi32, #tpu.memory_space<vmem>>) target_semaphore(%run_scoped3A_224 : memref<!tpu.dma_semaphore, #tpu.memory_space<semaphore_mem>>)
      %dma_wait3A_229 = tpu.memref_slice %arg3[%run_scoped3A_3, %mul3A_2] : memref<2x320000xi32, #tpu.memory_space<hbm>> -> memref<1x10000xi32, #tpu.memory_space<hbm>>
      %dma_wait3A_230 = tpu.memref_squeeze %dma_wait3A_229 : memref<1x10000xi32, #tpu.memory_space<hbm>> -> memref<10000xi32, #tpu.memory_space<hbm>>
      %dma_wait3A_231 = tpu.memref_slice %arg3[%run_scoped3A_3, %mul3A_2] : memref<2x320000xi32, #tpu.memory_space<hbm>> -> memref<1x10000xi32, #tpu.memory_space<hbm>>
      %dma_wait3A_232 = tpu.memref_squeeze %dma_wait3A_231 : memref<1x10000xi32, #tpu.memory_space<hbm>> -> memref<10000xi32, #tpu.memory_space<hbm>>
      tpu.wait_dma2 semaphore(%run_scoped3A_224 : memref<!tpu.dma_semaphore, #tpu.memory_space<semaphore_mem>>) src(%dma_wait3A_232 : memref<10000xi32, #tpu.memory_space<hbm>>) dst(%arg6 : memref<10000xi32, #tpu.memory_space<vmem>>)
      tpu.yield
    }) : () -> ()
    %iota3A = tpu.iota {dimensions = array<i32: 0>} : vector<16xi32>
    %mul3A_4 = arith.constant 64 : i32
    %mul3A_5 = vector.broadcast %mul3A_4 : i32 to vector<16xi32>
    %mul3A_6 = arith.muli %iota3A, %mul3A_5 : vector<16xi32>
    %broadcast_in_dim3A = arith.constant 0 : i32
    %broadcast_in_dim3A_7 = vector.broadcast %broadcast_in_dim3A : i32 to vector<16xi32>
    %add3A_8 = arith.constant 0 : i32
    %add3A_9 = vector.broadcast %add3A_8 : i32 to vector<16xi32>
    %add3A_10 = arith.addi %iota3A, %add3A_9 : vector<16xi32>
    %and3A = arith.constant 15 : i32
    %and3A_11 = vector.broadcast %and3A : i32 to vector<16xi32>
    %and3A_12 = arith.andi %add3A_10, %and3A_11 : vector<16xi32>
    %add3A_13 = arith.constant 1 : i32
    %add3A_14 = vector.broadcast %add3A_13 : i32 to vector<16xi32>
    %add3A_15 = arith.addi %iota3A, %add3A_14 : vector<16xi32>
    %and3A_16 = arith.constant 15 : i32
    %and3A_17 = vector.broadcast %and3A_16 : i32 to vector<16xi32>
    %and3A_18 = arith.andi %add3A_15, %and3A_17 : vector<16xi32>
    %add3A_19 = arith.constant 2 : i32
    %add3A_20 = vector.broadcast %add3A_19 : i32 to vector<16xi32>
    %add3A_21 = arith.addi %iota3A, %add3A_20 : vector<16xi32>
    %and3A_22 = arith.constant 15 : i32
    %and3A_23 = vector.broadcast %and3A_22 : i32 to vector<16xi32>
    %and3A_24 = arith.andi %add3A_21, %and3A_23 : vector<16xi32>
    %add3A_25 = arith.constant 3 : i32
    %add3A_26 = vector.broadcast %add3A_25 : i32 to vector<16xi32>
    %add3A_27 = arith.addi %iota3A, %add3A_26 : vector<16xi32>
    %and3A_28 = arith.constant 15 : i32
    %and3A_29 = vector.broadcast %and3A_28 : i32 to vector<16xi32>
    %and3A_30 = arith.andi %add3A_27, %and3A_29 : vector<16xi32>
    %add3A_31 = arith.constant 4 : i32
    %add3A_32 = vector.broadcast %add3A_31 : i32 to vector<16xi32>
    %add3A_33 = arith.addi %iota3A, %add3A_32 : vector<16xi32>
    %and3A_34 = arith.constant 15 : i32
    %and3A_35 = vector.broadcast %and3A_34 : i32 to vector<16xi32>
    %and3A_36 = arith.andi %add3A_33, %and3A_35 : vector<16xi32>
    %add3A_37 = arith.constant 5 : i32
    %add3A_38 = vector.broadcast %add3A_37 : i32 to vector<16xi32>
    %add3A_39 = arith.addi %iota3A, %add3A_38 : vector<16xi32>
    %and3A_40 = arith.constant 15 : i32
    %and3A_41 = vector.broadcast %and3A_40 : i32 to vector<16xi32>
    %and3A_42 = arith.andi %add3A_39, %and3A_41 : vector<16xi32>
    %add3A_43 = arith.constant 6 : i32
    %add3A_44 = vector.broadcast %add3A_43 : i32 to vector<16xi32>
    %add3A_45 = arith.addi %iota3A, %add3A_44 : vector<16xi32>
    %and3A_46 = arith.constant 15 : i32
    %and3A_47 = vector.broadcast %and3A_46 : i32 to vector<16xi32>
    %and3A_48 = arith.andi %add3A_45, %and3A_47 : vector<16xi32>
    %add3A_49 = arith.constant 7 : i32
    %add3A_50 = vector.broadcast %add3A_49 : i32 to vector<16xi32>
    %add3A_51 = arith.addi %iota3A, %add3A_50 : vector<16xi32>
    %and3A_52 = arith.constant 15 : i32
    %and3A_53 = vector.broadcast %and3A_52 : i32 to vector<16xi32>
    %and3A_54 = arith.andi %add3A_51, %and3A_53 : vector<16xi32>
    %add3A_55 = arith.constant 8 : i32
    %add3A_56 = vector.broadcast %add3A_55 : i32 to vector<16xi32>
    %add3A_57 = arith.addi %iota3A, %add3A_56 : vector<16xi32>
    %and3A_58 = arith.constant 15 : i32
    %and3A_59 = vector.broadcast %and3A_58 : i32 to vector<16xi32>
    %and3A_60 = arith.andi %add3A_57, %and3A_59 : vector<16xi32>
    %add3A_61 = arith.constant 9 : i32
    %add3A_62 = vector.broadcast %add3A_61 : i32 to vector<16xi32>
    %add3A_63 = arith.addi %iota3A, %add3A_62 : vector<16xi32>
    %and3A_64 = arith.constant 15 : i32
    %and3A_65 = vector.broadcast %and3A_64 : i32 to vector<16xi32>
    %and3A_66 = arith.andi %add3A_63, %and3A_65 : vector<16xi32>
    %add3A_67 = arith.constant 10 : i32
    %add3A_68 = vector.broadcast %add3A_67 : i32 to vector<16xi32>
    %add3A_69 = arith.addi %iota3A, %add3A_68 : vector<16xi32>
    %and3A_70 = arith.constant 15 : i32
    %and3A_71 = vector.broadcast %and3A_70 : i32 to vector<16xi32>
    %and3A_72 = arith.andi %add3A_69, %and3A_71 : vector<16xi32>
    %add3A_73 = arith.constant 11 : i32
    %add3A_74 = vector.broadcast %add3A_73 : i32 to vector<16xi32>
    %add3A_75 = arith.addi %iota3A, %add3A_74 : vector<16xi32>
    %and3A_76 = arith.constant 15 : i32
    %and3A_77 = vector.broadcast %and3A_76 : i32 to vector<16xi32>
    %and3A_78 = arith.andi %add3A_75, %and3A_77 : vector<16xi32>
    %add3A_79 = arith.constant 12 : i32
    %add3A_80 = vector.broadcast %add3A_79 : i32 to vector<16xi32>
    %add3A_81 = arith.addi %iota3A, %add3A_80 : vector<16xi32>
    %and3A_82 = arith.constant 15 : i32
    %and3A_83 = vector.broadcast %and3A_82 : i32 to vector<16xi32>
    %and3A_84 = arith.andi %add3A_81, %and3A_83 : vector<16xi32>
    %add3A_85 = arith.constant 13 : i32
    %add3A_86 = vector.broadcast %add3A_85 : i32 to vector<16xi32>
    %add3A_87 = arith.addi %iota3A, %add3A_86 : vector<16xi32>
    %and3A_88 = arith.constant 15 : i32
    %and3A_89 = vector.broadcast %and3A_88 : i32 to vector<16xi32>
    %and3A_90 = arith.andi %add3A_87, %and3A_89 : vector<16xi32>
    %add3A_91 = arith.constant 14 : i32
    %add3A_92 = vector.broadcast %add3A_91 : i32 to vector<16xi32>
    %add3A_93 = arith.addi %iota3A, %add3A_92 : vector<16xi32>
    %and3A_94 = arith.constant 15 : i32
    %and3A_95 = vector.broadcast %and3A_94 : i32 to vector<16xi32>
    %and3A_96 = arith.andi %add3A_93, %and3A_95 : vector<16xi32>
    %add3A_97 = arith.constant 15 : i32
    %add3A_98 = vector.broadcast %add3A_97 : i32 to vector<16xi32>
    %add3A_99 = arith.addi %iota3A, %add3A_98 : vector<16xi32>
    %and3A_100 = arith.constant 15 : i32
    %and3A_101 = vector.broadcast %and3A_100 : i32 to vector<16xi32>
    %and3A_102 = arith.andi %add3A_99, %and3A_101 : vector<16xi32>
    %dma_start3A = arith.constant 0 : i32
    %dma_start3A_103 = arith.constant 0 : i32
    %dma_start3A_104 = arith.constant 0 : i32
    %dma_start3A_105 = tpu.memref_slice %arg7[%dma_start3A, %dma_start3A_103, %dma_start3A_104] : memref<2x400x64xi32, #tpu.memory_space<vmem>> -> memref<1x400x64xi32, #tpu.memory_space<vmem>>
    %dma_start3A_106 = tpu.memref_squeeze %dma_start3A_105 : memref<1x400x64xi32, #tpu.memory_space<vmem>> -> memref<400x64xi32, #tpu.memory_space<vmem>>
    %dma_start3A_107 = arith.constant 0 : i32
    %dma_start3A_108 = tpu.memref_slice %arg5[%dma_start3A_107] : memref<10000xi32, #tpu.memory_space<vmem>> -> memref<400xi32, #tpu.memory_space<vmem>>
    %dma_start3A_109 = arith.constant 0 : i32
    %dma_start3A_110 = arith.constant 0 : i32
    %dma_start3A_111 = tpu.memref_slice %arg2[%dma_start3A_109, %dma_start3A_110] : memref<10000x64xi32, #tpu.memory_space<hbm>> -> memref<10000x64xi32, #tpu.memory_space<hbm>>
    tpu.enqueue_indirect_dma source(%dma_start3A_111 : memref<10000x64xi32, #tpu.memory_space<hbm>>) target(%dma_start3A_106 : memref<400x64xi32, #tpu.memory_space<vmem>>) offsets(%dma_start3A_108 : memref<400xi32, #tpu.memory_space<vmem>>) semaphore(%arg10 : memref<!tpu.dma_semaphore, #tpu.memory_space<semaphore_mem>>)
    %dma_start3A_112 = arith.constant 0 : i32
    %dma_start3A_113 = arith.constant 0 : i32
    %dma_start3A_114 = arith.constant 0 : i32
    %dma_start3A_115 = tpu.memref_slice %arg8[%dma_start3A_112, %dma_start3A_113, %dma_start3A_114] : memref<2x400x64xi32, #tpu.memory_space<vmem>> -> memref<1x400x64xi32, #tpu.memory_space<vmem>>
    %dma_start3A_116 = tpu.memref_squeeze %dma_start3A_115 : memref<1x400x64xi32, #tpu.memory_space<vmem>> -> memref<400x64xi32, #tpu.memory_space<vmem>>
    %dma_start3A_117 = arith.constant 0 : i32
    %dma_start3A_118 = tpu.memref_slice %arg6[%dma_start3A_117] : memref<10000xi32, #tpu.memory_space<vmem>> -> memref<400xi32, #tpu.memory_space<vmem>>
    %dma_start3A_119 = arith.constant 0 : i32
    %dma_start3A_120 = arith.constant 0 : i32
    %dma_start3A_121 = tpu.memref_slice %arg2[%dma_start3A_119, %dma_start3A_120] : memref<10000x64xi32, #tpu.memory_space<hbm>> -> memref<10000x64xi32, #tpu.memory_space<hbm>>
    tpu.enqueue_indirect_dma source(%dma_start3A_121 : memref<10000x64xi32, #tpu.memory_space<hbm>>) target(%dma_start3A_116 : memref<400x64xi32, #tpu.memory_space<vmem>>) offsets(%dma_start3A_118 : memref<400xi32, #tpu.memory_space<vmem>>) semaphore(%arg11 : memref<!tpu.dma_semaphore, #tpu.memory_space<semaphore_mem>>)
    %dma_start3A_122 = arith.constant 1 : i32
    %dma_start3A_123 = arith.constant 0 : i32
    %dma_start3A_124 = arith.constant 0 : i32
    %dma_start3A_125 = tpu.memref_slice %arg7[%dma_start3A_122, %dma_start3A_123, %dma_start3A_124] : memref<2x400x64xi32, #tpu.memory_space<vmem>> -> memref<1x400x64xi32, #tpu.memory_space<vmem>>
    %dma_start3A_126 = tpu.memref_squeeze %dma_start3A_125 : memref<1x400x64xi32, #tpu.memory_space<vmem>> -> memref<400x64xi32, #tpu.memory_space<vmem>>
    %dma_start3A_127 = arith.constant 400 : i32
    %dma_start3A_128 = tpu.memref_slice %arg5[%dma_start3A_127] : memref<10000xi32, #tpu.memory_space<vmem>> -> memref<400xi32, #tpu.memory_space<vmem>>
    %dma_start3A_129 = arith.constant 0 : i32
    %dma_start3A_130 = arith.constant 0 : i32
    %dma_start3A_131 = tpu.memref_slice %arg2[%dma_start3A_129, %dma_start3A_130] : memref<10000x64xi32, #tpu.memory_space<hbm>> -> memref<10000x64xi32, #tpu.memory_space<hbm>>
    tpu.enqueue_indirect_dma source(%dma_start3A_131 : memref<10000x64xi32, #tpu.memory_space<hbm>>) target(%dma_start3A_126 : memref<400x64xi32, #tpu.memory_space<vmem>>) offsets(%dma_start3A_128 : memref<400xi32, #tpu.memory_space<vmem>>) semaphore(%arg10 : memref<!tpu.dma_semaphore, #tpu.memory_space<semaphore_mem>>)
    %dma_start3A_132 = arith.constant 1 : i32
    %dma_start3A_133 = arith.constant 0 : i32
    %dma_start3A_134 = arith.constant 0 : i32
    %dma_start3A_135 = tpu.memref_slice %arg8[%dma_start3A_132, %dma_start3A_133, %dma_start3A_134] : memref<2x400x64xi32, #tpu.memory_space<vmem>> -> memref<1x400x64xi32, #tpu.memory_space<vmem>>
    %dma_start3A_136 = tpu.memref_squeeze %dma_start3A_135 : memref<1x400x64xi32, #tpu.memory_space<vmem>> -> memref<400x64xi32, #tpu.memory_space<vmem>>
    %dma_start3A_137 = arith.constant 400 : i32
    %dma_start3A_138 = tpu.memref_slice %arg6[%dma_start3A_137] : memref<10000xi32, #tpu.memory_space<vmem>> -> memref<400xi32, #tpu.memory_space<vmem>>
    %dma_start3A_139 = arith.constant 0 : i32
    %dma_start3A_140 = arith.constant 0 : i32
    %dma_start3A_141 = tpu.memref_slice %arg2[%dma_start3A_139, %dma_start3A_140] : memref<10000x64xi32, #tpu.memory_space<hbm>> -> memref<10000x64xi32, #tpu.memory_space<hbm>>
    tpu.enqueue_indirect_dma source(%dma_start3A_141 : memref<10000x64xi32, #tpu.memory_space<hbm>>) target(%dma_start3A_136 : memref<400x64xi32, #tpu.memory_space<vmem>>) offsets(%dma_start3A_138 : memref<400xi32, #tpu.memory_space<vmem>>) semaphore(%arg11 : memref<!tpu.dma_semaphore, #tpu.memory_space<semaphore_mem>>)
    %scan3A = arith.constant 0 : i32
    %scan3A_142 = arith.constant 0 : i32
    %scan3A_143 = arith.constant 12 : i32
    %scan3A_144 = arith.addi %scan3A_142, %scan3A_143 : i32
    %scan3A_145 = arith.constant 1 : i32
    scf.for %scan3A_224 = %scan3A_142 to %scan3A_144 step %scan3A_145  : i32 {
      %mul3A_225 = arith.constant 2 : i32
      %mul3A_226 = arith.muli %mul3A_225, %scan3A_224 : i32
      %mul3A_227 = arith.constant 400 : i32
      %mul3A_228 = arith.muli %mul3A_226, %mul3A_227 : i32
      %dma_wait3A_229 = arith.constant 0 : i32
      %dma_wait3A_230 = arith.constant 0 : i32
      %dma_wait3A_231 = arith.constant 0 : i32
      %dma_wait3A_232 = tpu.memref_slice %arg7[%dma_wait3A_229, %dma_wait3A_230, %dma_wait3A_231] : memref<2x400x64xi32, #tpu.memory_space<vmem>> -> memref<1x400x64xi32, #tpu.memory_space<vmem>>
      %dma_wait3A_233 = tpu.memref_squeeze %dma_wait3A_232 : memref<1x400x64xi32, #tpu.memory_space<vmem>> -> memref<400x64xi32, #tpu.memory_space<vmem>>
      %dma_wait3A_234 = tpu.memref_slice %arg5[%mul3A_228] : memref<10000xi32, #tpu.memory_space<vmem>> -> memref<400xi32, #tpu.memory_space<vmem>>
      %dma_wait3A_235 = arith.constant 0 : i32
      %dma_wait3A_236 = arith.constant 0 : i32
      %dma_wait3A_237 = tpu.memref_slice %arg2[%dma_wait3A_235, %dma_wait3A_236] : memref<10000x64xi32, #tpu.memory_space<hbm>> -> memref<10000x64xi32, #tpu.memory_space<hbm>>
      tpu.wait_indirect_dma semaphore(%arg10 : memref<!tpu.dma_semaphore, #tpu.memory_space<semaphore_mem>>) src(%dma_wait3A_237 : memref<10000x64xi32, #tpu.memory_space<hbm>>) dst(%dma_wait3A_233 : memref<400x64xi32, #tpu.memory_space<vmem>>)
      %dma_wait3A_238 = arith.constant 0 : i32
      %dma_wait3A_239 = arith.constant 0 : i32
      %dma_wait3A_240 = arith.constant 0 : i32
      %dma_wait3A_241 = tpu.memref_slice %arg8[%dma_wait3A_238, %dma_wait3A_239, %dma_wait3A_240] : memref<2x400x64xi32, #tpu.memory_space<vmem>> -> memref<1x400x64xi32, #tpu.memory_space<vmem>>
      %dma_wait3A_242 = tpu.memref_squeeze %dma_wait3A_241 : memref<1x400x64xi32, #tpu.memory_space<vmem>> -> memref<400x64xi32, #tpu.memory_space<vmem>>
      %dma_wait3A_243 = tpu.memref_slice %arg6[%mul3A_228] : memref<10000xi32, #tpu.memory_space<vmem>> -> memref<400xi32, #tpu.memory_space<vmem>>
      %dma_wait3A_244 = arith.constant 0 : i32
      %dma_wait3A_245 = arith.constant 0 : i32
      %dma_wait3A_246 = tpu.memref_slice %arg2[%dma_wait3A_244, %dma_wait3A_245] : memref<10000x64xi32, #tpu.memory_space<hbm>> -> memref<10000x64xi32, #tpu.memory_space<hbm>>
      tpu.wait_indirect_dma semaphore(%arg11 : memref<!tpu.dma_semaphore, #tpu.memory_space<semaphore_mem>>) src(%dma_wait3A_246 : memref<10000x64xi32, #tpu.memory_space<hbm>>) dst(%dma_wait3A_242 : memref<400x64xi32, #tpu.memory_space<vmem>>)
      %gt3A = arith.constant 0 : i32
      %gt3A_247 = arith.cmpi sgt, %scan3A_224, %gt3A : i32
      %convert_element_type3A = arith.extui %gt3A_247 : i1 to i32
      %cond3A = arith.constant 0 : i32
      %cond3A_248 = arith.cmpi ne, %convert_element_type3A, %cond3A : i32
      scf.if %cond3A_248 {
        %sub3A = arith.constant 2 : i32
        %sub3A_358 = arith.subi %mul3A_226, %sub3A : i32
        %mul3A_359 = arith.constant 400 : i32
        %mul3A_360 = arith.muli %sub3A_358, %mul3A_359 : i32
        %add3A_361 = arith.addi %mul3A_2, %mul3A_360 : i32
        %dma_wait3A_362 = arith.constant 0 : i32
        %dma_wait3A_363 = arith.constant 0 : i32
        %dma_wait3A_364 = tpu.memref_slice %arg9[%dma_wait3A_362, %dma_wait3A_363] : memref<2x400xf32, #tpu.memory_space<vmem>> -> memref<1x400xf32, #tpu.memory_space<vmem>>
        %dma_wait3A_365 = tpu.memref_squeeze %dma_wait3A_364 : memref<1x400xf32, #tpu.memory_space<vmem>> -> memref<400xf32, #tpu.memory_space<vmem>>
        %dma_wait3A_366 = tpu.memref_slice %arg4[%add3A_361] : memref<320000xf32, #tpu.memory_space<hbm>> -> memref<400xf32, #tpu.memory_space<hbm>>
        %dma_wait3A_367 = tpu.memref_slice %arg4[%add3A_361] : memref<320000xf32, #tpu.memory_space<hbm>> -> memref<400xf32, #tpu.memory_space<hbm>>
        %dma_wait3A_368 = arith.constant 0 : i32
        %dma_wait3A_369 = tpu.memref_slice %arg9[%dma_wait3A_362, %dma_wait3A_368] : memref<2x400xf32, #tpu.memory_space<vmem>> -> memref<1x400xf32, #tpu.memory_space<vmem>>
        %dma_wait3A_370 = tpu.memref_squeeze %dma_wait3A_369 : memref<1x400xf32, #tpu.memory_space<vmem>> -> memref<400xf32, #tpu.memory_space<vmem>>
        tpu.wait_dma2 semaphore(%arg12 : memref<!tpu.dma_semaphore, #tpu.memory_space<semaphore_mem>>) src(%dma_wait3A_370 : memref<400xf32, #tpu.memory_space<vmem>>) dst(%dma_wait3A_367 : memref<400xf32, #tpu.memory_space<hbm>>)
      } else {
      }
      %scan3A_249 = arith.constant 0 : i32
      %scan3A_250 = arith.constant 0 : i32
      %scan3A_251 = arith.constant 0 : i32
      %scan3A_252 = arith.constant 0 : i32
      %scan3A_253 = arith.constant 25 : i32
      %scan3A_254 = arith.addi %scan3A_252, %scan3A_253 : i32
      %scan3A_255 = arith.constant 1 : i32
      scf.for %scan3A_358 = %scan3A_252 to %scan3A_254 step %scan3A_255  : i32 {
        %mul3A_359 = arith.constant 1024 : i32
        %mul3A_360 = arith.muli %scan3A_358, %mul3A_359 : i32
        %add3A_361 = vector.broadcast %mul3A_360 : i32 to vector<16xi32>
        %add3A_362 = arith.addi %add3A_361, %mul3A_6 : vector<16xi32>
        %broadcast_in_dim3A_363 = arith.constant 0.000000e+00 : f32
        %broadcast_in_dim3A_364 = vector.broadcast %broadcast_in_dim3A_363 : f32 to vector<16xf32>
        %scan3A_365 = arith.constant 0 : i32
        %scan3A_366 = arith.constant 4 : i32
        %scan3A_367 = arith.addi %scan3A_365, %scan3A_366 : i32
        %scan3A_368 = arith.constant 1 : i32
        %scan3A_369:4 = scf.for %scan3A_379 = %scan3A_365 to %scan3A_367 step %scan3A_368 iter_args(%scan3A_380 = %broadcast_in_dim3A_364, %scan3A_381 = %broadcast_in_dim3A_364, %scan3A_382 = %broadcast_in_dim3A_364, %scan3A_383 = %broadcast_in_dim3A_364) -> (vector<16xf32>, vector<16xf32>, vector<16xf32>, vector<16xf32>)  : i32 {
          %mul3A_384 = arith.constant 16 : i32
          %mul3A_385 = arith.muli %scan3A_379, %mul3A_384 : i32
          %add3A_386 = vector.broadcast %mul3A_385 : i32 to vector<16xi32>
          %add3A_387 = arith.addi %add3A_362, %add3A_386 : vector<16xi32>
          %add3A_388 = arith.addi %add3A_387, %and3A_12 : vector<16xi32>
          %gather3A = arith.constant 0 : i32
          %gather3A_389 = arith.constant 0 : i32
          %gather3A_390 = tpu.memref_slice %arg7[%scan3A_250, %gather3A, %gather3A_389] : memref<2x400x64xi32, #tpu.memory_space<vmem>> -> memref<1x400x64xi32, #tpu.memory_space<vmem>>
          %gather3A_391 = tpu.memref_squeeze %gather3A_390 : memref<1x400x64xi32, #tpu.memory_space<vmem>> -> memref<400x64xi32, #tpu.memory_space<vmem>>
          %gather3A_392 = tpu.vector_load_idx %gather3A_391[%broadcast_in_dim3A_7, %add3A_388] : memref<400x64xi32, #tpu.memory_space<vmem>>[vector<16xi32>, vector<16xi32>], vector<16xi32>,
          %gather3A_393 = arith.constant 0 : i32
          %gather3A_394 = arith.constant 0 : i32
          %gather3A_395 = tpu.memref_slice %arg8[%scan3A_251, %gather3A_393, %gather3A_394] : memref<2x400x64xi32, #tpu.memory_space<vmem>> -> memref<1x400x64xi32, #tpu.memory_space<vmem>>
          %gather3A_396 = tpu.memref_squeeze %gather3A_395 : memref<1x400x64xi32, #tpu.memory_space<vmem>> -> memref<400x64xi32, #tpu.memory_space<vmem>>
          %gather3A_397 = tpu.vector_load_idx %gather3A_396[%broadcast_in_dim3A_7, %add3A_388] : memref<400x64xi32, #tpu.memory_space<vmem>>[vector<16xi32>, vector<16xi32>], vector<16xi32>,
          %bitcast3A = vector.bitcast %gather3A_392 : vector<16xi32> to vector<32xbf16>
          %bitcast3A_398 = vector.bitcast %gather3A_397 : vector<16xi32> to vector<32xbf16>
          %mul3A_399 = arith.mulf %bitcast3A, %bitcast3A_398 : vector<32xbf16>
          %unpack3A = tpu.unpack_subelements %mul3A_399, 0 {pack_format = #tpu.pack_format<interleaved>} : vector<32xbf16> -> vector<16xf32>
          %unpack3A_400 = tpu.unpack_subelements %mul3A_399, 1 {pack_format = #tpu.pack_format<interleaved>} : vector<32xbf16> -> vector<16xf32>
          %add3A_401 = arith.addf %scan3A_380, %unpack3A : vector<16xf32>
          %add3A_402 = arith.addf %scan3A_381, %unpack3A_400 : vector<16xf32>
          %add3A_403 = arith.addi %add3A_387, %and3A_18 : vector<16xi32>
          %gather3A_404 = arith.constant 0 : i32
          %gather3A_405 = arith.constant 0 : i32
          %gather3A_406 = tpu.memref_slice %arg7[%scan3A_250, %gather3A_404, %gather3A_405] : memref<2x400x64xi32, #tpu.memory_space<vmem>> -> memref<1x400x64xi32, #tpu.memory_space<vmem>>
          %gather3A_407 = tpu.memref_squeeze %gather3A_406 : memref<1x400x64xi32, #tpu.memory_space<vmem>> -> memref<400x64xi32, #tpu.memory_space<vmem>>
          %gather3A_408 = tpu.vector_load_idx %gather3A_407[%broadcast_in_dim3A_7, %add3A_403] : memref<400x64xi32, #tpu.memory_space<vmem>>[vector<16xi32>, vector<16xi32>], vector<16xi32>,
          %gather3A_409 = arith.constant 0 : i32
          %gather3A_410 = arith.constant 0 : i32
          %gather3A_411 = tpu.memref_slice %arg8[%scan3A_251, %gather3A_409, %gather3A_410] : memref<2x400x64xi32, #tpu.memory_space<vmem>> -> memref<1x400x64xi32, #tpu.memory_space<vmem>>
          %gather3A_412 = tpu.memref_squeeze %gather3A_411 : memref<1x400x64xi32, #tpu.memory_space<vmem>> -> memref<400x64xi32, #tpu.memory_space<vmem>>
          %gather3A_413 = tpu.vector_load_idx %gather3A_412[%broadcast_in_dim3A_7, %add3A_403] : memref<400x64xi32, #tpu.memory_space<vmem>>[vector<16xi32>, vector<16xi32>], vector<16xi32>,
          %bitcast3A_414 = vector.bitcast %gather3A_408 : vector<16xi32> to vector<32xbf16>
          %bitcast3A_415 = vector.bitcast %gather3A_413 : vector<16xi32> to vector<32xbf16>
          %mul3A_416 = arith.mulf %bitcast3A_414, %bitcast3A_415 : vector<32xbf16>
          %unpack3A_417 = tpu.unpack_subelements %mul3A_416, 0 {pack_format = #tpu.pack_format<interleaved>} : vector<32xbf16> -> vector<16xf32>
          %unpack3A_418 = tpu.unpack_subelements %mul3A_416, 1 {pack_format = #tpu.pack_format<interleaved>} : vector<32xbf16> -> vector<16xf32>
          %add3A_419 = arith.addf %scan3A_382, %unpack3A_417 : vector<16xf32>
          %add3A_420 = arith.addf %scan3A_383, %unpack3A_418 : vector<16xf32>
          %add3A_421 = arith.addi %add3A_387, %and3A_24 : vector<16xi32>
          %gather3A_422 = arith.constant 0 : i32
          %gather3A_423 = arith.constant 0 : i32
          %gather3A_424 = tpu.memref_slice %arg7[%scan3A_250, %gather3A_422, %gather3A_423] : memref<2x400x64xi32, #tpu.memory_space<vmem>> -> memref<1x400x64xi32, #tpu.memory_space<vmem>>
          %gather3A_425 = tpu.memref_squeeze %gather3A_424 : memref<1x400x64xi32, #tpu.memory_space<vmem>> -> memref<400x64xi32, #tpu.memory_space<vmem>>
          %gather3A_426 = tpu.vector_load_idx %gather3A_425[%broadcast_in_dim3A_7, %add3A_421] : memref<400x64xi32, #tpu.memory_space<vmem>>[vector<16xi32>, vector<16xi32>], vector<16xi32>,
          %gather3A_427 = arith.constant 0 : i32
          %gather3A_428 = arith.constant 0 : i32
          %gather3A_429 = tpu.memref_slice %arg8[%scan3A_251, %gather3A_427, %gather3A_428] : memref<2x400x64xi32, #tpu.memory_space<vmem>> -> memref<1x400x64xi32, #tpu.memory_space<vmem>>
          %gather3A_430 = tpu.memref_squeeze %gather3A_429 : memref<1x400x64xi32, #tpu.memory_space<vmem>> -> memref<400x64xi32, #tpu.memory_space<vmem>>
          %gather3A_431 = tpu.vector_load_idx %gather3A_430[%broadcast_in_dim3A_7, %add3A_421] : memref<400x64xi32, #tpu.memory_space<vmem>>[vector<16xi32>, vector<16xi32>], vector<16xi32>,
          %bitcast3A_432 = vector.bitcast %gather3A_426 : vector<16xi32> to vector<32xbf16>
          %bitcast3A_433 = vector.bitcast %gather3A_431 : vector<16xi32> to vector<32xbf16>
          %mul3A_434 = arith.mulf %bitcast3A_432, %bitcast3A_433 : vector<32xbf16>
          %unpack3A_435 = tpu.unpack_subelements %mul3A_434, 0 {pack_format = #tpu.pack_format<interleaved>} : vector<32xbf16> -> vector<16xf32>
          %unpack3A_436 = tpu.unpack_subelements %mul3A_434, 1 {pack_format = #tpu.pack_format<interleaved>} : vector<32xbf16> -> vector<16xf32>
          %add3A_437 = arith.addf %add3A_401, %unpack3A_435 : vector<16xf32>
          %add3A_438 = arith.addf %add3A_402, %unpack3A_436 : vector<16xf32>
          %add3A_439 = arith.addi %add3A_387, %and3A_30 : vector<16xi32>
          %gather3A_440 = arith.constant 0 : i32
          %gather3A_441 = arith.constant 0 : i32
          %gather3A_442 = tpu.memref_slice %arg7[%scan3A_250, %gather3A_440, %gather3A_441] : memref<2x400x64xi32, #tpu.memory_space<vmem>> -> memref<1x400x64xi32, #tpu.memory_space<vmem>>
          %gather3A_443 = tpu.memref_squeeze %gather3A_442 : memref<1x400x64xi32, #tpu.memory_space<vmem>> -> memref<400x64xi32, #tpu.memory_space<vmem>>
          %gather3A_444 = tpu.vector_load_idx %gather3A_443[%broadcast_in_dim3A_7, %add3A_439] : memref<400x64xi32, #tpu.memory_space<vmem>>[vector<16xi32>, vector<16xi32>], vector<16xi32>,
          %gather3A_445 = arith.constant 0 : i32
          %gather3A_446 = arith.constant 0 : i32
          %gather3A_447 = tpu.memref_slice %arg8[%scan3A_251, %gather3A_445, %gather3A_446] : memref<2x400x64xi32, #tpu.memory_space<vmem>> -> memref<1x400x64xi32, #tpu.memory_space<vmem>>
          %gather3A_448 = tpu.memref_squeeze %gather3A_447 : memref<1x400x64xi32, #tpu.memory_space<vmem>> -> memref<400x64xi32, #tpu.memory_space<vmem>>
          %gather3A_449 = tpu.vector_load_idx %gather3A_448[%broadcast_in_dim3A_7, %add3A_439] : memref<400x64xi32, #tpu.memory_space<vmem>>[vector<16xi32>, vector<16xi32>], vector<16xi32>,
          %bitcast3A_450 = vector.bitcast %gather3A_444 : vector<16xi32> to vector<32xbf16>
          %bitcast3A_451 = vector.bitcast %gather3A_449 : vector<16xi32> to vector<32xbf16>
          %mul3A_452 = arith.mulf %bitcast3A_450, %bitcast3A_451 : vector<32xbf16>
          %unpack3A_453 = tpu.unpack_subelements %mul3A_452, 0 {pack_format = #tpu.pack_format<interleaved>} : vector<32xbf16> -> vector<16xf32>
          %unpack3A_454 = tpu.unpack_subelements %mul3A_452, 1 {pack_format = #tpu.pack_format<interleaved>} : vector<32xbf16> -> vector<16xf32>
          %add3A_455 = arith.addf %add3A_419, %unpack3A_453 : vector<16xf32>
          %add3A_456 = arith.addf %add3A_420, %unpack3A_454 : vector<16xf32>
          %add3A_457 = arith.addi %add3A_387, %and3A_36 : vector<16xi32>
          %gather3A_458 = arith.constant 0 : i32
          %gather3A_459 = arith.constant 0 : i32
          %gather3A_460 = tpu.memref_slice %arg7[%scan3A_250, %gather3A_458, %gather3A_459] : memref<2x400x64xi32, #tpu.memory_space<vmem>> -> memref<1x400x64xi32, #tpu.memory_space<vmem>>
          %gather3A_461 = tpu.memref_squeeze %gather3A_460 : memref<1x400x64xi32, #tpu.memory_space<vmem>> -> memref<400x64xi32, #tpu.memory_space<vmem>>
          %gather3A_462 = tpu.vector_load_idx %gather3A_461[%broadcast_in_dim3A_7, %add3A_457] : memref<400x64xi32, #tpu.memory_space<vmem>>[vector<16xi32>, vector<16xi32>], vector<16xi32>,
          %gather3A_463 = arith.constant 0 : i32
          %gather3A_464 = arith.constant 0 : i32
          %gather3A_465 = tpu.memref_slice %arg8[%scan3A_251, %gather3A_463, %gather3A_464] : memref<2x400x64xi32, #tpu.memory_space<vmem>> -> memref<1x400x64xi32, #tpu.memory_space<vmem>>
          %gather3A_466 = tpu.memref_squeeze %gather3A_465 : memref<1x400x64xi32, #tpu.memory_space<vmem>> -> memref<400x64xi32, #tpu.memory_space<vmem>>
          %gather3A_467 = tpu.vector_load_idx %gather3A_466[%broadcast_in_dim3A_7, %add3A_457] : memref<400x64xi32, #tpu.memory_space<vmem>>[vector<16xi32>, vector<16xi32>], vector<16xi32>,
          %bitcast3A_468 = vector.bitcast %gather3A_462 : vector<16xi32> to vector<32xbf16>
          %bitcast3A_469 = vector.bitcast %gather3A_467 : vector<16xi32> to vector<32xbf16>
          %mul3A_470 = arith.mulf %bitcast3A_468, %bitcast3A_469 : vector<32xbf16>
          %unpack3A_471 = tpu.unpack_subelements %mul3A_470, 0 {pack_format = #tpu.pack_format<interleaved>} : vector<32xbf16> -> vector<16xf32>
          %unpack3A_472 = tpu.unpack_subelements %mul3A_470, 1 {pack_format = #tpu.pack_format<interleaved>} : vector<32xbf16> -> vector<16xf32>
          %add3A_473 = arith.addf %add3A_437, %unpack3A_471 : vector<16xf32>
          %add3A_474 = arith.addf %add3A_438, %unpack3A_472 : vector<16xf32>
          %add3A_475 = arith.addi %add3A_387, %and3A_42 : vector<16xi32>
          %gather3A_476 = arith.constant 0 : i32
          %gather3A_477 = arith.constant 0 : i32
          %gather3A_478 = tpu.memref_slice %arg7[%scan3A_250, %gather3A_476, %gather3A_477] : memref<2x400x64xi32, #tpu.memory_space<vmem>> -> memref<1x400x64xi32, #tpu.memory_space<vmem>>
          %gather3A_479 = tpu.memref_squeeze %gather3A_478 : memref<1x400x64xi32, #tpu.memory_space<vmem>> -> memref<400x64xi32, #tpu.memory_space<vmem>>
          %gather3A_480 = tpu.vector_load_idx %gather3A_479[%broadcast_in_dim3A_7, %add3A_475] : memref<400x64xi32, #tpu.memory_space<vmem>>[vector<16xi32>, vector<16xi32>], vector<16xi32>,
          %gather3A_481 = arith.constant 0 : i32
          %gather3A_482 = arith.constant 0 : i32
          %gather3A_483 = tpu.memref_slice %arg8[%scan3A_251, %gather3A_481, %gather3A_482] : memref<2x400x64xi32, #tpu.memory_space<vmem>> -> memref<1x400x64xi32, #tpu.memory_space<vmem>>
          %gather3A_484 = tpu.memref_squeeze %gather3A_483 : memref<1x400x64xi32, #tpu.memory_space<vmem>> -> memref<400x64xi32, #tpu.memory_space<vmem>>
          %gather3A_485 = tpu.vector_load_idx %gather3A_484[%broadcast_in_dim3A_7, %add3A_475] : memref<400x64xi32, #tpu.memory_space<vmem>>[vector<16xi32>, vector<16xi32>], vector<16xi32>,
          %bitcast3A_486 = vector.bitcast %gather3A_480 : vector<16xi32> to vector<32xbf16>
          %bitcast3A_487 = vector.bitcast %gather3A_485 : vector<16xi32> to vector<32xbf16>
          %mul3A_488 = arith.mulf %bitcast3A_486, %bitcast3A_487 : vector<32xbf16>
          %unpack3A_489 = tpu.unpack_subelements %mul3A_488, 0 {pack_format = #tpu.pack_format<interleaved>} : vector<32xbf16> -> vector<16xf32>
          %unpack3A_490 = tpu.unpack_subelements %mul3A_488, 1 {pack_format = #tpu.pack_format<interleaved>} : vector<32xbf16> -> vector<16xf32>
          %add3A_491 = arith.addf %add3A_455, %unpack3A_489 : vector<16xf32>
          %add3A_492 = arith.addf %add3A_456, %unpack3A_490 : vector<16xf32>
          %add3A_493 = arith.addi %add3A_387, %and3A_48 : vector<16xi32>
          %gather3A_494 = arith.constant 0 : i32
          %gather3A_495 = arith.constant 0 : i32
          %gather3A_496 = tpu.memref_slice %arg7[%scan3A_250, %gather3A_494, %gather3A_495] : memref<2x400x64xi32, #tpu.memory_space<vmem>> -> memref<1x400x64xi32, #tpu.memory_space<vmem>>
          %gather3A_497 = tpu.memref_squeeze %gather3A_496 : memref<1x400x64xi32, #tpu.memory_space<vmem>> -> memref<400x64xi32, #tpu.memory_space<vmem>>
          %gather3A_498 = tpu.vector_load_idx %gather3A_497[%broadcast_in_dim3A_7, %add3A_493] : memref<400x64xi32, #tpu.memory_space<vmem>>[vector<16xi32>, vector<16xi32>], vector<16xi32>,
          %gather3A_499 = arith.constant 0 : i32
          %gather3A_500 = arith.constant 0 : i32
          %gather3A_501 = tpu.memref_slice %arg8[%scan3A_251, %gather3A_499, %gather3A_500] : memref<2x400x64xi32, #tpu.memory_space<vmem>> -> memref<1x400x64xi32, #tpu.memory_space<vmem>>
          %gather3A_502 = tpu.memref_squeeze %gather3A_501 : memref<1x400x64xi32, #tpu.memory_space<vmem>> -> memref<400x64xi32, #tpu.memory_space<vmem>>
          %gather3A_503 = tpu.vector_load_idx %gather3A_502[%broadcast_in_dim3A_7, %add3A_493] : memref<400x64xi32, #tpu.memory_space<vmem>>[vector<16xi32>, vector<16xi32>], vector<16xi32>,
          %bitcast3A_504 = vector.bitcast %gather3A_498 : vector<16xi32> to vector<32xbf16>
          %bitcast3A_505 = vector.bitcast %gather3A_503 : vector<16xi32> to vector<32xbf16>
          %mul3A_506 = arith.mulf %bitcast3A_504, %bitcast3A_505 : vector<32xbf16>
          %unpack3A_507 = tpu.unpack_subelements %mul3A_506, 0 {pack_format = #tpu.pack_format<interleaved>} : vector<32xbf16> -> vector<16xf32>
          %unpack3A_508 = tpu.unpack_subelements %mul3A_506, 1 {pack_format = #tpu.pack_format<interleaved>} : vector<32xbf16> -> vector<16xf32>
          %add3A_509 = arith.addf %add3A_473, %unpack3A_507 : vector<16xf32>
          %add3A_510 = arith.addf %add3A_474, %unpack3A_508 : vector<16xf32>
          %add3A_511 = arith.addi %add3A_387, %and3A_54 : vector<16xi32>
          %gather3A_512 = arith.constant 0 : i32
          %gather3A_513 = arith.constant 0 : i32
          %gather3A_514 = tpu.memref_slice %arg7[%scan3A_250, %gather3A_512, %gather3A_513] : memref<2x400x64xi32, #tpu.memory_space<vmem>> -> memref<1x400x64xi32, #tpu.memory_space<vmem>>
          %gather3A_515 = tpu.memref_squeeze %gather3A_514 : memref<1x400x64xi32, #tpu.memory_space<vmem>> -> memref<400x64xi32, #tpu.memory_space<vmem>>
          %gather3A_516 = tpu.vector_load_idx %gather3A_515[%broadcast_in_dim3A_7, %add3A_511] : memref<400x64xi32, #tpu.memory_space<vmem>>[vector<16xi32>, vector<16xi32>], vector<16xi32>,
          %gather3A_517 = arith.constant 0 : i32
          %gather3A_518 = arith.constant 0 : i32
          %gather3A_519 = tpu.memref_slice %arg8[%scan3A_251, %gather3A_517, %gather3A_518] : memref<2x400x64xi32, #tpu.memory_space<vmem>> -> memref<1x400x64xi32, #tpu.memory_space<vmem>>
          %gather3A_520 = tpu.memref_squeeze %gather3A_519 : memref<1x400x64xi32, #tpu.memory_space<vmem>> -> memref<400x64xi32, #tpu.memory_space<vmem>>
          %gather3A_521 = tpu.vector_load_idx %gather3A_520[%broadcast_in_dim3A_7, %add3A_511] : memref<400x64xi32, #tpu.memory_space<vmem>>[vector<16xi32>, vector<16xi32>], vector<16xi32>,
          %bitcast3A_522 = vector.bitcast %gather3A_516 : vector<16xi32> to vector<32xbf16>
          %bitcast3A_523 = vector.bitcast %gather3A_521 : vector<16xi32> to vector<32xbf16>
          %mul3A_524 = arith.mulf %bitcast3A_522, %bitcast3A_523 : vector<32xbf16>
          %unpack3A_525 = tpu.unpack_subelements %mul3A_524, 0 {pack_format = #tpu.pack_format<interleaved>} : vector<32xbf16> -> vector<16xf32>
          %unpack3A_526 = tpu.unpack_subelements %mul3A_524, 1 {pack_format = #tpu.pack_format<interleaved>} : vector<32xbf16> -> vector<16xf32>
          %add3A_527 = arith.addf %add3A_491, %unpack3A_525 : vector<16xf32>
          %add3A_528 = arith.addf %add3A_492, %unpack3A_526 : vector<16xf32>
          %add3A_529 = arith.addi %add3A_387, %and3A_60 : vector<16xi32>
          %gather3A_530 = arith.constant 0 : i32
          %gather3A_531 = arith.constant 0 : i32
          %gather3A_532 = tpu.memref_slice %arg7[%scan3A_250, %gather3A_530, %gather3A_531] : memref<2x400x64xi32, #tpu.memory_space<vmem>> -> memref<1x400x64xi32, #tpu.memory_space<vmem>>
          %gather3A_533 = tpu.memref_squeeze %gather3A_532 : memref<1x400x64xi32, #tpu.memory_space<vmem>> -> memref<400x64xi32, #tpu.memory_space<vmem>>
          %gather3A_534 = tpu.vector_load_idx %gather3A_533[%broadcast_in_dim3A_7, %add3A_529] : memref<400x64xi32, #tpu.memory_space<vmem>>[vector<16xi32>, vector<16xi32>], vector<16xi32>,
          %gather3A_535 = arith.constant 0 : i32
          %gather3A_536 = arith.constant 0 : i32
          %gather3A_537 = tpu.memref_slice %arg8[%scan3A_251, %gather3A_535, %gather3A_536] : memref<2x400x64xi32, #tpu.memory_space<vmem>> -> memref<1x400x64xi32, #tpu.memory_space<vmem>>
          %gather3A_538 = tpu.memref_squeeze %gather3A_537 : memref<1x400x64xi32, #tpu.memory_space<vmem>> -> memref<400x64xi32, #tpu.memory_space<vmem>>
          %gather3A_539 = tpu.vector_load_idx %gather3A_538[%broadcast_in_dim3A_7, %add3A_529] : memref<400x64xi32, #tpu.memory_space<vmem>>[vector<16xi32>, vector<16xi32>], vector<16xi32>,
          %bitcast3A_540 = vector.bitcast %gather3A_534 : vector<16xi32> to vector<32xbf16>
          %bitcast3A_541 = vector.bitcast %gather3A_539 : vector<16xi32> to vector<32xbf16>
          %mul3A_542 = arith.mulf %bitcast3A_540, %bitcast3A_541 : vector<32xbf16>
          %unpack3A_543 = tpu.unpack_subelements %mul3A_542, 0 {pack_format = #tpu.pack_format<interleaved>} : vector<32xbf16> -> vector<16xf32>
          %unpack3A_544 = tpu.unpack_subelements %mul3A_542, 1 {pack_format = #tpu.pack_format<interleaved>} : vector<32xbf16> -> vector<16xf32>
          %add3A_545 = arith.addf %add3A_509, %unpack3A_543 : vector<16xf32>
          %add3A_546 = arith.addf %add3A_510, %unpack3A_544 : vector<16xf32>
          %add3A_547 = arith.addi %add3A_387, %and3A_66 : vector<16xi32>
          %gather3A_548 = arith.constant 0 : i32
          %gather3A_549 = arith.constant 0 : i32
          %gather3A_550 = tpu.memref_slice %arg7[%scan3A_250, %gather3A_548, %gather3A_549] : memref<2x400x64xi32, #tpu.memory_space<vmem>> -> memref<1x400x64xi32, #tpu.memory_space<vmem>>
          %gather3A_551 = tpu.memref_squeeze %gather3A_550 : memref<1x400x64xi32, #tpu.memory_space<vmem>> -> memref<400x64xi32, #tpu.memory_space<vmem>>
          %gather3A_552 = tpu.vector_load_idx %gather3A_551[%broadcast_in_dim3A_7, %add3A_547] : memref<400x64xi32, #tpu.memory_space<vmem>>[vector<16xi32>, vector<16xi32>], vector<16xi32>,
          %gather3A_553 = arith.constant 0 : i32
          %gather3A_554 = arith.constant 0 : i32
          %gather3A_555 = tpu.memref_slice %arg8[%scan3A_251, %gather3A_553, %gather3A_554] : memref<2x400x64xi32, #tpu.memory_space<vmem>> -> memref<1x400x64xi32, #tpu.memory_space<vmem>>
          %gather3A_556 = tpu.memref_squeeze %gather3A_555 : memref<1x400x64xi32, #tpu.memory_space<vmem>> -> memref<400x64xi32, #tpu.memory_space<vmem>>
          %gather3A_557 = tpu.vector_load_idx %gather3A_556[%broadcast_in_dim3A_7, %add3A_547] : memref<400x64xi32, #tpu.memory_space<vmem>>[vector<16xi32>, vector<16xi32>], vector<16xi32>,
          %bitcast3A_558 = vector.bitcast %gather3A_552 : vector<16xi32> to vector<32xbf16>
          %bitcast3A_559 = vector.bitcast %gather3A_557 : vector<16xi32> to vector<32xbf16>
          %mul3A_560 = arith.mulf %bitcast3A_558, %bitcast3A_559 : vector<32xbf16>
          %unpack3A_561 = tpu.unpack_subelements %mul3A_560, 0 {pack_format = #tpu.pack_format<interleaved>} : vector<32xbf16> -> vector<16xf32>
          %unpack3A_562 = tpu.unpack_subelements %mul3A_560, 1 {pack_format = #tpu.pack_format<interleaved>} : vector<32xbf16> -> vector<16xf32>
          %add3A_563 = arith.addf %add3A_527, %unpack3A_561 : vector<16xf32>
          %add3A_564 = arith.addf %add3A_528, %unpack3A_562 : vector<16xf32>
          %add3A_565 = arith.addi %add3A_387, %and3A_72 : vector<16xi32>
          %gather3A_566 = arith.constant 0 : i32
          %gather3A_567 = arith.constant 0 : i32
          %gather3A_568 = tpu.memref_slice %arg7[%scan3A_250, %gather3A_566, %gather3A_567] : memref<2x400x64xi32, #tpu.memory_space<vmem>> -> memref<1x400x64xi32, #tpu.memory_space<vmem>>
          %gather3A_569 = tpu.memref_squeeze %gather3A_568 : memref<1x400x64xi32, #tpu.memory_space<vmem>> -> memref<400x64xi32, #tpu.memory_space<vmem>>
          %gather3A_570 = tpu.vector_load_idx %gather3A_569[%broadcast_in_dim3A_7, %add3A_565] : memref<400x64xi32, #tpu.memory_space<vmem>>[vector<16xi32>, vector<16xi32>], vector<16xi32>,
          %gather3A_571 = arith.constant 0 : i32
          %gather3A_572 = arith.constant 0 : i32
          %gather3A_573 = tpu.memref_slice %arg8[%scan3A_251, %gather3A_571, %gather3A_572] : memref<2x400x64xi32, #tpu.memory_space<vmem>> -> memref<1x400x64xi32, #tpu.memory_space<vmem>>
          %gather3A_574 = tpu.memref_squeeze %gather3A_573 : memref<1x400x64xi32, #tpu.memory_space<vmem>> -> memref<400x64xi32, #tpu.memory_space<vmem>>
          %gather3A_575 = tpu.vector_load_idx %gather3A_574[%broadcast_in_dim3A_7, %add3A_565] : memref<400x64xi32, #tpu.memory_space<vmem>>[vector<16xi32>, vector<16xi32>], vector<16xi32>,
          %bitcast3A_576 = vector.bitcast %gather3A_570 : vector<16xi32> to vector<32xbf16>
          %bitcast3A_577 = vector.bitcast %gather3A_575 : vector<16xi32> to vector<32xbf16>
          %mul3A_578 = arith.mulf %bitcast3A_576, %bitcast3A_577 : vector<32xbf16>
          %unpack3A_579 = tpu.unpack_subelements %mul3A_578, 0 {pack_format = #tpu.pack_format<interleaved>} : vector<32xbf16> -> vector<16xf32>
          %unpack3A_580 = tpu.unpack_subelements %mul3A_578, 1 {pack_format = #tpu.pack_format<interleaved>} : vector<32xbf16> -> vector<16xf32>
          %add3A_581 = arith.addf %add3A_545, %unpack3A_579 : vector<16xf32>
          %add3A_582 = arith.addf %add3A_546, %unpack3A_580 : vector<16xf32>
          %add3A_583 = arith.addi %add3A_387, %and3A_78 : vector<16xi32>
          %gather3A_584 = arith.constant 0 : i32
          %gather3A_585 = arith.constant 0 : i32
          %gather3A_586 = tpu.memref_slice %arg7[%scan3A_250, %gather3A_584, %gather3A_585] : memref<2x400x64xi32, #tpu.memory_space<vmem>> -> memref<1x400x64xi32, #tpu.memory_space<vmem>>
          %gather3A_587 = tpu.memref_squeeze %gather3A_586 : memref<1x400x64xi32, #tpu.memory_space<vmem>> -> memref<400x64xi32, #tpu.memory_space<vmem>>
          %gather3A_588 = tpu.vector_load_idx %gather3A_587[%broadcast_in_dim3A_7, %add3A_583] : memref<400x64xi32, #tpu.memory_space<vmem>>[vector<16xi32>, vector<16xi32>], vector<16xi32>,
          %gather3A_589 = arith.constant 0 : i32
          %gather3A_590 = arith.constant 0 : i32
          %gather3A_591 = tpu.memref_slice %arg8[%scan3A_251, %gather3A_589, %gather3A_590] : memref<2x400x64xi32, #tpu.memory_space<vmem>> -> memref<1x400x64xi32, #tpu.memory_space<vmem>>
          %gather3A_592 = tpu.memref_squeeze %gather3A_591 : memref<1x400x64xi32, #tpu.memory_space<vmem>> -> memref<400x64xi32, #tpu.memory_space<vmem>>
          %gather3A_593 = tpu.vector_load_idx %gather3A_592[%broadcast_in_dim3A_7, %add3A_583] : memref<400x64xi32, #tpu.memory_space<vmem>>[vector<16xi32>, vector<16xi32>], vector<16xi32>,
          %bitcast3A_594 = vector.bitcast %gather3A_588 : vector<16xi32> to vector<32xbf16>
          %bitcast3A_595 = vector.bitcast %gather3A_593 : vector<16xi32> to vector<32xbf16>
          %mul3A_596 = arith.mulf %bitcast3A_594, %bitcast3A_595 : vector<32xbf16>
          %unpack3A_597 = tpu.unpack_subelements %mul3A_596, 0 {pack_format = #tpu.pack_format<interleaved>} : vector<32xbf16> -> vector<16xf32>
          %unpack3A_598 = tpu.unpack_subelements %mul3A_596, 1 {pack_format = #tpu.pack_format<interleaved>} : vector<32xbf16> -> vector<16xf32>
          %add3A_599 = arith.addf %add3A_563, %unpack3A_597 : vector<16xf32>
          %add3A_600 = arith.addf %add3A_564, %unpack3A_598 : vector<16xf32>
          %add3A_601 = arith.addi %add3A_387, %and3A_84 : vector<16xi32>
          %gather3A_602 = arith.constant 0 : i32
          %gather3A_603 = arith.constant 0 : i32
          %gather3A_604 = tpu.memref_slice %arg7[%scan3A_250, %gather3A_602, %gather3A_603] : memref<2x400x64xi32, #tpu.memory_space<vmem>> -> memref<1x400x64xi32, #tpu.memory_space<vmem>>
          %gather3A_605 = tpu.memref_squeeze %gather3A_604 : memref<1x400x64xi32, #tpu.memory_space<vmem>> -> memref<400x64xi32, #tpu.memory_space<vmem>>
          %gather3A_606 = tpu.vector_load_idx %gather3A_605[%broadcast_in_dim3A_7, %add3A_601] : memref<400x64xi32, #tpu.memory_space<vmem>>[vector<16xi32>, vector<16xi32>], vector<16xi32>,
          %gather3A_607 = arith.constant 0 : i32
          %gather3A_608 = arith.constant 0 : i32
          %gather3A_609 = tpu.memref_slice %arg8[%scan3A_251, %gather3A_607, %gather3A_608] : memref<2x400x64xi32, #tpu.memory_space<vmem>> -> memref<1x400x64xi32, #tpu.memory_space<vmem>>
          %gather3A_610 = tpu.memref_squeeze %gather3A_609 : memref<1x400x64xi32, #tpu.memory_space<vmem>> -> memref<400x64xi32, #tpu.memory_space<vmem>>
          %gather3A_611 = tpu.vector_load_idx %gather3A_610[%broadcast_in_dim3A_7, %add3A_601] : memref<400x64xi32, #tpu.memory_space<vmem>>[vector<16xi32>, vector<16xi32>], vector<16xi32>,
          %bitcast3A_612 = vector.bitcast %gather3A_606 : vector<16xi32> to vector<32xbf16>
          %bitcast3A_613 = vector.bitcast %gather3A_611 : vector<16xi32> to vector<32xbf16>
          %mul3A_614 = arith.mulf %bitcast3A_612, %bitcast3A_613 : vector<32xbf16>
          %unpack3A_615 = tpu.unpack_subelements %mul3A_614, 0 {pack_format = #tpu.pack_format<interleaved>} : vector<32xbf16> -> vector<16xf32>
          %unpack3A_616 = tpu.unpack_subelements %mul3A_614, 1 {pack_format = #tpu.pack_format<interleaved>} : vector<32xbf16> -> vector<16xf32>
          %add3A_617 = arith.addf %add3A_581, %unpack3A_615 : vector<16xf32>
          %add3A_618 = arith.addf %add3A_582, %unpack3A_616 : vector<16xf32>
          %add3A_619 = arith.addi %add3A_387, %and3A_90 : vector<16xi32>
          %gather3A_620 = arith.constant 0 : i32
          %gather3A_621 = arith.constant 0 : i32
          %gather3A_622 = tpu.memref_slice %arg7[%scan3A_250, %gather3A_620, %gather3A_621] : memref<2x400x64xi32, #tpu.memory_space<vmem>> -> memref<1x400x64xi32, #tpu.memory_space<vmem>>
          %gather3A_623 = tpu.memref_squeeze %gather3A_622 : memref<1x400x64xi32, #tpu.memory_space<vmem>> -> memref<400x64xi32, #tpu.memory_space<vmem>>
          %gather3A_624 = tpu.vector_load_idx %gather3A_623[%broadcast_in_dim3A_7, %add3A_619] : memref<400x64xi32, #tpu.memory_space<vmem>>[vector<16xi32>, vector<16xi32>], vector<16xi32>,
          %gather3A_625 = arith.constant 0 : i32
          %gather3A_626 = arith.constant 0 : i32
          %gather3A_627 = tpu.memref_slice %arg8[%scan3A_251, %gather3A_625, %gather3A_626] : memref<2x400x64xi32, #tpu.memory_space<vmem>> -> memref<1x400x64xi32, #tpu.memory_space<vmem>>
          %gather3A_628 = tpu.memref_squeeze %gather3A_627 : memref<1x400x64xi32, #tpu.memory_space<vmem>> -> memref<400x64xi32, #tpu.memory_space<vmem>>
          %gather3A_629 = tpu.vector_load_idx %gather3A_628[%broadcast_in_dim3A_7, %add3A_619] : memref<400x64xi32, #tpu.memory_space<vmem>>[vector<16xi32>, vector<16xi32>], vector<16xi32>,
          %bitcast3A_630 = vector.bitcast %gather3A_624 : vector<16xi32> to vector<32xbf16>
          %bitcast3A_631 = vector.bitcast %gather3A_629 : vector<16xi32> to vector<32xbf16>
          %mul3A_632 = arith.mulf %bitcast3A_630, %bitcast3A_631 : vector<32xbf16>
          %unpack3A_633 = tpu.unpack_subelements %mul3A_632, 0 {pack_format = #tpu.pack_format<interleaved>} : vector<32xbf16> -> vector<16xf32>
          %unpack3A_634 = tpu.unpack_subelements %mul3A_632, 1 {pack_format = #tpu.pack_format<interleaved>} : vector<32xbf16> -> vector<16xf32>
          %add3A_635 = arith.addf %add3A_599, %unpack3A_633 : vector<16xf32>
          %add3A_636 = arith.addf %add3A_600, %unpack3A_634 : vector<16xf32>
          %add3A_637 = arith.addi %add3A_387, %and3A_96 : vector<16xi32>
          %gather3A_638 = arith.constant 0 : i32
          %gather3A_639 = arith.constant 0 : i32
          %gather3A_640 = tpu.memref_slice %arg7[%scan3A_250, %gather3A_638, %gather3A_639] : memref<2x400x64xi32, #tpu.memory_space<vmem>> -> memref<1x400x64xi32, #tpu.memory_space<vmem>>
          %gather3A_641 = tpu.memref_squeeze %gather3A_640 : memref<1x400x64xi32, #tpu.memory_space<vmem>> -> memref<400x64xi32, #tpu.memory_space<vmem>>
          %gather3A_642 = tpu.vector_load_idx %gather3A_641[%broadcast_in_dim3A_7, %add3A_637] : memref<400x64xi32, #tpu.memory_space<vmem>>[vector<16xi32>, vector<16xi32>], vector<16xi32>,
          %gather3A_643 = arith.constant 0 : i32
          %gather3A_644 = arith.constant 0 : i32
          %gather3A_645 = tpu.memref_slice %arg8[%scan3A_251, %gather3A_643, %gather3A_644] : memref<2x400x64xi32, #tpu.memory_space<vmem>> -> memref<1x400x64xi32, #tpu.memory_space<vmem>>
          %gather3A_646 = tpu.memref_squeeze %gather3A_645 : memref<1x400x64xi32, #tpu.memory_space<vmem>> -> memref<400x64xi32, #tpu.memory_space<vmem>>
          %gather3A_647 = tpu.vector_load_idx %gather3A_646[%broadcast_in_dim3A_7, %add3A_637] : memref<400x64xi32, #tpu.memory_space<vmem>>[vector<16xi32>, vector<16xi32>], vector<16xi32>,
          %bitcast3A_648 = vector.bitcast %gather3A_642 : vector<16xi32> to vector<32xbf16>
          %bitcast3A_649 = vector.bitcast %gather3A_647 : vector<16xi32> to vector<32xbf16>
          %mul3A_650 = arith.mulf %bitcast3A_648, %bitcast3A_649 : vector<32xbf16>
          %unpack3A_651 = tpu.unpack_subelements %mul3A_650, 0 {pack_format = #tpu.pack_format<interleaved>} : vector<32xbf16> -> vector<16xf32>
          %unpack3A_652 = tpu.unpack_subelements %mul3A_650, 1 {pack_format = #tpu.pack_format<interleaved>} : vector<32xbf16> -> vector<16xf32>
          %add3A_653 = arith.addf %add3A_617, %unpack3A_651 : vector<16xf32>
          %add3A_654 = arith.addf %add3A_618, %unpack3A_652 : vector<16xf32>
          %add3A_655 = arith.addi %add3A_387, %and3A_102 : vector<16xi32>
          %gather3A_656 = arith.constant 0 : i32
          %gather3A_657 = arith.constant 0 : i32
          %gather3A_658 = tpu.memref_slice %arg7[%scan3A_250, %gather3A_656, %gather3A_657] : memref<2x400x64xi32, #tpu.memory_space<vmem>> -> memref<1x400x64xi32, #tpu.memory_space<vmem>>
          %gather3A_659 = tpu.memref_squeeze %gather3A_658 : memref<1x400x64xi32, #tpu.memory_space<vmem>> -> memref<400x64xi32, #tpu.memory_space<vmem>>
          %gather3A_660 = tpu.vector_load_idx %gather3A_659[%broadcast_in_dim3A_7, %add3A_655] : memref<400x64xi32, #tpu.memory_space<vmem>>[vector<16xi32>, vector<16xi32>], vector<16xi32>,
          %gather3A_661 = arith.constant 0 : i32
          %gather3A_662 = arith.constant 0 : i32
          %gather3A_663 = tpu.memref_slice %arg8[%scan3A_251, %gather3A_661, %gather3A_662] : memref<2x400x64xi32, #tpu.memory_space<vmem>> -> memref<1x400x64xi32, #tpu.memory_space<vmem>>
          %gather3A_664 = tpu.memref_squeeze %gather3A_663 : memref<1x400x64xi32, #tpu.memory_space<vmem>> -> memref<400x64xi32, #tpu.memory_space<vmem>>
          %gather3A_665 = tpu.vector_load_idx %gather3A_664[%broadcast_in_dim3A_7, %add3A_655] : memref<400x64xi32, #tpu.memory_space<vmem>>[vector<16xi32>, vector<16xi32>], vector<16xi32>,
          %bitcast3A_666 = vector.bitcast %gather3A_660 : vector<16xi32> to vector<32xbf16>
          %bitcast3A_667 = vector.bitcast %gather3A_665 : vector<16xi32> to vector<32xbf16>
          %mul3A_668 = arith.mulf %bitcast3A_666, %bitcast3A_667 : vector<32xbf16>
          %unpack3A_669 = tpu.unpack_subelements %mul3A_668, 0 {pack_format = #tpu.pack_format<interleaved>} : vector<32xbf16> -> vector<16xf32>
          %unpack3A_670 = tpu.unpack_subelements %mul3A_668, 1 {pack_format = #tpu.pack_format<interleaved>} : vector<32xbf16> -> vector<16xf32>
          %add3A_671 = arith.addf %add3A_635, %unpack3A_669 : vector<16xf32>
          %add3A_672 = arith.addf %add3A_636, %unpack3A_670 : vector<16xf32>
          scf.yield %add3A_653, %add3A_654, %add3A_671, %add3A_672 : vector<16xf32>, vector<16xf32>, vector<16xf32>, vector<16xf32>
        }
        %scan3A_370 = arith.constant 4 : i32
        %add3A_371 = arith.addf %scan3A_369#0, %scan3A_369#1 : vector<16xf32>
        %add3A_372 = arith.addf %scan3A_369#2, %scan3A_369#3 : vector<16xf32>
        %add3A_373 = arith.addf %add3A_371, %add3A_372 : vector<16xf32>
        %mul3A_374 = arith.constant 16 : i32
        %mul3A_375 = arith.muli %scan3A_358, %mul3A_374 : i32
        %swap3A = arith.constant 0 : i32
        %swap3A_376 = arith.index_cast %swap3A : i32 to index
        %swap3A_377 = arith.index_cast %mul3A_375 : i32 to index
        %swap3A_378 = tpu.vector_load %arg9[%swap3A_376, %swap3A_377] {strides = array<i32>} : memref<2x400xf32, #tpu.memory_space<vmem>>, vector<16xf32>,
        tpu.vector_store %arg9[%swap3A_376, %swap3A_377], %add3A_373 {strides = array<i32>} : memref<2x400xf32, #tpu.memory_space<vmem>>, vector<16xf32>,
      }
      %scan3A_256 = arith.constant 25 : i32
      %scan3A_257 = arith.constant 0 : i32
      %scan3A_258 = arith.constant 0 : i32
      %scan3A_259 = arith.constant 25 : i32
      %scan3A_260 = arith.addi %scan3A_258, %scan3A_259 : i32
      %scan3A_261 = arith.constant 5 : i32
      scf.for %scan3A_358 = %scan3A_258 to %scan3A_260 step %scan3A_261  : i32 {
        %mul3A_359 = arith.constant 16 : i32
        %mul3A_360 = arith.muli %scan3A_358, %mul3A_359 : i32
        %get3A = arith.constant 0 : i32
        %get3A_361 = arith.index_cast %get3A : i32 to index
        %get3A_362 = arith.index_cast %mul3A_360 : i32 to index
        %get3A_363 = tpu.vector_load %arg9[%get3A_361, %get3A_362] {strides = array<i32>} : memref<2x400xf32, #tpu.memory_space<vmem>>, vector<16xf32>,
        %neg3A = arith.constant 0.000000e+00 : f32
        %neg3A_364 = vector.broadcast %neg3A : f32 to vector<16xf32>
        %neg3A_365 = arith.subf %neg3A_364, %get3A_363 : vector<16xf32>
        %exp3A = math.exp %neg3A_365 : vector<16xf32>
        %add3A_366 = arith.constant 1.000000e+00 : f32
        %add3A_367 = vector.broadcast %add3A_366 : f32 to vector<16xf32>
        %add3A_368 = arith.addf %add3A_367, %exp3A : vector<16xf32>
        %div3A = arith.constant 1.000000e+00 : f32
        %div3A_369 = vector.broadcast %div3A : f32 to vector<16xf32>
        %div3A_370 = arith.divf %div3A_369, %add3A_368 : vector<16xf32>
        %mul3A_371 = arith.constant 16 : i32
        %mul3A_372 = arith.muli %scan3A_358, %mul3A_371 : i32
        %swap3A = arith.constant 0 : i32
        %swap3A_373 = arith.index_cast %swap3A : i32 to index
        %swap3A_374 = arith.index_cast %mul3A_372 : i32 to index
        %swap3A_375 = tpu.vector_load %arg9[%swap3A_373, %swap3A_374] {strides = array<i32>} : memref<2x400xf32, #tpu.memory_space<vmem>>, vector<16xf32>,
        tpu.vector_store %arg9[%swap3A_373, %swap3A_374], %div3A_370 {strides = array<i32>} : memref<2x400xf32, #tpu.memory_space<vmem>>, vector<16xf32>,
        %scan3A_376 = arith.constant 1 : i32
        %scan3A_377 = arith.addi %scan3A_358, %scan3A_376 : i32
        %mul3A_378 = arith.constant 16 : i32
        %mul3A_379 = arith.muli %scan3A_377, %mul3A_378 : i32
        %get3A_380 = arith.constant 0 : i32
        %get3A_381 = arith.index_cast %get3A_380 : i32 to index
        %get3A_382 = arith.index_cast %mul3A_379 : i32 to index
        %get3A_383 = tpu.vector_load %arg9[%get3A_381, %get3A_382] {strides = array<i32>} : memref<2x400xf32, #tpu.memory_space<vmem>>, vector<16xf32>,
        %neg3A_384 = arith.constant 0.000000e+00 : f32
        %neg3A_385 = vector.broadcast %neg3A_384 : f32 to vector<16xf32>
        %neg3A_386 = arith.subf %neg3A_385, %get3A_383 : vector<16xf32>
        %exp3A_387 = math.exp %neg3A_386 : vector<16xf32>
        %add3A_388 = arith.constant 1.000000e+00 : f32
        %add3A_389 = vector.broadcast %add3A_388 : f32 to vector<16xf32>
        %add3A_390 = arith.addf %add3A_389, %exp3A_387 : vector<16xf32>
        %div3A_391 = arith.constant 1.000000e+00 : f32
        %div3A_392 = vector.broadcast %div3A_391 : f32 to vector<16xf32>
        %div3A_393 = arith.divf %div3A_392, %add3A_390 : vector<16xf32>
        %mul3A_394 = arith.constant 16 : i32
        %mul3A_395 = arith.muli %scan3A_377, %mul3A_394 : i32
        %swap3A_396 = arith.constant 0 : i32
        %swap3A_397 = arith.index_cast %swap3A_396 : i32 to index
        %swap3A_398 = arith.index_cast %mul3A_395 : i32 to index
        %swap3A_399 = tpu.vector_load %arg9[%swap3A_397, %swap3A_398] {strides = array<i32>} : memref<2x400xf32, #tpu.memory_space<vmem>>, vector<16xf32>,
        tpu.vector_store %arg9[%swap3A_397, %swap3A_398], %div3A_393 {strides = array<i32>} : memref<2x400xf32, #tpu.memory_space<vmem>>, vector<16xf32>,
        %scan3A_400 = arith.constant 2 : i32
        %scan3A_401 = arith.addi %scan3A_358, %scan3A_400 : i32
        %mul3A_402 = arith.constant 16 : i32
        %mul3A_403 = arith.muli %scan3A_401, %mul3A_402 : i32
        %get3A_404 = arith.constant 0 : i32
        %get3A_405 = arith.index_cast %get3A_404 : i32 to index
        %get3A_406 = arith.index_cast %mul3A_403 : i32 to index
        %get3A_407 = tpu.vector_load %arg9[%get3A_405, %get3A_406] {strides = array<i32>} : memref<2x400xf32, #tpu.memory_space<vmem>>, vector<16xf32>,
        %neg3A_408 = arith.constant 0.000000e+00 : f32
        %neg3A_409 = vector.broadcast %neg3A_408 : f32 to vector<16xf32>
        %neg3A_410 = arith.subf %neg3A_409, %get3A_407 : vector<16xf32>
        %exp3A_411 = math.exp %neg3A_410 : vector<16xf32>
        %add3A_412 = arith.constant 1.000000e+00 : f32
        %add3A_413 = vector.broadcast %add3A_412 : f32 to vector<16xf32>
        %add3A_414 = arith.addf %add3A_413, %exp3A_411 : vector<16xf32>
        %div3A_415 = arith.constant 1.000000e+00 : f32
        %div3A_416 = vector.broadcast %div3A_415 : f32 to vector<16xf32>
        %div3A_417 = arith.divf %div3A_416, %add3A_414 : vector<16xf32>
        %mul3A_418 = arith.constant 16 : i32
        %mul3A_419 = arith.muli %scan3A_401, %mul3A_418 : i32
        %swap3A_420 = arith.constant 0 : i32
        %swap3A_421 = arith.index_cast %swap3A_420 : i32 to index
        %swap3A_422 = arith.index_cast %mul3A_419 : i32 to index
        %swap3A_423 = tpu.vector_load %arg9[%swap3A_421, %swap3A_422] {strides = array<i32>} : memref<2x400xf32, #tpu.memory_space<vmem>>, vector<16xf32>,
        tpu.vector_store %arg9[%swap3A_421, %swap3A_422], %div3A_417 {strides = array<i32>} : memref<2x400xf32, #tpu.memory_space<vmem>>, vector<16xf32>,
        %scan3A_424 = arith.constant 3 : i32
        %scan3A_425 = arith.addi %scan3A_358, %scan3A_424 : i32
        %mul3A_426 = arith.constant 16 : i32
        %mul3A_427 = arith.muli %scan3A_425, %mul3A_426 : i32
        %get3A_428 = arith.constant 0 : i32
        %get3A_429 = arith.index_cast %get3A_428 : i32 to index
        %get3A_430 = arith.index_cast %mul3A_427 : i32 to index
        %get3A_431 = tpu.vector_load %arg9[%get3A_429, %get3A_430] {strides = array<i32>} : memref<2x400xf32, #tpu.memory_space<vmem>>, vector<16xf32>,
        %neg3A_432 = arith.constant 0.000000e+00 : f32
        %neg3A_433 = vector.broadcast %neg3A_432 : f32 to vector<16xf32>
        %neg3A_434 = arith.subf %neg3A_433, %get3A_431 : vector<16xf32>
        %exp3A_435 = math.exp %neg3A_434 : vector<16xf32>
        %add3A_436 = arith.constant 1.000000e+00 : f32
        %add3A_437 = vector.broadcast %add3A_436 : f32 to vector<16xf32>
        %add3A_438 = arith.addf %add3A_437, %exp3A_435 : vector<16xf32>
        %div3A_439 = arith.constant 1.000000e+00 : f32
        %div3A_440 = vector.broadcast %div3A_439 : f32 to vector<16xf32>
        %div3A_441 = arith.divf %div3A_440, %add3A_438 : vector<16xf32>
        %mul3A_442 = arith.constant 16 : i32
        %mul3A_443 = arith.muli %scan3A_425, %mul3A_442 : i32
        %swap3A_444 = arith.constant 0 : i32
        %swap3A_445 = arith.index_cast %swap3A_444 : i32 to index
        %swap3A_446 = arith.index_cast %mul3A_443 : i32 to index
        %swap3A_447 = tpu.vector_load %arg9[%swap3A_445, %swap3A_446] {strides = array<i32>} : memref<2x400xf32, #tpu.memory_space<vmem>>, vector<16xf32>,
        tpu.vector_store %arg9[%swap3A_445, %swap3A_446], %div3A_441 {strides = array<i32>} : memref<2x400xf32, #tpu.memory_space<vmem>>, vector<16xf32>,
        %scan3A_448 = arith.constant 4 : i32
        %scan3A_449 = arith.addi %scan3A_358, %scan3A_448 : i32
        %mul3A_450 = arith.constant 16 : i32
        %mul3A_451 = arith.muli %scan3A_449, %mul3A_450 : i32
        %get3A_452 = arith.constant 0 : i32
        %get3A_453 = arith.index_cast %get3A_452 : i32 to index
        %get3A_454 = arith.index_cast %mul3A_451 : i32 to index
        %get3A_455 = tpu.vector_load %arg9[%get3A_453, %get3A_454] {strides = array<i32>} : memref<2x400xf32, #tpu.memory_space<vmem>>, vector<16xf32>,
        %neg3A_456 = arith.constant 0.000000e+00 : f32
        %neg3A_457 = vector.broadcast %neg3A_456 : f32 to vector<16xf32>
        %neg3A_458 = arith.subf %neg3A_457, %get3A_455 : vector<16xf32>
        %exp3A_459 = math.exp %neg3A_458 : vector<16xf32>
        %add3A_460 = arith.constant 1.000000e+00 : f32
        %add3A_461 = vector.broadcast %add3A_460 : f32 to vector<16xf32>
        %add3A_462 = arith.addf %add3A_461, %exp3A_459 : vector<16xf32>
        %div3A_463 = arith.constant 1.000000e+00 : f32
        %div3A_464 = vector.broadcast %div3A_463 : f32 to vector<16xf32>
        %div3A_465 = arith.divf %div3A_464, %add3A_462 : vector<16xf32>
        %mul3A_466 = arith.constant 16 : i32
        %mul3A_467 = arith.muli %scan3A_449, %mul3A_466 : i32
        %swap3A_468 = arith.constant 0 : i32
        %swap3A_469 = arith.index_cast %swap3A_468 : i32 to index
        %swap3A_470 = arith.index_cast %mul3A_467 : i32 to index
        %swap3A_471 = tpu.vector_load %arg9[%swap3A_469, %swap3A_470] {strides = array<i32>} : memref<2x400xf32, #tpu.memory_space<vmem>>, vector<16xf32>,
        tpu.vector_store %arg9[%swap3A_469, %swap3A_470], %div3A_465 {strides = array<i32>} : memref<2x400xf32, #tpu.memory_space<vmem>>, vector<16xf32>,
      }
      %scan3A_262 = arith.constant 25 : i32
      %mul3A_263 = arith.constant 400 : i32
      %mul3A_264 = arith.muli %mul3A_226, %mul3A_263 : i32
      %add3A_265 = arith.addi %mul3A_2, %mul3A_264 : i32
      %dma_start3A_266 = arith.constant 0 : i32
      %dma_start3A_267 = arith.constant 0 : i32
      %dma_start3A_268 = tpu.memref_slice %arg9[%dma_start3A_266, %dma_start3A_267] : memref<2x400xf32, #tpu.memory_space<vmem>> -> memref<1x400xf32, #tpu.memory_space<vmem>>
      %dma_start3A_269 = tpu.memref_squeeze %dma_start3A_268 : memref<1x400xf32, #tpu.memory_space<vmem>> -> memref<400xf32, #tpu.memory_space<vmem>>
      %dma_start3A_270 = tpu.memref_slice %arg4[%add3A_265] : memref<320000xf32, #tpu.memory_space<hbm>> -> memref<400xf32, #tpu.memory_space<hbm>>
      %dma_start3A_271 = tpu.memref_slice %arg4[%add3A_265] : memref<320000xf32, #tpu.memory_space<hbm>> -> memref<400xf32, #tpu.memory_space<hbm>>
      %dma_start3A_272 = arith.constant 0 : i32
      %dma_start3A_273 = tpu.memref_slice %arg9[%dma_start3A_266, %dma_start3A_272] : memref<2x400xf32, #tpu.memory_space<vmem>> -> memref<1x400xf32, #tpu.memory_space<vmem>>
      %dma_start3A_274 = tpu.memref_squeeze %dma_start3A_273 : memref<1x400xf32, #tpu.memory_space<vmem>> -> memref<400xf32, #tpu.memory_space<vmem>>
      tpu.enqueue_dma source(%dma_start3A_274 : memref<400xf32, #tpu.memory_space<vmem>>) target(%dma_start3A_271 : memref<400xf32, #tpu.memory_space<hbm>>) target_semaphore(%arg12 : memref<!tpu.dma_semaphore, #tpu.memory_space<semaphore_mem>>)
      %add3A_275 = arith.constant 2 : i32
      %add3A_276 = arith.addi %mul3A_226, %add3A_275 : i32
      %mul3A_277 = arith.constant 400 : i32
      %mul3A_278 = arith.muli %add3A_276, %mul3A_277 : i32
      %dma_start3A_279 = arith.constant 0 : i32
      %dma_start3A_280 = arith.constant 0 : i32
      %dma_start3A_281 = arith.constant 0 : i32
      %dma_start3A_282 = tpu.memref_slice %arg7[%dma_start3A_279, %dma_start3A_280, %dma_start3A_281] : memref<2x400x64xi32, #tpu.memory_space<vmem>> -> memref<1x400x64xi32, #tpu.memory_space<vmem>>
      %dma_start3A_283 = tpu.memref_squeeze %dma_start3A_282 : memref<1x400x64xi32, #tpu.memory_space<vmem>> -> memref<400x64xi32, #tpu.memory_space<vmem>>
      %dma_start3A_284 = tpu.memref_slice %arg5[%mul3A_278] : memref<10000xi32, #tpu.memory_space<vmem>> -> memref<400xi32, #tpu.memory_space<vmem>>
      %dma_start3A_285 = arith.constant 0 : i32
      %dma_start3A_286 = arith.constant 0 : i32
      %dma_start3A_287 = tpu.memref_slice %arg2[%dma_start3A_285, %dma_start3A_286] : memref<10000x64xi32, #tpu.memory_space<hbm>> -> memref<10000x64xi32, #tpu.memory_space<hbm>>
      tpu.enqueue_indirect_dma source(%dma_start3A_287 : memref<10000x64xi32, #tpu.memory_space<hbm>>) target(%dma_start3A_283 : memref<400x64xi32, #tpu.memory_space<vmem>>) offsets(%dma_start3A_284 : memref<400xi32, #tpu.memory_space<vmem>>) semaphore(%arg10 : memref<!tpu.dma_semaphore, #tpu.memory_space<semaphore_mem>>)
      %dma_start3A_288 = arith.constant 0 : i32
      %dma_start3A_289 = arith.constant 0 : i32
      %dma_start3A_290 = arith.constant 0 : i32
      %dma_start3A_291 = tpu.memref_slice %arg8[%dma_start3A_288, %dma_start3A_289, %dma_start3A_290] : memref<2x400x64xi32, #tpu.memory_space<vmem>> -> memref<1x400x64xi32, #tpu.memory_space<vmem>>
      %dma_start3A_292 = tpu.memref_squeeze %dma_start3A_291 : memref<1x400x64xi32, #tpu.memory_space<vmem>> -> memref<400x64xi32, #tpu.memory_space<vmem>>
      %dma_start3A_293 = tpu.memref_slice %arg6[%mul3A_278] : memref<10000xi32, #tpu.memory_space<vmem>> -> memref<400xi32, #tpu.memory_space<vmem>>
      %dma_start3A_294 = arith.constant 0 : i32
      %dma_start3A_295 = arith.constant 0 : i32
      %dma_start3A_296 = tpu.memref_slice %arg2[%dma_start3A_294, %dma_start3A_295] : memref<10000x64xi32, #tpu.memory_space<hbm>> -> memref<10000x64xi32, #tpu.memory_space<hbm>>
      tpu.enqueue_indirect_dma source(%dma_start3A_296 : memref<10000x64xi32, #tpu.memory_space<hbm>>) target(%dma_start3A_292 : memref<400x64xi32, #tpu.memory_space<vmem>>) offsets(%dma_start3A_293 : memref<400xi32, #tpu.memory_space<vmem>>) semaphore(%arg11 : memref<!tpu.dma_semaphore, #tpu.memory_space<semaphore_mem>>)
      %add3A_297 = arith.constant 1 : i32
      %add3A_298 = arith.addi %mul3A_226, %add3A_297 : i32
      %mul3A_299 = arith.constant 400 : i32
      %mul3A_300 = arith.muli %add3A_298, %mul3A_299 : i32
      %dma_wait3A_301 = arith.constant 1 : i32
      %dma_wait3A_302 = arith.constant 0 : i32
      %dma_wait3A_303 = arith.constant 0 : i32
      %dma_wait3A_304 = tpu.memref_slice %arg7[%dma_wait3A_301, %dma_wait3A_302, %dma_wait3A_303] : memref<2x400x64xi32, #tpu.memory_space<vmem>> -> memref<1x400x64xi32, #tpu.memory_space<vmem>>
      %dma_wait3A_305 = tpu.memref_squeeze %dma_wait3A_304 : memref<1x400x64xi32, #tpu.memory_space<vmem>> -> memref<400x64xi32, #tpu.memory_space<vmem>>
      %dma_wait3A_306 = tpu.memref_slice %arg5[%mul3A_300] : memref<10000xi32, #tpu.memory_space<vmem>> -> memref<400xi32, #tpu.memory_space<vmem>>
      %dma_wait3A_307 = arith.constant 0 : i32
      %dma_wait3A_308 = arith.constant 0 : i32
      %dma_wait3A_309 = tpu.memref_slice %arg2[%dma_wait3A_307, %dma_wait3A_308] : memref<10000x64xi32, #tpu.memory_space<hbm>> -> memref<10000x64xi32, #tpu.memory_space<hbm>>
      tpu.wait_indirect_dma semaphore(%arg10 : memref<!tpu.dma_semaphore, #tpu.memory_space<semaphore_mem>>) src(%dma_wait3A_309 : memref<10000x64xi32, #tpu.memory_space<hbm>>) dst(%dma_wait3A_305 : memref<400x64xi32, #tpu.memory_space<vmem>>)
      %dma_wait3A_310 = arith.constant 1 : i32
      %dma_wait3A_311 = arith.constant 0 : i32
      %dma_wait3A_312 = arith.constant 0 : i32
      %dma_wait3A_313 = tpu.memref_slice %arg8[%dma_wait3A_310, %dma_wait3A_311, %dma_wait3A_312] : memref<2x400x64xi32, #tpu.memory_space<vmem>> -> memref<1x400x64xi32, #tpu.memory_space<vmem>>
      %dma_wait3A_314 = tpu.memref_squeeze %dma_wait3A_313 : memref<1x400x64xi32, #tpu.memory_space<vmem>> -> memref<400x64xi32, #tpu.memory_space<vmem>>
      %dma_wait3A_315 = tpu.memref_slice %arg6[%mul3A_300] : memref<10000xi32, #tpu.memory_space<vmem>> -> memref<400xi32, #tpu.memory_space<vmem>>
      %dma_wait3A_316 = arith.constant 0 : i32
      %dma_wait3A_317 = arith.constant 0 : i32
      %dma_wait3A_318 = tpu.memref_slice %arg2[%dma_wait3A_316, %dma_wait3A_317] : memref<10000x64xi32, #tpu.memory_space<hbm>> -> memref<10000x64xi32, #tpu.memory_space<hbm>>
      tpu.wait_indirect_dma semaphore(%arg11 : memref<!tpu.dma_semaphore, #tpu.memory_space<semaphore_mem>>) src(%dma_wait3A_318 : memref<10000x64xi32, #tpu.memory_space<hbm>>) dst(%dma_wait3A_314 : memref<400x64xi32, #tpu.memory_space<vmem>>)
      %gt3A_319 = arith.constant 0 : i32
      %gt3A_320 = arith.cmpi sgt, %scan3A_224, %gt3A_319 : i32
      %convert_element_type3A_321 = arith.extui %gt3A_320 : i1 to i32
      %cond3A_322 = arith.constant 0 : i32
      %cond3A_323 = arith.cmpi ne, %convert_element_type3A_321, %cond3A_322 : i32
      scf.if %cond3A_323 {
        %sub3A = arith.constant 1 : i32
        %sub3A_358 = arith.subi %mul3A_226, %sub3A : i32
        %mul3A_359 = arith.constant 400 : i32
        %mul3A_360 = arith.muli %sub3A_358, %mul3A_359 : i32
        %add3A_361 = arith.addi %mul3A_2, %mul3A_360 : i32
        %dma_wait3A_362 = arith.constant 1 : i32
        %dma_wait3A_363 = arith.constant 0 : i32
        %dma_wait3A_364 = tpu.memref_slice %arg9[%dma_wait3A_362, %dma_wait3A_363] : memref<2x400xf32, #tpu.memory_space<vmem>> -> memref<1x400xf32, #tpu.memory_space<vmem>>
        %dma_wait3A_365 = tpu.memref_squeeze %dma_wait3A_364 : memref<1x400xf32, #tpu.memory_space<vmem>> -> memref<400xf32, #tpu.memory_space<vmem>>
        %dma_wait3A_366 = tpu.memref_slice %arg4[%add3A_361] : memref<320000xf32, #tpu.memory_space<hbm>> -> memref<400xf32, #tpu.memory_space<hbm>>
        %dma_wait3A_367 = tpu.memref_slice %arg4[%add3A_361] : memref<320000xf32, #tpu.memory_space<hbm>> -> memref<400xf32, #tpu.memory_space<hbm>>
        %dma_wait3A_368 = arith.constant 0 : i32
        %dma_wait3A_369 = tpu.memref_slice %arg9[%dma_wait3A_362, %dma_wait3A_368] : memref<2x400xf32, #tpu.memory_space<vmem>> -> memref<1x400xf32, #tpu.memory_space<vmem>>
        %dma_wait3A_370 = tpu.memref_squeeze %dma_wait3A_369 : memref<1x400xf32, #tpu.memory_space<vmem>> -> memref<400xf32, #tpu.memory_space<vmem>>
        tpu.wait_dma2 semaphore(%arg12 : memref<!tpu.dma_semaphore, #tpu.memory_space<semaphore_mem>>) src(%dma_wait3A_370 : memref<400xf32, #tpu.memory_space<vmem>>) dst(%dma_wait3A_367 : memref<400xf32, #tpu.memory_space<hbm>>)
      } else {
      }
      %add3A_324 = arith.constant 1 : i32
      %add3A_325 = arith.addi %mul3A_226, %add3A_324 : i32
      %scan3A_326 = arith.constant 0 : i32
      %scan3A_327 = arith.constant 1 : i32
      %scan3A_328 = arith.constant 1 : i32
      %scan3A_329 = arith.constant 0 : i32
      %scan3A_330 = arith.constant 25 : i32
      %scan3A_331 = arith.addi %scan3A_329, %scan3A_330 : i32
      %scan3A_332 = arith.constant 1 : i32
      scf.for %scan3A_358 = %scan3A_329 to %scan3A_331 step %scan3A_332  : i32 {
        %mul3A_359 = arith.constant 1024 : i32
        %mul3A_360 = arith.muli %scan3A_358, %mul3A_359 : i32
        %add3A_361 = vector.broadcast %mul3A_360 : i32 to vector<16xi32>
        %add3A_362 = arith.addi %add3A_361, %mul3A_6 : vector<16xi32>
        %broadcast_in_dim3A_363 = arith.constant 0.000000e+00 : f32
        %broadcast_in_dim3A_364 = vector.broadcast %broadcast_in_dim3A_363 : f32 to vector<16xf32>
        %scan3A_365 = arith.constant 0 : i32
        %scan3A_366 = arith.constant 4 : i32
        %scan3A_367 = arith.addi %scan3A_365, %scan3A_366 : i32
        %scan3A_368 = arith.constant 1 : i32
        %scan3A_369:4 = scf.for %scan3A_379 = %scan3A_365 to %scan3A_367 step %scan3A_368 iter_args(%scan3A_380 = %broadcast_in_dim3A_364, %scan3A_381 = %broadcast_in_dim3A_364, %scan3A_382 = %broadcast_in_dim3A_364, %scan3A_383 = %broadcast_in_dim3A_364) -> (vector<16xf32>, vector<16xf32>, vector<16xf32>, vector<16xf32>)  : i32 {
          %mul3A_384 = arith.constant 16 : i32
          %mul3A_385 = arith.muli %scan3A_379, %mul3A_384 : i32
          %add3A_386 = vector.broadcast %mul3A_385 : i32 to vector<16xi32>
          %add3A_387 = arith.addi %add3A_362, %add3A_386 : vector<16xi32>
          %add3A_388 = arith.addi %add3A_387, %and3A_12 : vector<16xi32>
          %gather3A = arith.constant 0 : i32
          %gather3A_389 = arith.constant 0 : i32
          %gather3A_390 = tpu.memref_slice %arg7[%scan3A_327, %gather3A, %gather3A_389] : memref<2x400x64xi32, #tpu.memory_space<vmem>> -> memref<1x400x64xi32, #tpu.memory_space<vmem>>
          %gather3A_391 = tpu.memref_squeeze %gather3A_390 : memref<1x400x64xi32, #tpu.memory_space<vmem>> -> memref<400x64xi32, #tpu.memory_space<vmem>>
          %gather3A_392 = tpu.vector_load_idx %gather3A_391[%broadcast_in_dim3A_7, %add3A_388] : memref<400x64xi32, #tpu.memory_space<vmem>>[vector<16xi32>, vector<16xi32>], vector<16xi32>,
          %gather3A_393 = arith.constant 0 : i32
          %gather3A_394 = arith.constant 0 : i32
          %gather3A_395 = tpu.memref_slice %arg8[%scan3A_328, %gather3A_393, %gather3A_394] : memref<2x400x64xi32, #tpu.memory_space<vmem>> -> memref<1x400x64xi32, #tpu.memory_space<vmem>>
          %gather3A_396 = tpu.memref_squeeze %gather3A_395 : memref<1x400x64xi32, #tpu.memory_space<vmem>> -> memref<400x64xi32, #tpu.memory_space<vmem>>
          %gather3A_397 = tpu.vector_load_idx %gather3A_396[%broadcast_in_dim3A_7, %add3A_388] : memref<400x64xi32, #tpu.memory_space<vmem>>[vector<16xi32>, vector<16xi32>], vector<16xi32>,
          %bitcast3A = vector.bitcast %gather3A_392 : vector<16xi32> to vector<32xbf16>
          %bitcast3A_398 = vector.bitcast %gather3A_397 : vector<16xi32> to vector<32xbf16>
          %mul3A_399 = arith.mulf %bitcast3A, %bitcast3A_398 : vector<32xbf16>
          %unpack3A = tpu.unpack_subelements %mul3A_399, 0 {pack_format = #tpu.pack_format<interleaved>} : vector<32xbf16> -> vector<16xf32>
          %unpack3A_400 = tpu.unpack_subelements %mul3A_399, 1 {pack_format = #tpu.pack_format<interleaved>} : vector<32xbf16> -> vector<16xf32>
          %add3A_401 = arith.addf %scan3A_380, %unpack3A : vector<16xf32>
          %add3A_402 = arith.addf %scan3A_381, %unpack3A_400 : vector<16xf32>
          %add3A_403 = arith.addi %add3A_387, %and3A_18 : vector<16xi32>
          %gather3A_404 = arith.constant 0 : i32
          %gather3A_405 = arith.constant 0 : i32
          %gather3A_406 = tpu.memref_slice %arg7[%scan3A_327, %gather3A_404, %gather3A_405] : memref<2x400x64xi32, #tpu.memory_space<vmem>> -> memref<1x400x64xi32, #tpu.memory_space<vmem>>
          %gather3A_407 = tpu.memref_squeeze %gather3A_406 : memref<1x400x64xi32, #tpu.memory_space<vmem>> -> memref<400x64xi32, #tpu.memory_space<vmem>>
          %gather3A_408 = tpu.vector_load_idx %gather3A_407[%broadcast_in_dim3A_7, %add3A_403] : memref<400x64xi32, #tpu.memory_space<vmem>>[vector<16xi32>, vector<16xi32>], vector<16xi32>,
          %gather3A_409 = arith.constant 0 : i32
          %gather3A_410 = arith.constant 0 : i32
          %gather3A_411 = tpu.memref_slice %arg8[%scan3A_328, %gather3A_409, %gather3A_410] : memref<2x400x64xi32, #tpu.memory_space<vmem>> -> memref<1x400x64xi32, #tpu.memory_space<vmem>>
          %gather3A_412 = tpu.memref_squeeze %gather3A_411 : memref<1x400x64xi32, #tpu.memory_space<vmem>> -> memref<400x64xi32, #tpu.memory_space<vmem>>
          %gather3A_413 = tpu.vector_load_idx %gather3A_412[%broadcast_in_dim3A_7, %add3A_403] : memref<400x64xi32, #tpu.memory_space<vmem>>[vector<16xi32>, vector<16xi32>], vector<16xi32>,
          %bitcast3A_414 = vector.bitcast %gather3A_408 : vector<16xi32> to vector<32xbf16>
          %bitcast3A_415 = vector.bitcast %gather3A_413 : vector<16xi32> to vector<32xbf16>
          %mul3A_416 = arith.mulf %bitcast3A_414, %bitcast3A_415 : vector<32xbf16>
          %unpack3A_417 = tpu.unpack_subelements %mul3A_416, 0 {pack_format = #tpu.pack_format<interleaved>} : vector<32xbf16> -> vector<16xf32>
          %unpack3A_418 = tpu.unpack_subelements %mul3A_416, 1 {pack_format = #tpu.pack_format<interleaved>} : vector<32xbf16> -> vector<16xf32>
          %add3A_419 = arith.addf %scan3A_382, %unpack3A_417 : vector<16xf32>
          %add3A_420 = arith.addf %scan3A_383, %unpack3A_418 : vector<16xf32>
          %add3A_421 = arith.addi %add3A_387, %and3A_24 : vector<16xi32>
          %gather3A_422 = arith.constant 0 : i32
          %gather3A_423 = arith.constant 0 : i32
          %gather3A_424 = tpu.memref_slice %arg7[%scan3A_327, %gather3A_422, %gather3A_423] : memref<2x400x64xi32, #tpu.memory_space<vmem>> -> memref<1x400x64xi32, #tpu.memory_space<vmem>>
          %gather3A_425 = tpu.memref_squeeze %gather3A_424 : memref<1x400x64xi32, #tpu.memory_space<vmem>> -> memref<400x64xi32, #tpu.memory_space<vmem>>
          %gather3A_426 = tpu.vector_load_idx %gather3A_425[%broadcast_in_dim3A_7, %add3A_421] : memref<400x64xi32, #tpu.memory_space<vmem>>[vector<16xi32>, vector<16xi32>], vector<16xi32>,
          %gather3A_427 = arith.constant 0 : i32
          %gather3A_428 = arith.constant 0 : i32
          %gather3A_429 = tpu.memref_slice %arg8[%scan3A_328, %gather3A_427, %gather3A_428] : memref<2x400x64xi32, #tpu.memory_space<vmem>> -> memref<1x400x64xi32, #tpu.memory_space<vmem>>
          %gather3A_430 = tpu.memref_squeeze %gather3A_429 : memref<1x400x64xi32, #tpu.memory_space<vmem>> -> memref<400x64xi32, #tpu.memory_space<vmem>>
          %gather3A_431 = tpu.vector_load_idx %gather3A_430[%broadcast_in_dim3A_7, %add3A_421] : memref<400x64xi32, #tpu.memory_space<vmem>>[vector<16xi32>, vector<16xi32>], vector<16xi32>,
          %bitcast3A_432 = vector.bitcast %gather3A_426 : vector<16xi32> to vector<32xbf16>
          %bitcast3A_433 = vector.bitcast %gather3A_431 : vector<16xi32> to vector<32xbf16>
          %mul3A_434 = arith.mulf %bitcast3A_432, %bitcast3A_433 : vector<32xbf16>
          %unpack3A_435 = tpu.unpack_subelements %mul3A_434, 0 {pack_format = #tpu.pack_format<interleaved>} : vector<32xbf16> -> vector<16xf32>
          %unpack3A_436 = tpu.unpack_subelements %mul3A_434, 1 {pack_format = #tpu.pack_format<interleaved>} : vector<32xbf16> -> vector<16xf32>
          %add3A_437 = arith.addf %add3A_401, %unpack3A_435 : vector<16xf32>
          %add3A_438 = arith.addf %add3A_402, %unpack3A_436 : vector<16xf32>
          %add3A_439 = arith.addi %add3A_387, %and3A_30 : vector<16xi32>
          %gather3A_440 = arith.constant 0 : i32
          %gather3A_441 = arith.constant 0 : i32
          %gather3A_442 = tpu.memref_slice %arg7[%scan3A_327, %gather3A_440, %gather3A_441] : memref<2x400x64xi32, #tpu.memory_space<vmem>> -> memref<1x400x64xi32, #tpu.memory_space<vmem>>
          %gather3A_443 = tpu.memref_squeeze %gather3A_442 : memref<1x400x64xi32, #tpu.memory_space<vmem>> -> memref<400x64xi32, #tpu.memory_space<vmem>>
          %gather3A_444 = tpu.vector_load_idx %gather3A_443[%broadcast_in_dim3A_7, %add3A_439] : memref<400x64xi32, #tpu.memory_space<vmem>>[vector<16xi32>, vector<16xi32>], vector<16xi32>,
          %gather3A_445 = arith.constant 0 : i32
          %gather3A_446 = arith.constant 0 : i32
          %gather3A_447 = tpu.memref_slice %arg8[%scan3A_328, %gather3A_445, %gather3A_446] : memref<2x400x64xi32, #tpu.memory_space<vmem>> -> memref<1x400x64xi32, #tpu.memory_space<vmem>>
          %gather3A_448 = tpu.memref_squeeze %gather3A_447 : memref<1x400x64xi32, #tpu.memory_space<vmem>> -> memref<400x64xi32, #tpu.memory_space<vmem>>
          %gather3A_449 = tpu.vector_load_idx %gather3A_448[%broadcast_in_dim3A_7, %add3A_439] : memref<400x64xi32, #tpu.memory_space<vmem>>[vector<16xi32>, vector<16xi32>], vector<16xi32>,
          %bitcast3A_450 = vector.bitcast %gather3A_444 : vector<16xi32> to vector<32xbf16>
          %bitcast3A_451 = vector.bitcast %gather3A_449 : vector<16xi32> to vector<32xbf16>
          %mul3A_452 = arith.mulf %bitcast3A_450, %bitcast3A_451 : vector<32xbf16>
          %unpack3A_453 = tpu.unpack_subelements %mul3A_452, 0 {pack_format = #tpu.pack_format<interleaved>} : vector<32xbf16> -> vector<16xf32>
          %unpack3A_454 = tpu.unpack_subelements %mul3A_452, 1 {pack_format = #tpu.pack_format<interleaved>} : vector<32xbf16> -> vector<16xf32>
          %add3A_455 = arith.addf %add3A_419, %unpack3A_453 : vector<16xf32>
          %add3A_456 = arith.addf %add3A_420, %unpack3A_454 : vector<16xf32>
          %add3A_457 = arith.addi %add3A_387, %and3A_36 : vector<16xi32>
          %gather3A_458 = arith.constant 0 : i32
          %gather3A_459 = arith.constant 0 : i32
          %gather3A_460 = tpu.memref_slice %arg7[%scan3A_327, %gather3A_458, %gather3A_459] : memref<2x400x64xi32, #tpu.memory_space<vmem>> -> memref<1x400x64xi32, #tpu.memory_space<vmem>>
          %gather3A_461 = tpu.memref_squeeze %gather3A_460 : memref<1x400x64xi32, #tpu.memory_space<vmem>> -> memref<400x64xi32, #tpu.memory_space<vmem>>
          %gather3A_462 = tpu.vector_load_idx %gather3A_461[%broadcast_in_dim3A_7, %add3A_457] : memref<400x64xi32, #tpu.memory_space<vmem>>[vector<16xi32>, vector<16xi32>], vector<16xi32>,
          %gather3A_463 = arith.constant 0 : i32
          %gather3A_464 = arith.constant 0 : i32
          %gather3A_465 = tpu.memref_slice %arg8[%scan3A_328, %gather3A_463, %gather3A_464] : memref<2x400x64xi32, #tpu.memory_space<vmem>> -> memref<1x400x64xi32, #tpu.memory_space<vmem>>
          %gather3A_466 = tpu.memref_squeeze %gather3A_465 : memref<1x400x64xi32, #tpu.memory_space<vmem>> -> memref<400x64xi32, #tpu.memory_space<vmem>>
          %gather3A_467 = tpu.vector_load_idx %gather3A_466[%broadcast_in_dim3A_7, %add3A_457] : memref<400x64xi32, #tpu.memory_space<vmem>>[vector<16xi32>, vector<16xi32>], vector<16xi32>,
          %bitcast3A_468 = vector.bitcast %gather3A_462 : vector<16xi32> to vector<32xbf16>
          %bitcast3A_469 = vector.bitcast %gather3A_467 : vector<16xi32> to vector<32xbf16>
          %mul3A_470 = arith.mulf %bitcast3A_468, %bitcast3A_469 : vector<32xbf16>
          %unpack3A_471 = tpu.unpack_subelements %mul3A_470, 0 {pack_format = #tpu.pack_format<interleaved>} : vector<32xbf16> -> vector<16xf32>
          %unpack3A_472 = tpu.unpack_subelements %mul3A_470, 1 {pack_format = #tpu.pack_format<interleaved>} : vector<32xbf16> -> vector<16xf32>
          %add3A_473 = arith.addf %add3A_437, %unpack3A_471 : vector<16xf32>
          %add3A_474 = arith.addf %add3A_438, %unpack3A_472 : vector<16xf32>
          %add3A_475 = arith.addi %add3A_387, %and3A_42 : vector<16xi32>
          %gather3A_476 = arith.constant 0 : i32
          %gather3A_477 = arith.constant 0 : i32
          %gather3A_478 = tpu.memref_slice %arg7[%scan3A_327, %gather3A_476, %gather3A_477] : memref<2x400x64xi32, #tpu.memory_space<vmem>> -> memref<1x400x64xi32, #tpu.memory_space<vmem>>
          %gather3A_479 = tpu.memref_squeeze %gather3A_478 : memref<1x400x64xi32, #tpu.memory_space<vmem>> -> memref<400x64xi32, #tpu.memory_space<vmem>>
          %gather3A_480 = tpu.vector_load_idx %gather3A_479[%broadcast_in_dim3A_7, %add3A_475] : memref<400x64xi32, #tpu.memory_space<vmem>>[vector<16xi32>, vector<16xi32>], vector<16xi32>,
          %gather3A_481 = arith.constant 0 : i32
          %gather3A_482 = arith.constant 0 : i32
          %gather3A_483 = tpu.memref_slice %arg8[%scan3A_328, %gather3A_481, %gather3A_482] : memref<2x400x64xi32, #tpu.memory_space<vmem>> -> memref<1x400x64xi32, #tpu.memory_space<vmem>>
          %gather3A_484 = tpu.memref_squeeze %gather3A_483 : memref<1x400x64xi32, #tpu.memory_space<vmem>> -> memref<400x64xi32, #tpu.memory_space<vmem>>
          %gather3A_485 = tpu.vector_load_idx %gather3A_484[%broadcast_in_dim3A_7, %add3A_475] : memref<400x64xi32, #tpu.memory_space<vmem>>[vector<16xi32>, vector<16xi32>], vector<16xi32>,
          %bitcast3A_486 = vector.bitcast %gather3A_480 : vector<16xi32> to vector<32xbf16>
          %bitcast3A_487 = vector.bitcast %gather3A_485 : vector<16xi32> to vector<32xbf16>
          %mul3A_488 = arith.mulf %bitcast3A_486, %bitcast3A_487 : vector<32xbf16>
          %unpack3A_489 = tpu.unpack_subelements %mul3A_488, 0 {pack_format = #tpu.pack_format<interleaved>} : vector<32xbf16> -> vector<16xf32>
          %unpack3A_490 = tpu.unpack_subelements %mul3A_488, 1 {pack_format = #tpu.pack_format<interleaved>} : vector<32xbf16> -> vector<16xf32>
          %add3A_491 = arith.addf %add3A_455, %unpack3A_489 : vector<16xf32>
          %add3A_492 = arith.addf %add3A_456, %unpack3A_490 : vector<16xf32>
          %add3A_493 = arith.addi %add3A_387, %and3A_48 : vector<16xi32>
          %gather3A_494 = arith.constant 0 : i32
          %gather3A_495 = arith.constant 0 : i32
          %gather3A_496 = tpu.memref_slice %arg7[%scan3A_327, %gather3A_494, %gather3A_495] : memref<2x400x64xi32, #tpu.memory_space<vmem>> -> memref<1x400x64xi32, #tpu.memory_space<vmem>>
          %gather3A_497 = tpu.memref_squeeze %gather3A_496 : memref<1x400x64xi32, #tpu.memory_space<vmem>> -> memref<400x64xi32, #tpu.memory_space<vmem>>
          %gather3A_498 = tpu.vector_load_idx %gather3A_497[%broadcast_in_dim3A_7, %add3A_493] : memref<400x64xi32, #tpu.memory_space<vmem>>[vector<16xi32>, vector<16xi32>], vector<16xi32>,
          %gather3A_499 = arith.constant 0 : i32
          %gather3A_500 = arith.constant 0 : i32
          %gather3A_501 = tpu.memref_slice %arg8[%scan3A_328, %gather3A_499, %gather3A_500] : memref<2x400x64xi32, #tpu.memory_space<vmem>> -> memref<1x400x64xi32, #tpu.memory_space<vmem>>
          %gather3A_502 = tpu.memref_squeeze %gather3A_501 : memref<1x400x64xi32, #tpu.memory_space<vmem>> -> memref<400x64xi32, #tpu.memory_space<vmem>>
          %gather3A_503 = tpu.vector_load_idx %gather3A_502[%broadcast_in_dim3A_7, %add3A_493] : memref<400x64xi32, #tpu.memory_space<vmem>>[vector<16xi32>, vector<16xi32>], vector<16xi32>,
          %bitcast3A_504 = vector.bitcast %gather3A_498 : vector<16xi32> to vector<32xbf16>
          %bitcast3A_505 = vector.bitcast %gather3A_503 : vector<16xi32> to vector<32xbf16>
          %mul3A_506 = arith.mulf %bitcast3A_504, %bitcast3A_505 : vector<32xbf16>
          %unpack3A_507 = tpu.unpack_subelements %mul3A_506, 0 {pack_format = #tpu.pack_format<interleaved>} : vector<32xbf16> -> vector<16xf32>
          %unpack3A_508 = tpu.unpack_subelements %mul3A_506, 1 {pack_format = #tpu.pack_format<interleaved>} : vector<32xbf16> -> vector<16xf32>
          %add3A_509 = arith.addf %add3A_473, %unpack3A_507 : vector<16xf32>
          %add3A_510 = arith.addf %add3A_474, %unpack3A_508 : vector<16xf32>
          %add3A_511 = arith.addi %add3A_387, %and3A_54 : vector<16xi32>
          %gather3A_512 = arith.constant 0 : i32
          %gather3A_513 = arith.constant 0 : i32
          %gather3A_514 = tpu.memref_slice %arg7[%scan3A_327, %gather3A_512, %gather3A_513] : memref<2x400x64xi32, #tpu.memory_space<vmem>> -> memref<1x400x64xi32, #tpu.memory_space<vmem>>
          %gather3A_515 = tpu.memref_squeeze %gather3A_514 : memref<1x400x64xi32, #tpu.memory_space<vmem>> -> memref<400x64xi32, #tpu.memory_space<vmem>>
          %gather3A_516 = tpu.vector_load_idx %gather3A_515[%broadcast_in_dim3A_7, %add3A_511] : memref<400x64xi32, #tpu.memory_space<vmem>>[vector<16xi32>, vector<16xi32>], vector<16xi32>,
          %gather3A_517 = arith.constant 0 : i32
          %gather3A_518 = arith.constant 0 : i32
          %gather3A_519 = tpu.memref_slice %arg8[%scan3A_328, %gather3A_517, %gather3A_518] : memref<2x400x64xi32, #tpu.memory_space<vmem>> -> memref<1x400x64xi32, #tpu.memory_space<vmem>>
          %gather3A_520 = tpu.memref_squeeze %gather3A_519 : memref<1x400x64xi32, #tpu.memory_space<vmem>> -> memref<400x64xi32, #tpu.memory_space<vmem>>
          %gather3A_521 = tpu.vector_load_idx %gather3A_520[%broadcast_in_dim3A_7, %add3A_511] : memref<400x64xi32, #tpu.memory_space<vmem>>[vector<16xi32>, vector<16xi32>], vector<16xi32>,
          %bitcast3A_522 = vector.bitcast %gather3A_516 : vector<16xi32> to vector<32xbf16>
          %bitcast3A_523 = vector.bitcast %gather3A_521 : vector<16xi32> to vector<32xbf16>
          %mul3A_524 = arith.mulf %bitcast3A_522, %bitcast3A_523 : vector<32xbf16>
          %unpack3A_525 = tpu.unpack_subelements %mul3A_524, 0 {pack_format = #tpu.pack_format<interleaved>} : vector<32xbf16> -> vector<16xf32>
          %unpack3A_526 = tpu.unpack_subelements %mul3A_524, 1 {pack_format = #tpu.pack_format<interleaved>} : vector<32xbf16> -> vector<16xf32>
          %add3A_527 = arith.addf %add3A_491, %unpack3A_525 : vector<16xf32>
          %add3A_528 = arith.addf %add3A_492, %unpack3A_526 : vector<16xf32>
          %add3A_529 = arith.addi %add3A_387, %and3A_60 : vector<16xi32>
          %gather3A_530 = arith.constant 0 : i32
          %gather3A_531 = arith.constant 0 : i32
          %gather3A_532 = tpu.memref_slice %arg7[%scan3A_327, %gather3A_530, %gather3A_531] : memref<2x400x64xi32, #tpu.memory_space<vmem>> -> memref<1x400x64xi32, #tpu.memory_space<vmem>>
          %gather3A_533 = tpu.memref_squeeze %gather3A_532 : memref<1x400x64xi32, #tpu.memory_space<vmem>> -> memref<400x64xi32, #tpu.memory_space<vmem>>
          %gather3A_534 = tpu.vector_load_idx %gather3A_533[%broadcast_in_dim3A_7, %add3A_529] : memref<400x64xi32, #tpu.memory_space<vmem>>[vector<16xi32>, vector<16xi32>], vector<16xi32>,
          %gather3A_535 = arith.constant 0 : i32
          %gather3A_536 = arith.constant 0 : i32
          %gather3A_537 = tpu.memref_slice %arg8[%scan3A_328, %gather3A_535, %gather3A_536] : memref<2x400x64xi32, #tpu.memory_space<vmem>> -> memref<1x400x64xi32, #tpu.memory_space<vmem>>
          %gather3A_538 = tpu.memref_squeeze %gather3A_537 : memref<1x400x64xi32, #tpu.memory_space<vmem>> -> memref<400x64xi32, #tpu.memory_space<vmem>>
          %gather3A_539 = tpu.vector_load_idx %gather3A_538[%broadcast_in_dim3A_7, %add3A_529] : memref<400x64xi32, #tpu.memory_space<vmem>>[vector<16xi32>, vector<16xi32>], vector<16xi32>,
          %bitcast3A_540 = vector.bitcast %gather3A_534 : vector<16xi32> to vector<32xbf16>
          %bitcast3A_541 = vector.bitcast %gather3A_539 : vector<16xi32> to vector<32xbf16>
          %mul3A_542 = arith.mulf %bitcast3A_540, %bitcast3A_541 : vector<32xbf16>
          %unpack3A_543 = tpu.unpack_subelements %mul3A_542, 0 {pack_format = #tpu.pack_format<interleaved>} : vector<32xbf16> -> vector<16xf32>
          %unpack3A_544 = tpu.unpack_subelements %mul3A_542, 1 {pack_format = #tpu.pack_format<interleaved>} : vector<32xbf16> -> vector<16xf32>
          %add3A_545 = arith.addf %add3A_509, %unpack3A_543 : vector<16xf32>
          %add3A_546 = arith.addf %add3A_510, %unpack3A_544 : vector<16xf32>
          %add3A_547 = arith.addi %add3A_387, %and3A_66 : vector<16xi32>
          %gather3A_548 = arith.constant 0 : i32
          %gather3A_549 = arith.constant 0 : i32
          %gather3A_550 = tpu.memref_slice %arg7[%scan3A_327, %gather3A_548, %gather3A_549] : memref<2x400x64xi32, #tpu.memory_space<vmem>> -> memref<1x400x64xi32, #tpu.memory_space<vmem>>
          %gather3A_551 = tpu.memref_squeeze %gather3A_550 : memref<1x400x64xi32, #tpu.memory_space<vmem>> -> memref<400x64xi32, #tpu.memory_space<vmem>>
          %gather3A_552 = tpu.vector_load_idx %gather3A_551[%broadcast_in_dim3A_7, %add3A_547] : memref<400x64xi32, #tpu.memory_space<vmem>>[vector<16xi32>, vector<16xi32>], vector<16xi32>,
          %gather3A_553 = arith.constant 0 : i32
          %gather3A_554 = arith.constant 0 : i32
          %gather3A_555 = tpu.memref_slice %arg8[%scan3A_328, %gather3A_553, %gather3A_554] : memref<2x400x64xi32, #tpu.memory_space<vmem>> -> memref<1x400x64xi32, #tpu.memory_space<vmem>>
          %gather3A_556 = tpu.memref_squeeze %gather3A_555 : memref<1x400x64xi32, #tpu.memory_space<vmem>> -> memref<400x64xi32, #tpu.memory_space<vmem>>
          %gather3A_557 = tpu.vector_load_idx %gather3A_556[%broadcast_in_dim3A_7, %add3A_547] : memref<400x64xi32, #tpu.memory_space<vmem>>[vector<16xi32>, vector<16xi32>], vector<16xi32>,
          %bitcast3A_558 = vector.bitcast %gather3A_552 : vector<16xi32> to vector<32xbf16>
          %bitcast3A_559 = vector.bitcast %gather3A_557 : vector<16xi32> to vector<32xbf16>
          %mul3A_560 = arith.mulf %bitcast3A_558, %bitcast3A_559 : vector<32xbf16>
          %unpack3A_561 = tpu.unpack_subelements %mul3A_560, 0 {pack_format = #tpu.pack_format<interleaved>} : vector<32xbf16> -> vector<16xf32>
          %unpack3A_562 = tpu.unpack_subelements %mul3A_560, 1 {pack_format = #tpu.pack_format<interleaved>} : vector<32xbf16> -> vector<16xf32>
          %add3A_563 = arith.addf %add3A_527, %unpack3A_561 : vector<16xf32>
          %add3A_564 = arith.addf %add3A_528, %unpack3A_562 : vector<16xf32>
          %add3A_565 = arith.addi %add3A_387, %and3A_72 : vector<16xi32>
          %gather3A_566 = arith.constant 0 : i32
          %gather3A_567 = arith.constant 0 : i32
          %gather3A_568 = tpu.memref_slice %arg7[%scan3A_327, %gather3A_566, %gather3A_567] : memref<2x400x64xi32, #tpu.memory_space<vmem>> -> memref<1x400x64xi32, #tpu.memory_space<vmem>>
          %gather3A_569 = tpu.memref_squeeze %gather3A_568 : memref<1x400x64xi32, #tpu.memory_space<vmem>> -> memref<400x64xi32, #tpu.memory_space<vmem>>
          %gather3A_570 = tpu.vector_load_idx %gather3A_569[%broadcast_in_dim3A_7, %add3A_565] : memref<400x64xi32, #tpu.memory_space<vmem>>[vector<16xi32>, vector<16xi32>], vector<16xi32>,
          %gather3A_571 = arith.constant 0 : i32
          %gather3A_572 = arith.constant 0 : i32
          %gather3A_573 = tpu.memref_slice %arg8[%scan3A_328, %gather3A_571, %gather3A_572] : memref<2x400x64xi32, #tpu.memory_space<vmem>> -> memref<1x400x64xi32, #tpu.memory_space<vmem>>
          %gather3A_574 = tpu.memref_squeeze %gather3A_573 : memref<1x400x64xi32, #tpu.memory_space<vmem>> -> memref<400x64xi32, #tpu.memory_space<vmem>>
          %gather3A_575 = tpu.vector_load_idx %gather3A_574[%broadcast_in_dim3A_7, %add3A_565] : memref<400x64xi32, #tpu.memory_space<vmem>>[vector<16xi32>, vector<16xi32>], vector<16xi32>,
          %bitcast3A_576 = vector.bitcast %gather3A_570 : vector<16xi32> to vector<32xbf16>
          %bitcast3A_577 = vector.bitcast %gather3A_575 : vector<16xi32> to vector<32xbf16>
          %mul3A_578 = arith.mulf %bitcast3A_576, %bitcast3A_577 : vector<32xbf16>
          %unpack3A_579 = tpu.unpack_subelements %mul3A_578, 0 {pack_format = #tpu.pack_format<interleaved>} : vector<32xbf16> -> vector<16xf32>
          %unpack3A_580 = tpu.unpack_subelements %mul3A_578, 1 {pack_format = #tpu.pack_format<interleaved>} : vector<32xbf16> -> vector<16xf32>
          %add3A_581 = arith.addf %add3A_545, %unpack3A_579 : vector<16xf32>
          %add3A_582 = arith.addf %add3A_546, %unpack3A_580 : vector<16xf32>
          %add3A_583 = arith.addi %add3A_387, %and3A_78 : vector<16xi32>
          %gather3A_584 = arith.constant 0 : i32
          %gather3A_585 = arith.constant 0 : i32
          %gather3A_586 = tpu.memref_slice %arg7[%scan3A_327, %gather3A_584, %gather3A_585] : memref<2x400x64xi32, #tpu.memory_space<vmem>> -> memref<1x400x64xi32, #tpu.memory_space<vmem>>
          %gather3A_587 = tpu.memref_squeeze %gather3A_586 : memref<1x400x64xi32, #tpu.memory_space<vmem>> -> memref<400x64xi32, #tpu.memory_space<vmem>>
          %gather3A_588 = tpu.vector_load_idx %gather3A_587[%broadcast_in_dim3A_7, %add3A_583] : memref<400x64xi32, #tpu.memory_space<vmem>>[vector<16xi32>, vector<16xi32>], vector<16xi32>,
          %gather3A_589 = arith.constant 0 : i32
          %gather3A_590 = arith.constant 0 : i32
          %gather3A_591 = tpu.memref_slice %arg8[%scan3A_328, %gather3A_589, %gather3A_590] : memref<2x400x64xi32, #tpu.memory_space<vmem>> -> memref<1x400x64xi32, #tpu.memory_space<vmem>>
          %gather3A_592 = tpu.memref_squeeze %gather3A_591 : memref<1x400x64xi32, #tpu.memory_space<vmem>> -> memref<400x64xi32, #tpu.memory_space<vmem>>
          %gather3A_593 = tpu.vector_load_idx %gather3A_592[%broadcast_in_dim3A_7, %add3A_583] : memref<400x64xi32, #tpu.memory_space<vmem>>[vector<16xi32>, vector<16xi32>], vector<16xi32>,
          %bitcast3A_594 = vector.bitcast %gather3A_588 : vector<16xi32> to vector<32xbf16>
          %bitcast3A_595 = vector.bitcast %gather3A_593 : vector<16xi32> to vector<32xbf16>
          %mul3A_596 = arith.mulf %bitcast3A_594, %bitcast3A_595 : vector<32xbf16>
          %unpack3A_597 = tpu.unpack_subelements %mul3A_596, 0 {pack_format = #tpu.pack_format<interleaved>} : vector<32xbf16> -> vector<16xf32>
          %unpack3A_598 = tpu.unpack_subelements %mul3A_596, 1 {pack_format = #tpu.pack_format<interleaved>} : vector<32xbf16> -> vector<16xf32>
          %add3A_599 = arith.addf %add3A_563, %unpack3A_597 : vector<16xf32>
          %add3A_600 = arith.addf %add3A_564, %unpack3A_598 : vector<16xf32>
          %add3A_601 = arith.addi %add3A_387, %and3A_84 : vector<16xi32>
          %gather3A_602 = arith.constant 0 : i32
          %gather3A_603 = arith.constant 0 : i32
          %gather3A_604 = tpu.memref_slice %arg7[%scan3A_327, %gather3A_602, %gather3A_603] : memref<2x400x64xi32, #tpu.memory_space<vmem>> -> memref<1x400x64xi32, #tpu.memory_space<vmem>>
          %gather3A_605 = tpu.memref_squeeze %gather3A_604 : memref<1x400x64xi32, #tpu.memory_space<vmem>> -> memref<400x64xi32, #tpu.memory_space<vmem>>
          %gather3A_606 = tpu.vector_load_idx %gather3A_605[%broadcast_in_dim3A_7, %add3A_601] : memref<400x64xi32, #tpu.memory_space<vmem>>[vector<16xi32>, vector<16xi32>], vector<16xi32>,
          %gather3A_607 = arith.constant 0 : i32
          %gather3A_608 = arith.constant 0 : i32
          %gather3A_609 = tpu.memref_slice %arg8[%scan3A_328, %gather3A_607, %gather3A_608] : memref<2x400x64xi32, #tpu.memory_space<vmem>> -> memref<1x400x64xi32, #tpu.memory_space<vmem>>
          %gather3A_610 = tpu.memref_squeeze %gather3A_609 : memref<1x400x64xi32, #tpu.memory_space<vmem>> -> memref<400x64xi32, #tpu.memory_space<vmem>>
          %gather3A_611 = tpu.vector_load_idx %gather3A_610[%broadcast_in_dim3A_7, %add3A_601] : memref<400x64xi32, #tpu.memory_space<vmem>>[vector<16xi32>, vector<16xi32>], vector<16xi32>,
          %bitcast3A_612 = vector.bitcast %gather3A_606 : vector<16xi32> to vector<32xbf16>
          %bitcast3A_613 = vector.bitcast %gather3A_611 : vector<16xi32> to vector<32xbf16>
          %mul3A_614 = arith.mulf %bitcast3A_612, %bitcast3A_613 : vector<32xbf16>
          %unpack3A_615 = tpu.unpack_subelements %mul3A_614, 0 {pack_format = #tpu.pack_format<interleaved>} : vector<32xbf16> -> vector<16xf32>
          %unpack3A_616 = tpu.unpack_subelements %mul3A_614, 1 {pack_format = #tpu.pack_format<interleaved>} : vector<32xbf16> -> vector<16xf32>
          %add3A_617 = arith.addf %add3A_581, %unpack3A_615 : vector<16xf32>
          %add3A_618 = arith.addf %add3A_582, %unpack3A_616 : vector<16xf32>
          %add3A_619 = arith.addi %add3A_387, %and3A_90 : vector<16xi32>
          %gather3A_620 = arith.constant 0 : i32
          %gather3A_621 = arith.constant 0 : i32
          %gather3A_622 = tpu.memref_slice %arg7[%scan3A_327, %gather3A_620, %gather3A_621] : memref<2x400x64xi32, #tpu.memory_space<vmem>> -> memref<1x400x64xi32, #tpu.memory_space<vmem>>
          %gather3A_623 = tpu.memref_squeeze %gather3A_622 : memref<1x400x64xi32, #tpu.memory_space<vmem>> -> memref<400x64xi32, #tpu.memory_space<vmem>>
          %gather3A_624 = tpu.vector_load_idx %gather3A_623[%broadcast_in_dim3A_7, %add3A_619] : memref<400x64xi32, #tpu.memory_space<vmem>>[vector<16xi32>, vector<16xi32>], vector<16xi32>,
          %gather3A_625 = arith.constant 0 : i32
          %gather3A_626 = arith.constant 0 : i32
          %gather3A_627 = tpu.memref_slice %arg8[%scan3A_328, %gather3A_625, %gather3A_626] : memref<2x400x64xi32, #tpu.memory_space<vmem>> -> memref<1x400x64xi32, #tpu.memory_space<vmem>>
          %gather3A_628 = tpu.memref_squeeze %gather3A_627 : memref<1x400x64xi32, #tpu.memory_space<vmem>> -> memref<400x64xi32, #tpu.memory_space<vmem>>
          %gather3A_629 = tpu.vector_load_idx %gather3A_628[%broadcast_in_dim3A_7, %add3A_619] : memref<400x64xi32, #tpu.memory_space<vmem>>[vector<16xi32>, vector<16xi32>], vector<16xi32>,
          %bitcast3A_630 = vector.bitcast %gather3A_624 : vector<16xi32> to vector<32xbf16>
          %bitcast3A_631 = vector.bitcast %gather3A_629 : vector<16xi32> to vector<32xbf16>
          %mul3A_632 = arith.mulf %bitcast3A_630, %bitcast3A_631 : vector<32xbf16>
          %unpack3A_633 = tpu.unpack_subelements %mul3A_632, 0 {pack_format = #tpu.pack_format<interleaved>} : vector<32xbf16> -> vector<16xf32>
          %unpack3A_634 = tpu.unpack_subelements %mul3A_632, 1 {pack_format = #tpu.pack_format<interleaved>} : vector<32xbf16> -> vector<16xf32>
          %add3A_635 = arith.addf %add3A_599, %unpack3A_633 : vector<16xf32>
          %add3A_636 = arith.addf %add3A_600, %unpack3A_634 : vector<16xf32>
          %add3A_637 = arith.addi %add3A_387, %and3A_96 : vector<16xi32>
          %gather3A_638 = arith.constant 0 : i32
          %gather3A_639 = arith.constant 0 : i32
          %gather3A_640 = tpu.memref_slice %arg7[%scan3A_327, %gather3A_638, %gather3A_639] : memref<2x400x64xi32, #tpu.memory_space<vmem>> -> memref<1x400x64xi32, #tpu.memory_space<vmem>>
          %gather3A_641 = tpu.memref_squeeze %gather3A_640 : memref<1x400x64xi32, #tpu.memory_space<vmem>> -> memref<400x64xi32, #tpu.memory_space<vmem>>
          %gather3A_642 = tpu.vector_load_idx %gather3A_641[%broadcast_in_dim3A_7, %add3A_637] : memref<400x64xi32, #tpu.memory_space<vmem>>[vector<16xi32>, vector<16xi32>], vector<16xi32>,
          %gather3A_643 = arith.constant 0 : i32
          %gather3A_644 = arith.constant 0 : i32
          %gather3A_645 = tpu.memref_slice %arg8[%scan3A_328, %gather3A_643, %gather3A_644] : memref<2x400x64xi32, #tpu.memory_space<vmem>> -> memref<1x400x64xi32, #tpu.memory_space<vmem>>
          %gather3A_646 = tpu.memref_squeeze %gather3A_645 : memref<1x400x64xi32, #tpu.memory_space<vmem>> -> memref<400x64xi32, #tpu.memory_space<vmem>>
          %gather3A_647 = tpu.vector_load_idx %gather3A_646[%broadcast_in_dim3A_7, %add3A_637] : memref<400x64xi32, #tpu.memory_space<vmem>>[vector<16xi32>, vector<16xi32>], vector<16xi32>,
          %bitcast3A_648 = vector.bitcast %gather3A_642 : vector<16xi32> to vector<32xbf16>
          %bitcast3A_649 = vector.bitcast %gather3A_647 : vector<16xi32> to vector<32xbf16>
          %mul3A_650 = arith.mulf %bitcast3A_648, %bitcast3A_649 : vector<32xbf16>
          %unpack3A_651 = tpu.unpack_subelements %mul3A_650, 0 {pack_format = #tpu.pack_format<interleaved>} : vector<32xbf16> -> vector<16xf32>
          %unpack3A_652 = tpu.unpack_subelements %mul3A_650, 1 {pack_format = #tpu.pack_format<interleaved>} : vector<32xbf16> -> vector<16xf32>
          %add3A_653 = arith.addf %add3A_617, %unpack3A_651 : vector<16xf32>
          %add3A_654 = arith.addf %add3A_618, %unpack3A_652 : vector<16xf32>
          %add3A_655 = arith.addi %add3A_387, %and3A_102 : vector<16xi32>
          %gather3A_656 = arith.constant 0 : i32
          %gather3A_657 = arith.constant 0 : i32
          %gather3A_658 = tpu.memref_slice %arg7[%scan3A_327, %gather3A_656, %gather3A_657] : memref<2x400x64xi32, #tpu.memory_space<vmem>> -> memref<1x400x64xi32, #tpu.memory_space<vmem>>
          %gather3A_659 = tpu.memref_squeeze %gather3A_658 : memref<1x400x64xi32, #tpu.memory_space<vmem>> -> memref<400x64xi32, #tpu.memory_space<vmem>>
          %gather3A_660 = tpu.vector_load_idx %gather3A_659[%broadcast_in_dim3A_7, %add3A_655] : memref<400x64xi32, #tpu.memory_space<vmem>>[vector<16xi32>, vector<16xi32>], vector<16xi32>,
          %gather3A_661 = arith.constant 0 : i32
          %gather3A_662 = arith.constant 0 : i32
          %gather3A_663 = tpu.memref_slice %arg8[%scan3A_328, %gather3A_661, %gather3A_662] : memref<2x400x64xi32, #tpu.memory_space<vmem>> -> memref<1x400x64xi32, #tpu.memory_space<vmem>>
          %gather3A_664 = tpu.memref_squeeze %gather3A_663 : memref<1x400x64xi32, #tpu.memory_space<vmem>> -> memref<400x64xi32, #tpu.memory_space<vmem>>
          %gather3A_665 = tpu.vector_load_idx %gather3A_664[%broadcast_in_dim3A_7, %add3A_655] : memref<400x64xi32, #tpu.memory_space<vmem>>[vector<16xi32>, vector<16xi32>], vector<16xi32>,
          %bitcast3A_666 = vector.bitcast %gather3A_660 : vector<16xi32> to vector<32xbf16>
          %bitcast3A_667 = vector.bitcast %gather3A_665 : vector<16xi32> to vector<32xbf16>
          %mul3A_668 = arith.mulf %bitcast3A_666, %bitcast3A_667 : vector<32xbf16>
          %unpack3A_669 = tpu.unpack_subelements %mul3A_668, 0 {pack_format = #tpu.pack_format<interleaved>} : vector<32xbf16> -> vector<16xf32>
          %unpack3A_670 = tpu.unpack_subelements %mul3A_668, 1 {pack_format = #tpu.pack_format<interleaved>} : vector<32xbf16> -> vector<16xf32>
          %add3A_671 = arith.addf %add3A_635, %unpack3A_669 : vector<16xf32>
          %add3A_672 = arith.addf %add3A_636, %unpack3A_670 : vector<16xf32>
          scf.yield %add3A_653, %add3A_654, %add3A_671, %add3A_672 : vector<16xf32>, vector<16xf32>, vector<16xf32>, vector<16xf32>
        }
        %scan3A_370 = arith.constant 4 : i32
        %add3A_371 = arith.addf %scan3A_369#0, %scan3A_369#1 : vector<16xf32>
        %add3A_372 = arith.addf %scan3A_369#2, %scan3A_369#3 : vector<16xf32>
        %add3A_373 = arith.addf %add3A_371, %add3A_372 : vector<16xf32>
        %mul3A_374 = arith.constant 16 : i32
        %mul3A_375 = arith.muli %scan3A_358, %mul3A_374 : i32
        %swap3A = arith.constant 1 : i32
        %swap3A_376 = arith.index_cast %swap3A : i32 to index
        %swap3A_377 = arith.index_cast %mul3A_375 : i32 to index
        %swap3A_378 = tpu.vector_load %arg9[%swap3A_376, %swap3A_377] {strides = array<i32>} : memref<2x400xf32, #tpu.memory_space<vmem>>, vector<16xf32>,
        tpu.vector_store %arg9[%swap3A_376, %swap3A_377], %add3A_373 {strides = array<i32>} : memref<2x400xf32, #tpu.memory_space<vmem>>, vector<16xf32>,
      }
      %scan3A_333 = arith.constant 25 : i32
      %scan3A_334 = arith.constant 0 : i32
      %scan3A_335 = arith.constant 0 : i32
      %scan3A_336 = arith.constant 25 : i32
      %scan3A_337 = arith.addi %scan3A_335, %scan3A_336 : i32
      %scan3A_338 = arith.constant 5 : i32
      scf.for %scan3A_358 = %scan3A_335 to %scan3A_337 step %scan3A_338  : i32 {
        %mul3A_359 = arith.constant 16 : i32
        %mul3A_360 = arith.muli %scan3A_358, %mul3A_359 : i32
        %get3A = arith.constant 1 : i32
        %get3A_361 = arith.index_cast %get3A : i32 to index
        %get3A_362 = arith.index_cast %mul3A_360 : i32 to index
        %get3A_363 = tpu.vector_load %arg9[%get3A_361, %get3A_362] {strides = array<i32>} : memref<2x400xf32, #tpu.memory_space<vmem>>, vector<16xf32>,
        %neg3A = arith.constant 0.000000e+00 : f32
        %neg3A_364 = vector.broadcast %neg3A : f32 to vector<16xf32>
        %neg3A_365 = arith.subf %neg3A_364, %get3A_363 : vector<16xf32>
        %exp3A = math.exp %neg3A_365 : vector<16xf32>
        %add3A_366 = arith.constant 1.000000e+00 : f32
        %add3A_367 = vector.broadcast %add3A_366 : f32 to vector<16xf32>
        %add3A_368 = arith.addf %add3A_367, %exp3A : vector<16xf32>
        %div3A = arith.constant 1.000000e+00 : f32
        %div3A_369 = vector.broadcast %div3A : f32 to vector<16xf32>
        %div3A_370 = arith.divf %div3A_369, %add3A_368 : vector<16xf32>
        %mul3A_371 = arith.constant 16 : i32
        %mul3A_372 = arith.muli %scan3A_358, %mul3A_371 : i32
        %swap3A = arith.constant 1 : i32
        %swap3A_373 = arith.index_cast %swap3A : i32 to index
        %swap3A_374 = arith.index_cast %mul3A_372 : i32 to index
        %swap3A_375 = tpu.vector_load %arg9[%swap3A_373, %swap3A_374] {strides = array<i32>} : memref<2x400xf32, #tpu.memory_space<vmem>>, vector<16xf32>,
        tpu.vector_store %arg9[%swap3A_373, %swap3A_374], %div3A_370 {strides = array<i32>} : memref<2x400xf32, #tpu.memory_space<vmem>>, vector<16xf32>,
        %scan3A_376 = arith.constant 1 : i32
        %scan3A_377 = arith.addi %scan3A_358, %scan3A_376 : i32
        %mul3A_378 = arith.constant 16 : i32
        %mul3A_379 = arith.muli %scan3A_377, %mul3A_378 : i32
        %get3A_380 = arith.constant 1 : i32
        %get3A_381 = arith.index_cast %get3A_380 : i32 to index
        %get3A_382 = arith.index_cast %mul3A_379 : i32 to index
        %get3A_383 = tpu.vector_load %arg9[%get3A_381, %get3A_382] {strides = array<i32>} : memref<2x400xf32, #tpu.memory_space<vmem>>, vector<16xf32>,
        %neg3A_384 = arith.constant 0.000000e+00 : f32
        %neg3A_385 = vector.broadcast %neg3A_384 : f32 to vector<16xf32>
        %neg3A_386 = arith.subf %neg3A_385, %get3A_383 : vector<16xf32>
        %exp3A_387 = math.exp %neg3A_386 : vector<16xf32>
        %add3A_388 = arith.constant 1.000000e+00 : f32
        %add3A_389 = vector.broadcast %add3A_388 : f32 to vector<16xf32>
        %add3A_390 = arith.addf %add3A_389, %exp3A_387 : vector<16xf32>
        %div3A_391 = arith.constant 1.000000e+00 : f32
        %div3A_392 = vector.broadcast %div3A_391 : f32 to vector<16xf32>
        %div3A_393 = arith.divf %div3A_392, %add3A_390 : vector<16xf32>
        %mul3A_394 = arith.constant 16 : i32
        %mul3A_395 = arith.muli %scan3A_377, %mul3A_394 : i32
        %swap3A_396 = arith.constant 1 : i32
        %swap3A_397 = arith.index_cast %swap3A_396 : i32 to index
        %swap3A_398 = arith.index_cast %mul3A_395 : i32 to index
        %swap3A_399 = tpu.vector_load %arg9[%swap3A_397, %swap3A_398] {strides = array<i32>} : memref<2x400xf32, #tpu.memory_space<vmem>>, vector<16xf32>,
        tpu.vector_store %arg9[%swap3A_397, %swap3A_398], %div3A_393 {strides = array<i32>} : memref<2x400xf32, #tpu.memory_space<vmem>>, vector<16xf32>,
        %scan3A_400 = arith.constant 2 : i32
        %scan3A_401 = arith.addi %scan3A_358, %scan3A_400 : i32
        %mul3A_402 = arith.constant 16 : i32
        %mul3A_403 = arith.muli %scan3A_401, %mul3A_402 : i32
        %get3A_404 = arith.constant 1 : i32
        %get3A_405 = arith.index_cast %get3A_404 : i32 to index
        %get3A_406 = arith.index_cast %mul3A_403 : i32 to index
        %get3A_407 = tpu.vector_load %arg9[%get3A_405, %get3A_406] {strides = array<i32>} : memref<2x400xf32, #tpu.memory_space<vmem>>, vector<16xf32>,
        %neg3A_408 = arith.constant 0.000000e+00 : f32
        %neg3A_409 = vector.broadcast %neg3A_408 : f32 to vector<16xf32>
        %neg3A_410 = arith.subf %neg3A_409, %get3A_407 : vector<16xf32>
        %exp3A_411 = math.exp %neg3A_410 : vector<16xf32>
        %add3A_412 = arith.constant 1.000000e+00 : f32
        %add3A_413 = vector.broadcast %add3A_412 : f32 to vector<16xf32>
        %add3A_414 = arith.addf %add3A_413, %exp3A_411 : vector<16xf32>
        %div3A_415 = arith.constant 1.000000e+00 : f32
        %div3A_416 = vector.broadcast %div3A_415 : f32 to vector<16xf32>
        %div3A_417 = arith.divf %div3A_416, %add3A_414 : vector<16xf32>
        %mul3A_418 = arith.constant 16 : i32
        %mul3A_419 = arith.muli %scan3A_401, %mul3A_418 : i32
        %swap3A_420 = arith.constant 1 : i32
        %swap3A_421 = arith.index_cast %swap3A_420 : i32 to index
        %swap3A_422 = arith.index_cast %mul3A_419 : i32 to index
        %swap3A_423 = tpu.vector_load %arg9[%swap3A_421, %swap3A_422] {strides = array<i32>} : memref<2x400xf32, #tpu.memory_space<vmem>>, vector<16xf32>,
        tpu.vector_store %arg9[%swap3A_421, %swap3A_422], %div3A_417 {strides = array<i32>} : memref<2x400xf32, #tpu.memory_space<vmem>>, vector<16xf32>,
        %scan3A_424 = arith.constant 3 : i32
        %scan3A_425 = arith.addi %scan3A_358, %scan3A_424 : i32
        %mul3A_426 = arith.constant 16 : i32
        %mul3A_427 = arith.muli %scan3A_425, %mul3A_426 : i32
        %get3A_428 = arith.constant 1 : i32
        %get3A_429 = arith.index_cast %get3A_428 : i32 to index
        %get3A_430 = arith.index_cast %mul3A_427 : i32 to index
        %get3A_431 = tpu.vector_load %arg9[%get3A_429, %get3A_430] {strides = array<i32>} : memref<2x400xf32, #tpu.memory_space<vmem>>, vector<16xf32>,
        %neg3A_432 = arith.constant 0.000000e+00 : f32
        %neg3A_433 = vector.broadcast %neg3A_432 : f32 to vector<16xf32>
        %neg3A_434 = arith.subf %neg3A_433, %get3A_431 : vector<16xf32>
        %exp3A_435 = math.exp %neg3A_434 : vector<16xf32>
        %add3A_436 = arith.constant 1.000000e+00 : f32
        %add3A_437 = vector.broadcast %add3A_436 : f32 to vector<16xf32>
        %add3A_438 = arith.addf %add3A_437, %exp3A_435 : vector<16xf32>
        %div3A_439 = arith.constant 1.000000e+00 : f32
        %div3A_440 = vector.broadcast %div3A_439 : f32 to vector<16xf32>
        %div3A_441 = arith.divf %div3A_440, %add3A_438 : vector<16xf32>
        %mul3A_442 = arith.constant 16 : i32
        %mul3A_443 = arith.muli %scan3A_425, %mul3A_442 : i32
        %swap3A_444 = arith.constant 1 : i32
        %swap3A_445 = arith.index_cast %swap3A_444 : i32 to index
        %swap3A_446 = arith.index_cast %mul3A_443 : i32 to index
        %swap3A_447 = tpu.vector_load %arg9[%swap3A_445, %swap3A_446] {strides = array<i32>} : memref<2x400xf32, #tpu.memory_space<vmem>>, vector<16xf32>,
        tpu.vector_store %arg9[%swap3A_445, %swap3A_446], %div3A_441 {strides = array<i32>} : memref<2x400xf32, #tpu.memory_space<vmem>>, vector<16xf32>,
        %scan3A_448 = arith.constant 4 : i32
        %scan3A_449 = arith.addi %scan3A_358, %scan3A_448 : i32
        %mul3A_450 = arith.constant 16 : i32
        %mul3A_451 = arith.muli %scan3A_449, %mul3A_450 : i32
        %get3A_452 = arith.constant 1 : i32
        %get3A_453 = arith.index_cast %get3A_452 : i32 to index
        %get3A_454 = arith.index_cast %mul3A_451 : i32 to index
        %get3A_455 = tpu.vector_load %arg9[%get3A_453, %get3A_454] {strides = array<i32>} : memref<2x400xf32, #tpu.memory_space<vmem>>, vector<16xf32>,
        %neg3A_456 = arith.constant 0.000000e+00 : f32
        %neg3A_457 = vector.broadcast %neg3A_456 : f32 to vector<16xf32>
        %neg3A_458 = arith.subf %neg3A_457, %get3A_455 : vector<16xf32>
        %exp3A_459 = math.exp %neg3A_458 : vector<16xf32>
        %add3A_460 = arith.constant 1.000000e+00 : f32
        %add3A_461 = vector.broadcast %add3A_460 : f32 to vector<16xf32>
        %add3A_462 = arith.addf %add3A_461, %exp3A_459 : vector<16xf32>
        %div3A_463 = arith.constant 1.000000e+00 : f32
        %div3A_464 = vector.broadcast %div3A_463 : f32 to vector<16xf32>
        %div3A_465 = arith.divf %div3A_464, %add3A_462 : vector<16xf32>
        %mul3A_466 = arith.constant 16 : i32
        %mul3A_467 = arith.muli %scan3A_449, %mul3A_466 : i32
        %swap3A_468 = arith.constant 1 : i32
        %swap3A_469 = arith.index_cast %swap3A_468 : i32 to index
        %swap3A_470 = arith.index_cast %mul3A_467 : i32 to index
        %swap3A_471 = tpu.vector_load %arg9[%swap3A_469, %swap3A_470] {strides = array<i32>} : memref<2x400xf32, #tpu.memory_space<vmem>>, vector<16xf32>,
        tpu.vector_store %arg9[%swap3A_469, %swap3A_470], %div3A_465 {strides = array<i32>} : memref<2x400xf32, #tpu.memory_space<vmem>>, vector<16xf32>,
      }
      %scan3A_339 = arith.constant 25 : i32
      %add3A_340 = arith.constant 1 : i32
      %add3A_341 = arith.addi %mul3A_226, %add3A_340 : i32
      %mul3A_342 = arith.constant 400 : i32
      %mul3A_343 = arith.muli %add3A_341, %mul3A_342 : i32
      %add3A_344 = arith.addi %mul3A_2, %mul3A_343 : i32
      %dma_start3A_345 = arith.constant 1 : i32
      %dma_start3A_346 = arith.constant 0 : i32
      %dma_start3A_347 = tpu.memref_slice %arg9[%dma_start3A_345, %dma_start3A_346] : memref<2x400xf32, #tpu.memory_space<vmem>> -> memref<1x400xf32, #tpu.memory_space<vmem>>
      %dma_start3A_348 = tpu.memref_squeeze %dma_start3A_347 : memref<1x400xf32, #tpu.memory_space<vmem>> -> memref<400xf32, #tpu.memory_space<vmem>>
      %dma_start3A_349 = tpu.memref_slice %arg4[%add3A_344] : memref<320000xf32, #tpu.memory_space<hbm>> -> memref<400xf32, #tpu.memory_space<hbm>>
      %dma_start3A_350 = tpu.memref_slice %arg4[%add3A_344] : memref<320000xf32, #tpu.memory_space<hbm>> -> memref<400xf32, #tpu.memory_space<hbm>>
      %dma_start3A_351 = arith.constant 0 : i32
      %dma_start3A_352 = tpu.memref_slice %arg9[%dma_start3A_345, %dma_start3A_351] : memref<2x400xf32, #tpu.memory_space<vmem>> -> memref<1x400xf32, #tpu.memory_space<vmem>>
      %dma_start3A_353 = tpu.memref_squeeze %dma_start3A_352 : memref<1x400xf32, #tpu.memory_space<vmem>> -> memref<400xf32, #tpu.memory_space<vmem>>
      tpu.enqueue_dma source(%dma_start3A_353 : memref<400xf32, #tpu.memory_space<vmem>>) target(%dma_start3A_350 : memref<400xf32, #tpu.memory_space<hbm>>) target_semaphore(%arg12 : memref<!tpu.dma_semaphore, #tpu.memory_space<semaphore_mem>>)
      %lt3A = arith.constant 11 : i32
      %lt3A_354 = arith.cmpi slt, %scan3A_224, %lt3A : i32
      %convert_element_type3A_355 = arith.extui %lt3A_354 : i1 to i32
      %cond3A_356 = arith.constant 0 : i32
      %cond3A_357 = arith.cmpi ne, %convert_element_type3A_355, %cond3A_356 : i32
      scf.if %cond3A_357 {
        %add3A_358 = arith.constant 3 : i32
        %add3A_359 = arith.addi %mul3A_226, %add3A_358 : i32
        %mul3A_360 = arith.constant 400 : i32
        %mul3A_361 = arith.muli %add3A_359, %mul3A_360 : i32
        %dma_start3A_362 = arith.constant 1 : i32
        %dma_start3A_363 = arith.constant 0 : i32
        %dma_start3A_364 = arith.constant 0 : i32
        %dma_start3A_365 = tpu.memref_slice %arg7[%dma_start3A_362, %dma_start3A_363, %dma_start3A_364] : memref<2x400x64xi32, #tpu.memory_space<vmem>> -> memref<1x400x64xi32, #tpu.memory_space<vmem>>
        %dma_start3A_366 = tpu.memref_squeeze %dma_start3A_365 : memref<1x400x64xi32, #tpu.memory_space<vmem>> -> memref<400x64xi32, #tpu.memory_space<vmem>>
        %dma_start3A_367 = tpu.memref_slice %arg5[%mul3A_361] : memref<10000xi32, #tpu.memory_space<vmem>> -> memref<400xi32, #tpu.memory_space<vmem>>
        %dma_start3A_368 = arith.constant 0 : i32
        %dma_start3A_369 = arith.constant 0 : i32
        %dma_start3A_370 = tpu.memref_slice %arg2[%dma_start3A_368, %dma_start3A_369] : memref<10000x64xi32, #tpu.memory_space<hbm>> -> memref<10000x64xi32, #tpu.memory_space<hbm>>
        tpu.enqueue_indirect_dma source(%dma_start3A_370 : memref<10000x64xi32, #tpu.memory_space<hbm>>) target(%dma_start3A_366 : memref<400x64xi32, #tpu.memory_space<vmem>>) offsets(%dma_start3A_367 : memref<400xi32, #tpu.memory_space<vmem>>) semaphore(%arg10 : memref<!tpu.dma_semaphore, #tpu.memory_space<semaphore_mem>>)
        %dma_start3A_371 = arith.constant 1 : i32
        %dma_start3A_372 = arith.constant 0 : i32
        %dma_start3A_373 = arith.constant 0 : i32
        %dma_start3A_374 = tpu.memref_slice %arg8[%dma_start3A_371, %dma_start3A_372, %dma_start3A_373] : memref<2x400x64xi32, #tpu.memory_space<vmem>> -> memref<1x400x64xi32, #tpu.memory_space<vmem>>
        %dma_start3A_375 = tpu.memref_squeeze %dma_start3A_374 : memref<1x400x64xi32, #tpu.memory_space<vmem>> -> memref<400x64xi32, #tpu.memory_space<vmem>>
        %dma_start3A_376 = tpu.memref_slice %arg6[%mul3A_361] : memref<10000xi32, #tpu.memory_space<vmem>> -> memref<400xi32, #tpu.memory_space<vmem>>
        %dma_start3A_377 = arith.constant 0 : i32
        %dma_start3A_378 = arith.constant 0 : i32
        %dma_start3A_379 = tpu.memref_slice %arg2[%dma_start3A_377, %dma_start3A_378] : memref<10000x64xi32, #tpu.memory_space<hbm>> -> memref<10000x64xi32, #tpu.memory_space<hbm>>
        tpu.enqueue_indirect_dma source(%dma_start3A_379 : memref<10000x64xi32, #tpu.memory_space<hbm>>) target(%dma_start3A_375 : memref<400x64xi32, #tpu.memory_space<vmem>>) offsets(%dma_start3A_376 : memref<400xi32, #tpu.memory_space<vmem>>) semaphore(%arg11 : memref<!tpu.dma_semaphore, #tpu.memory_space<semaphore_mem>>)
      } else {
      }
    }
    %scan3A_146 = arith.constant 12 : i32
    %dma_wait3A = arith.constant 0 : i32
    %dma_wait3A_147 = arith.constant 0 : i32
    %dma_wait3A_148 = arith.constant 0 : i32
    %dma_wait3A_149 = tpu.memref_slice %arg7[%dma_wait3A, %dma_wait3A_147, %dma_wait3A_148] : memref<2x400x64xi32, #tpu.memory_space<vmem>> -> memref<1x400x64xi32, #tpu.memory_space<vmem>>
    %dma_wait3A_150 = tpu.memref_squeeze %dma_wait3A_149 : memref<1x400x64xi32, #tpu.memory_space<vmem>> -> memref<400x64xi32, #tpu.memory_space<vmem>>
    %dma_wait3A_151 = arith.constant 9600 : i32
    %dma_wait3A_152 = tpu.memref_slice %arg5[%dma_wait3A_151] : memref<10000xi32, #tpu.memory_space<vmem>> -> memref<400xi32, #tpu.memory_space<vmem>>
    %dma_wait3A_153 = arith.constant 0 : i32
    %dma_wait3A_154 = arith.constant 0 : i32
    %dma_wait3A_155 = tpu.memref_slice %arg2[%dma_wait3A_153, %dma_wait3A_154] : memref<10000x64xi32, #tpu.memory_space<hbm>> -> memref<10000x64xi32, #tpu.memory_space<hbm>>
    tpu.wait_indirect_dma semaphore(%arg10 : memref<!tpu.dma_semaphore, #tpu.memory_space<semaphore_mem>>) src(%dma_wait3A_155 : memref<10000x64xi32, #tpu.memory_space<hbm>>) dst(%dma_wait3A_150 : memref<400x64xi32, #tpu.memory_space<vmem>>)
    %dma_wait3A_156 = arith.constant 0 : i32
    %dma_wait3A_157 = arith.constant 0 : i32
    %dma_wait3A_158 = arith.constant 0 : i32
    %dma_wait3A_159 = tpu.memref_slice %arg8[%dma_wait3A_156, %dma_wait3A_157, %dma_wait3A_158] : memref<2x400x64xi32, #tpu.memory_space<vmem>> -> memref<1x400x64xi32, #tpu.memory_space<vmem>>
    %dma_wait3A_160 = tpu.memref_squeeze %dma_wait3A_159 : memref<1x400x64xi32, #tpu.memory_space<vmem>> -> memref<400x64xi32, #tpu.memory_space<vmem>>
    %dma_wait3A_161 = arith.constant 9600 : i32
    %dma_wait3A_162 = tpu.memref_slice %arg6[%dma_wait3A_161] : memref<10000xi32, #tpu.memory_space<vmem>> -> memref<400xi32, #tpu.memory_space<vmem>>
    %dma_wait3A_163 = arith.constant 0 : i32
    %dma_wait3A_164 = arith.constant 0 : i32
    %dma_wait3A_165 = tpu.memref_slice %arg2[%dma_wait3A_163, %dma_wait3A_164] : memref<10000x64xi32, #tpu.memory_space<hbm>> -> memref<10000x64xi32, #tpu.memory_space<hbm>>
    tpu.wait_indirect_dma semaphore(%arg11 : memref<!tpu.dma_semaphore, #tpu.memory_space<semaphore_mem>>) src(%dma_wait3A_165 : memref<10000x64xi32, #tpu.memory_space<hbm>>) dst(%dma_wait3A_160 : memref<400x64xi32, #tpu.memory_space<vmem>>)
    %add3A_166 = arith.constant 8800 : i32
    %add3A_167 = arith.addi %mul3A_2, %add3A_166 : i32
    %dma_wait3A_168 = arith.constant 0 : i32
    %dma_wait3A_169 = arith.constant 0 : i32
    %dma_wait3A_170 = tpu.memref_slice %arg9[%dma_wait3A_168, %dma_wait3A_169] : memref<2x400xf32, #tpu.memory_space<vmem>> -> memref<1x400xf32, #tpu.memory_space<vmem>>
    %dma_wait3A_171 = tpu.memref_squeeze %dma_wait3A_170 : memref<1x400xf32, #tpu.memory_space<vmem>> -> memref<400xf32, #tpu.memory_space<vmem>>
    %dma_wait3A_172 = tpu.memref_slice %arg4[%add3A_167] : memref<320000xf32, #tpu.memory_space<hbm>> -> memref<400xf32, #tpu.memory_space<hbm>>
    %dma_wait3A_173 = tpu.memref_slice %arg4[%add3A_167] : memref<320000xf32, #tpu.memory_space<hbm>> -> memref<400xf32, #tpu.memory_space<hbm>>
    %dma_wait3A_174 = arith.constant 0 : i32
    %dma_wait3A_175 = tpu.memref_slice %arg9[%dma_wait3A_168, %dma_wait3A_174] : memref<2x400xf32, #tpu.memory_space<vmem>> -> memref<1x400xf32, #tpu.memory_space<vmem>>
    %dma_wait3A_176 = tpu.memref_squeeze %dma_wait3A_175 : memref<1x400xf32, #tpu.memory_space<vmem>> -> memref<400xf32, #tpu.memory_space<vmem>>
    tpu.wait_dma2 semaphore(%arg12 : memref<!tpu.dma_semaphore, #tpu.memory_space<semaphore_mem>>) src(%dma_wait3A_176 : memref<400xf32, #tpu.memory_space<vmem>>) dst(%dma_wait3A_173 : memref<400xf32, #tpu.memory_space<hbm>>)
    %scan3A_177 = arith.constant 0 : i32
    %scan3A_178 = arith.constant 0 : i32
    %scan3A_179 = arith.constant 0 : i32
    %scan3A_180 = arith.constant 0 : i32
    %scan3A_181 = arith.constant 25 : i32
    %scan3A_182 = arith.addi %scan3A_180, %scan3A_181 : i32
    %scan3A_183 = arith.constant 1 : i32
    scf.for %scan3A_224 = %scan3A_180 to %scan3A_182 step %scan3A_183  : i32 {
      %mul3A_225 = arith.constant 1024 : i32
      %mul3A_226 = arith.muli %scan3A_224, %mul3A_225 : i32
      %add3A_227 = vector.broadcast %mul3A_226 : i32 to vector<16xi32>
      %add3A_228 = arith.addi %add3A_227, %mul3A_6 : vector<16xi32>
      %broadcast_in_dim3A_229 = arith.constant 0.000000e+00 : f32
      %broadcast_in_dim3A_230 = vector.broadcast %broadcast_in_dim3A_229 : f32 to vector<16xf32>
      %scan3A_231 = arith.constant 0 : i32
      %scan3A_232 = arith.constant 4 : i32
      %scan3A_233 = arith.addi %scan3A_231, %scan3A_232 : i32
      %scan3A_234 = arith.constant 1 : i32
      %scan3A_235:4 = scf.for %scan3A_245 = %scan3A_231 to %scan3A_233 step %scan3A_234 iter_args(%scan3A_246 = %broadcast_in_dim3A_230, %scan3A_247 = %broadcast_in_dim3A_230, %scan3A_248 = %broadcast_in_dim3A_230, %scan3A_249 = %broadcast_in_dim3A_230) -> (vector<16xf32>, vector<16xf32>, vector<16xf32>, vector<16xf32>)  : i32 {
        %mul3A_250 = arith.constant 16 : i32
        %mul3A_251 = arith.muli %scan3A_245, %mul3A_250 : i32
        %add3A_252 = vector.broadcast %mul3A_251 : i32 to vector<16xi32>
        %add3A_253 = arith.addi %add3A_228, %add3A_252 : vector<16xi32>
        %add3A_254 = arith.addi %add3A_253, %and3A_12 : vector<16xi32>
        %gather3A = arith.constant 0 : i32
        %gather3A_255 = arith.constant 0 : i32
        %gather3A_256 = tpu.memref_slice %arg7[%scan3A_178, %gather3A, %gather3A_255] : memref<2x400x64xi32, #tpu.memory_space<vmem>> -> memref<1x400x64xi32, #tpu.memory_space<vmem>>
        %gather3A_257 = tpu.memref_squeeze %gather3A_256 : memref<1x400x64xi32, #tpu.memory_space<vmem>> -> memref<400x64xi32, #tpu.memory_space<vmem>>
        %gather3A_258 = tpu.vector_load_idx %gather3A_257[%broadcast_in_dim3A_7, %add3A_254] : memref<400x64xi32, #tpu.memory_space<vmem>>[vector<16xi32>, vector<16xi32>], vector<16xi32>,
        %gather3A_259 = arith.constant 0 : i32
        %gather3A_260 = arith.constant 0 : i32
        %gather3A_261 = tpu.memref_slice %arg8[%scan3A_179, %gather3A_259, %gather3A_260] : memref<2x400x64xi32, #tpu.memory_space<vmem>> -> memref<1x400x64xi32, #tpu.memory_space<vmem>>
        %gather3A_262 = tpu.memref_squeeze %gather3A_261 : memref<1x400x64xi32, #tpu.memory_space<vmem>> -> memref<400x64xi32, #tpu.memory_space<vmem>>
        %gather3A_263 = tpu.vector_load_idx %gather3A_262[%broadcast_in_dim3A_7, %add3A_254] : memref<400x64xi32, #tpu.memory_space<vmem>>[vector<16xi32>, vector<16xi32>], vector<16xi32>,
        %bitcast3A = vector.bitcast %gather3A_258 : vector<16xi32> to vector<32xbf16>
        %bitcast3A_264 = vector.bitcast %gather3A_263 : vector<16xi32> to vector<32xbf16>
        %mul3A_265 = arith.mulf %bitcast3A, %bitcast3A_264 : vector<32xbf16>
        %unpack3A = tpu.unpack_subelements %mul3A_265, 0 {pack_format = #tpu.pack_format<interleaved>} : vector<32xbf16> -> vector<16xf32>
        %unpack3A_266 = tpu.unpack_subelements %mul3A_265, 1 {pack_format = #tpu.pack_format<interleaved>} : vector<32xbf16> -> vector<16xf32>
        %add3A_267 = arith.addf %scan3A_246, %unpack3A : vector<16xf32>
        %add3A_268 = arith.addf %scan3A_247, %unpack3A_266 : vector<16xf32>
        %add3A_269 = arith.addi %add3A_253, %and3A_18 : vector<16xi32>
        %gather3A_270 = arith.constant 0 : i32
        %gather3A_271 = arith.constant 0 : i32
        %gather3A_272 = tpu.memref_slice %arg7[%scan3A_178, %gather3A_270, %gather3A_271] : memref<2x400x64xi32, #tpu.memory_space<vmem>> -> memref<1x400x64xi32, #tpu.memory_space<vmem>>
        %gather3A_273 = tpu.memref_squeeze %gather3A_272 : memref<1x400x64xi32, #tpu.memory_space<vmem>> -> memref<400x64xi32, #tpu.memory_space<vmem>>
        %gather3A_274 = tpu.vector_load_idx %gather3A_273[%broadcast_in_dim3A_7, %add3A_269] : memref<400x64xi32, #tpu.memory_space<vmem>>[vector<16xi32>, vector<16xi32>], vector<16xi32>,
        %gather3A_275 = arith.constant 0 : i32
        %gather3A_276 = arith.constant 0 : i32
        %gather3A_277 = tpu.memref_slice %arg8[%scan3A_179, %gather3A_275, %gather3A_276] : memref<2x400x64xi32, #tpu.memory_space<vmem>> -> memref<1x400x64xi32, #tpu.memory_space<vmem>>
        %gather3A_278 = tpu.memref_squeeze %gather3A_277 : memref<1x400x64xi32, #tpu.memory_space<vmem>> -> memref<400x64xi32, #tpu.memory_space<vmem>>
        %gather3A_279 = tpu.vector_load_idx %gather3A_278[%broadcast_in_dim3A_7, %add3A_269] : memref<400x64xi32, #tpu.memory_space<vmem>>[vector<16xi32>, vector<16xi32>], vector<16xi32>,
        %bitcast3A_280 = vector.bitcast %gather3A_274 : vector<16xi32> to vector<32xbf16>
        %bitcast3A_281 = vector.bitcast %gather3A_279 : vector<16xi32> to vector<32xbf16>
        %mul3A_282 = arith.mulf %bitcast3A_280, %bitcast3A_281 : vector<32xbf16>
        %unpack3A_283 = tpu.unpack_subelements %mul3A_282, 0 {pack_format = #tpu.pack_format<interleaved>} : vector<32xbf16> -> vector<16xf32>
        %unpack3A_284 = tpu.unpack_subelements %mul3A_282, 1 {pack_format = #tpu.pack_format<interleaved>} : vector<32xbf16> -> vector<16xf32>
        %add3A_285 = arith.addf %scan3A_248, %unpack3A_283 : vector<16xf32>
        %add3A_286 = arith.addf %scan3A_249, %unpack3A_284 : vector<16xf32>
        %add3A_287 = arith.addi %add3A_253, %and3A_24 : vector<16xi32>
        %gather3A_288 = arith.constant 0 : i32
        %gather3A_289 = arith.constant 0 : i32
        %gather3A_290 = tpu.memref_slice %arg7[%scan3A_178, %gather3A_288, %gather3A_289] : memref<2x400x64xi32, #tpu.memory_space<vmem>> -> memref<1x400x64xi32, #tpu.memory_space<vmem>>
        %gather3A_291 = tpu.memref_squeeze %gather3A_290 : memref<1x400x64xi32, #tpu.memory_space<vmem>> -> memref<400x64xi32, #tpu.memory_space<vmem>>
        %gather3A_292 = tpu.vector_load_idx %gather3A_291[%broadcast_in_dim3A_7, %add3A_287] : memref<400x64xi32, #tpu.memory_space<vmem>>[vector<16xi32>, vector<16xi32>], vector<16xi32>,
        %gather3A_293 = arith.constant 0 : i32
        %gather3A_294 = arith.constant 0 : i32
        %gather3A_295 = tpu.memref_slice %arg8[%scan3A_179, %gather3A_293, %gather3A_294] : memref<2x400x64xi32, #tpu.memory_space<vmem>> -> memref<1x400x64xi32, #tpu.memory_space<vmem>>
        %gather3A_296 = tpu.memref_squeeze %gather3A_295 : memref<1x400x64xi32, #tpu.memory_space<vmem>> -> memref<400x64xi32, #tpu.memory_space<vmem>>
        %gather3A_297 = tpu.vector_load_idx %gather3A_296[%broadcast_in_dim3A_7, %add3A_287] : memref<400x64xi32, #tpu.memory_space<vmem>>[vector<16xi32>, vector<16xi32>], vector<16xi32>,
        %bitcast3A_298 = vector.bitcast %gather3A_292 : vector<16xi32> to vector<32xbf16>
        %bitcast3A_299 = vector.bitcast %gather3A_297 : vector<16xi32> to vector<32xbf16>
        %mul3A_300 = arith.mulf %bitcast3A_298, %bitcast3A_299 : vector<32xbf16>
        %unpack3A_301 = tpu.unpack_subelements %mul3A_300, 0 {pack_format = #tpu.pack_format<interleaved>} : vector<32xbf16> -> vector<16xf32>
        %unpack3A_302 = tpu.unpack_subelements %mul3A_300, 1 {pack_format = #tpu.pack_format<interleaved>} : vector<32xbf16> -> vector<16xf32>
        %add3A_303 = arith.addf %add3A_267, %unpack3A_301 : vector<16xf32>
        %add3A_304 = arith.addf %add3A_268, %unpack3A_302 : vector<16xf32>
        %add3A_305 = arith.addi %add3A_253, %and3A_30 : vector<16xi32>
        %gather3A_306 = arith.constant 0 : i32
        %gather3A_307 = arith.constant 0 : i32
        %gather3A_308 = tpu.memref_slice %arg7[%scan3A_178, %gather3A_306, %gather3A_307] : memref<2x400x64xi32, #tpu.memory_space<vmem>> -> memref<1x400x64xi32, #tpu.memory_space<vmem>>
        %gather3A_309 = tpu.memref_squeeze %gather3A_308 : memref<1x400x64xi32, #tpu.memory_space<vmem>> -> memref<400x64xi32, #tpu.memory_space<vmem>>
        %gather3A_310 = tpu.vector_load_idx %gather3A_309[%broadcast_in_dim3A_7, %add3A_305] : memref<400x64xi32, #tpu.memory_space<vmem>>[vector<16xi32>, vector<16xi32>], vector<16xi32>,
        %gather3A_311 = arith.constant 0 : i32
        %gather3A_312 = arith.constant 0 : i32
        %gather3A_313 = tpu.memref_slice %arg8[%scan3A_179, %gather3A_311, %gather3A_312] : memref<2x400x64xi32, #tpu.memory_space<vmem>> -> memref<1x400x64xi32, #tpu.memory_space<vmem>>
        %gather3A_314 = tpu.memref_squeeze %gather3A_313 : memref<1x400x64xi32, #tpu.memory_space<vmem>> -> memref<400x64xi32, #tpu.memory_space<vmem>>
        %gather3A_315 = tpu.vector_load_idx %gather3A_314[%broadcast_in_dim3A_7, %add3A_305] : memref<400x64xi32, #tpu.memory_space<vmem>>[vector<16xi32>, vector<16xi32>], vector<16xi32>,
        %bitcast3A_316 = vector.bitcast %gather3A_310 : vector<16xi32> to vector<32xbf16>
        %bitcast3A_317 = vector.bitcast %gather3A_315 : vector<16xi32> to vector<32xbf16>
        %mul3A_318 = arith.mulf %bitcast3A_316, %bitcast3A_317 : vector<32xbf16>
        %unpack3A_319 = tpu.unpack_subelements %mul3A_318, 0 {pack_format = #tpu.pack_format<interleaved>} : vector<32xbf16> -> vector<16xf32>
        %unpack3A_320 = tpu.unpack_subelements %mul3A_318, 1 {pack_format = #tpu.pack_format<interleaved>} : vector<32xbf16> -> vector<16xf32>
        %add3A_321 = arith.addf %add3A_285, %unpack3A_319 : vector<16xf32>
        %add3A_322 = arith.addf %add3A_286, %unpack3A_320 : vector<16xf32>
        %add3A_323 = arith.addi %add3A_253, %and3A_36 : vector<16xi32>
        %gather3A_324 = arith.constant 0 : i32
        %gather3A_325 = arith.constant 0 : i32
        %gather3A_326 = tpu.memref_slice %arg7[%scan3A_178, %gather3A_324, %gather3A_325] : memref<2x400x64xi32, #tpu.memory_space<vmem>> -> memref<1x400x64xi32, #tpu.memory_space<vmem>>
        %gather3A_327 = tpu.memref_squeeze %gather3A_326 : memref<1x400x64xi32, #tpu.memory_space<vmem>> -> memref<400x64xi32, #tpu.memory_space<vmem>>
        %gather3A_328 = tpu.vector_load_idx %gather3A_327[%broadcast_in_dim3A_7, %add3A_323] : memref<400x64xi32, #tpu.memory_space<vmem>>[vector<16xi32>, vector<16xi32>], vector<16xi32>,
        %gather3A_329 = arith.constant 0 : i32
        %gather3A_330 = arith.constant 0 : i32
        %gather3A_331 = tpu.memref_slice %arg8[%scan3A_179, %gather3A_329, %gather3A_330] : memref<2x400x64xi32, #tpu.memory_space<vmem>> -> memref<1x400x64xi32, #tpu.memory_space<vmem>>
        %gather3A_332 = tpu.memref_squeeze %gather3A_331 : memref<1x400x64xi32, #tpu.memory_space<vmem>> -> memref<400x64xi32, #tpu.memory_space<vmem>>
        %gather3A_333 = tpu.vector_load_idx %gather3A_332[%broadcast_in_dim3A_7, %add3A_323] : memref<400x64xi32, #tpu.memory_space<vmem>>[vector<16xi32>, vector<16xi32>], vector<16xi32>,
        %bitcast3A_334 = vector.bitcast %gather3A_328 : vector<16xi32> to vector<32xbf16>
        %bitcast3A_335 = vector.bitcast %gather3A_333 : vector<16xi32> to vector<32xbf16>
        %mul3A_336 = arith.mulf %bitcast3A_334, %bitcast3A_335 : vector<32xbf16>
        %unpack3A_337 = tpu.unpack_subelements %mul3A_336, 0 {pack_format = #tpu.pack_format<interleaved>} : vector<32xbf16> -> vector<16xf32>
        %unpack3A_338 = tpu.unpack_subelements %mul3A_336, 1 {pack_format = #tpu.pack_format<interleaved>} : vector<32xbf16> -> vector<16xf32>
        %add3A_339 = arith.addf %add3A_303, %unpack3A_337 : vector<16xf32>
        %add3A_340 = arith.addf %add3A_304, %unpack3A_338 : vector<16xf32>
        %add3A_341 = arith.addi %add3A_253, %and3A_42 : vector<16xi32>
        %gather3A_342 = arith.constant 0 : i32
        %gather3A_343 = arith.constant 0 : i32
        %gather3A_344 = tpu.memref_slice %arg7[%scan3A_178, %gather3A_342, %gather3A_343] : memref<2x400x64xi32, #tpu.memory_space<vmem>> -> memref<1x400x64xi32, #tpu.memory_space<vmem>>
        %gather3A_345 = tpu.memref_squeeze %gather3A_344 : memref<1x400x64xi32, #tpu.memory_space<vmem>> -> memref<400x64xi32, #tpu.memory_space<vmem>>
        %gather3A_346 = tpu.vector_load_idx %gather3A_345[%broadcast_in_dim3A_7, %add3A_341] : memref<400x64xi32, #tpu.memory_space<vmem>>[vector<16xi32>, vector<16xi32>], vector<16xi32>,
        %gather3A_347 = arith.constant 0 : i32
        %gather3A_348 = arith.constant 0 : i32
        %gather3A_349 = tpu.memref_slice %arg8[%scan3A_179, %gather3A_347, %gather3A_348] : memref<2x400x64xi32, #tpu.memory_space<vmem>> -> memref<1x400x64xi32, #tpu.memory_space<vmem>>
        %gather3A_350 = tpu.memref_squeeze %gather3A_349 : memref<1x400x64xi32, #tpu.memory_space<vmem>> -> memref<400x64xi32, #tpu.memory_space<vmem>>
        %gather3A_351 = tpu.vector_load_idx %gather3A_350[%broadcast_in_dim3A_7, %add3A_341] : memref<400x64xi32, #tpu.memory_space<vmem>>[vector<16xi32>, vector<16xi32>], vector<16xi32>,
        %bitcast3A_352 = vector.bitcast %gather3A_346 : vector<16xi32> to vector<32xbf16>
        %bitcast3A_353 = vector.bitcast %gather3A_351 : vector<16xi32> to vector<32xbf16>
        %mul3A_354 = arith.mulf %bitcast3A_352, %bitcast3A_353 : vector<32xbf16>
        %unpack3A_355 = tpu.unpack_subelements %mul3A_354, 0 {pack_format = #tpu.pack_format<interleaved>} : vector<32xbf16> -> vector<16xf32>
        %unpack3A_356 = tpu.unpack_subelements %mul3A_354, 1 {pack_format = #tpu.pack_format<interleaved>} : vector<32xbf16> -> vector<16xf32>
        %add3A_357 = arith.addf %add3A_321, %unpack3A_355 : vector<16xf32>
        %add3A_358 = arith.addf %add3A_322, %unpack3A_356 : vector<16xf32>
        %add3A_359 = arith.addi %add3A_253, %and3A_48 : vector<16xi32>
        %gather3A_360 = arith.constant 0 : i32
        %gather3A_361 = arith.constant 0 : i32
        %gather3A_362 = tpu.memref_slice %arg7[%scan3A_178, %gather3A_360, %gather3A_361] : memref<2x400x64xi32, #tpu.memory_space<vmem>> -> memref<1x400x64xi32, #tpu.memory_space<vmem>>
        %gather3A_363 = tpu.memref_squeeze %gather3A_362 : memref<1x400x64xi32, #tpu.memory_space<vmem>> -> memref<400x64xi32, #tpu.memory_space<vmem>>
        %gather3A_364 = tpu.vector_load_idx %gather3A_363[%broadcast_in_dim3A_7, %add3A_359] : memref<400x64xi32, #tpu.memory_space<vmem>>[vector<16xi32>, vector<16xi32>], vector<16xi32>,
        %gather3A_365 = arith.constant 0 : i32
        %gather3A_366 = arith.constant 0 : i32
        %gather3A_367 = tpu.memref_slice %arg8[%scan3A_179, %gather3A_365, %gather3A_366] : memref<2x400x64xi32, #tpu.memory_space<vmem>> -> memref<1x400x64xi32, #tpu.memory_space<vmem>>
        %gather3A_368 = tpu.memref_squeeze %gather3A_367 : memref<1x400x64xi32, #tpu.memory_space<vmem>> -> memref<400x64xi32, #tpu.memory_space<vmem>>
        %gather3A_369 = tpu.vector_load_idx %gather3A_368[%broadcast_in_dim3A_7, %add3A_359] : memref<400x64xi32, #tpu.memory_space<vmem>>[vector<16xi32>, vector<16xi32>], vector<16xi32>,
        %bitcast3A_370 = vector.bitcast %gather3A_364 : vector<16xi32> to vector<32xbf16>
        %bitcast3A_371 = vector.bitcast %gather3A_369 : vector<16xi32> to vector<32xbf16>
        %mul3A_372 = arith.mulf %bitcast3A_370, %bitcast3A_371 : vector<32xbf16>
        %unpack3A_373 = tpu.unpack_subelements %mul3A_372, 0 {pack_format = #tpu.pack_format<interleaved>} : vector<32xbf16> -> vector<16xf32>
        %unpack3A_374 = tpu.unpack_subelements %mul3A_372, 1 {pack_format = #tpu.pack_format<interleaved>} : vector<32xbf16> -> vector<16xf32>
        %add3A_375 = arith.addf %add3A_339, %unpack3A_373 : vector<16xf32>
        %add3A_376 = arith.addf %add3A_340, %unpack3A_374 : vector<16xf32>
        %add3A_377 = arith.addi %add3A_253, %and3A_54 : vector<16xi32>
        %gather3A_378 = arith.constant 0 : i32
        %gather3A_379 = arith.constant 0 : i32
        %gather3A_380 = tpu.memref_slice %arg7[%scan3A_178, %gather3A_378, %gather3A_379] : memref<2x400x64xi32, #tpu.memory_space<vmem>> -> memref<1x400x64xi32, #tpu.memory_space<vmem>>
        %gather3A_381 = tpu.memref_squeeze %gather3A_380 : memref<1x400x64xi32, #tpu.memory_space<vmem>> -> memref<400x64xi32, #tpu.memory_space<vmem>>
        %gather3A_382 = tpu.vector_load_idx %gather3A_381[%broadcast_in_dim3A_7, %add3A_377] : memref<400x64xi32, #tpu.memory_space<vmem>>[vector<16xi32>, vector<16xi32>], vector<16xi32>,
        %gather3A_383 = arith.constant 0 : i32
        %gather3A_384 = arith.constant 0 : i32
        %gather3A_385 = tpu.memref_slice %arg8[%scan3A_179, %gather3A_383, %gather3A_384] : memref<2x400x64xi32, #tpu.memory_space<vmem>> -> memref<1x400x64xi32, #tpu.memory_space<vmem>>
        %gather3A_386 = tpu.memref_squeeze %gather3A_385 : memref<1x400x64xi32, #tpu.memory_space<vmem>> -> memref<400x64xi32, #tpu.memory_space<vmem>>
        %gather3A_387 = tpu.vector_load_idx %gather3A_386[%broadcast_in_dim3A_7, %add3A_377] : memref<400x64xi32, #tpu.memory_space<vmem>>[vector<16xi32>, vector<16xi32>], vector<16xi32>,
        %bitcast3A_388 = vector.bitcast %gather3A_382 : vector<16xi32> to vector<32xbf16>
        %bitcast3A_389 = vector.bitcast %gather3A_387 : vector<16xi32> to vector<32xbf16>
        %mul3A_390 = arith.mulf %bitcast3A_388, %bitcast3A_389 : vector<32xbf16>
        %unpack3A_391 = tpu.unpack_subelements %mul3A_390, 0 {pack_format = #tpu.pack_format<interleaved>} : vector<32xbf16> -> vector<16xf32>
        %unpack3A_392 = tpu.unpack_subelements %mul3A_390, 1 {pack_format = #tpu.pack_format<interleaved>} : vector<32xbf16> -> vector<16xf32>
        %add3A_393 = arith.addf %add3A_357, %unpack3A_391 : vector<16xf32>
        %add3A_394 = arith.addf %add3A_358, %unpack3A_392 : vector<16xf32>
        %add3A_395 = arith.addi %add3A_253, %and3A_60 : vector<16xi32>
        %gather3A_396 = arith.constant 0 : i32
        %gather3A_397 = arith.constant 0 : i32
        %gather3A_398 = tpu.memref_slice %arg7[%scan3A_178, %gather3A_396, %gather3A_397] : memref<2x400x64xi32, #tpu.memory_space<vmem>> -> memref<1x400x64xi32, #tpu.memory_space<vmem>>
        %gather3A_399 = tpu.memref_squeeze %gather3A_398 : memref<1x400x64xi32, #tpu.memory_space<vmem>> -> memref<400x64xi32, #tpu.memory_space<vmem>>
        %gather3A_400 = tpu.vector_load_idx %gather3A_399[%broadcast_in_dim3A_7, %add3A_395] : memref<400x64xi32, #tpu.memory_space<vmem>>[vector<16xi32>, vector<16xi32>], vector<16xi32>,
        %gather3A_401 = arith.constant 0 : i32
        %gather3A_402 = arith.constant 0 : i32
        %gather3A_403 = tpu.memref_slice %arg8[%scan3A_179, %gather3A_401, %gather3A_402] : memref<2x400x64xi32, #tpu.memory_space<vmem>> -> memref<1x400x64xi32, #tpu.memory_space<vmem>>
        %gather3A_404 = tpu.memref_squeeze %gather3A_403 : memref<1x400x64xi32, #tpu.memory_space<vmem>> -> memref<400x64xi32, #tpu.memory_space<vmem>>
        %gather3A_405 = tpu.vector_load_idx %gather3A_404[%broadcast_in_dim3A_7, %add3A_395] : memref<400x64xi32, #tpu.memory_space<vmem>>[vector<16xi32>, vector<16xi32>], vector<16xi32>,
        %bitcast3A_406 = vector.bitcast %gather3A_400 : vector<16xi32> to vector<32xbf16>
        %bitcast3A_407 = vector.bitcast %gather3A_405 : vector<16xi32> to vector<32xbf16>
        %mul3A_408 = arith.mulf %bitcast3A_406, %bitcast3A_407 : vector<32xbf16>
        %unpack3A_409 = tpu.unpack_subelements %mul3A_408, 0 {pack_format = #tpu.pack_format<interleaved>} : vector<32xbf16> -> vector<16xf32>
        %unpack3A_410 = tpu.unpack_subelements %mul3A_408, 1 {pack_format = #tpu.pack_format<interleaved>} : vector<32xbf16> -> vector<16xf32>
        %add3A_411 = arith.addf %add3A_375, %unpack3A_409 : vector<16xf32>
        %add3A_412 = arith.addf %add3A_376, %unpack3A_410 : vector<16xf32>
        %add3A_413 = arith.addi %add3A_253, %and3A_66 : vector<16xi32>
        %gather3A_414 = arith.constant 0 : i32
        %gather3A_415 = arith.constant 0 : i32
        %gather3A_416 = tpu.memref_slice %arg7[%scan3A_178, %gather3A_414, %gather3A_415] : memref<2x400x64xi32, #tpu.memory_space<vmem>> -> memref<1x400x64xi32, #tpu.memory_space<vmem>>
        %gather3A_417 = tpu.memref_squeeze %gather3A_416 : memref<1x400x64xi32, #tpu.memory_space<vmem>> -> memref<400x64xi32, #tpu.memory_space<vmem>>
        %gather3A_418 = tpu.vector_load_idx %gather3A_417[%broadcast_in_dim3A_7, %add3A_413] : memref<400x64xi32, #tpu.memory_space<vmem>>[vector<16xi32>, vector<16xi32>], vector<16xi32>,
        %gather3A_419 = arith.constant 0 : i32
        %gather3A_420 = arith.constant 0 : i32
        %gather3A_421 = tpu.memref_slice %arg8[%scan3A_179, %gather3A_419, %gather3A_420] : memref<2x400x64xi32, #tpu.memory_space<vmem>> -> memref<1x400x64xi32, #tpu.memory_space<vmem>>
        %gather3A_422 = tpu.memref_squeeze %gather3A_421 : memref<1x400x64xi32, #tpu.memory_space<vmem>> -> memref<400x64xi32, #tpu.memory_space<vmem>>
        %gather3A_423 = tpu.vector_load_idx %gather3A_422[%broadcast_in_dim3A_7, %add3A_413] : memref<400x64xi32, #tpu.memory_space<vmem>>[vector<16xi32>, vector<16xi32>], vector<16xi32>,
        %bitcast3A_424 = vector.bitcast %gather3A_418 : vector<16xi32> to vector<32xbf16>
        %bitcast3A_425 = vector.bitcast %gather3A_423 : vector<16xi32> to vector<32xbf16>
        %mul3A_426 = arith.mulf %bitcast3A_424, %bitcast3A_425 : vector<32xbf16>
        %unpack3A_427 = tpu.unpack_subelements %mul3A_426, 0 {pack_format = #tpu.pack_format<interleaved>} : vector<32xbf16> -> vector<16xf32>
        %unpack3A_428 = tpu.unpack_subelements %mul3A_426, 1 {pack_format = #tpu.pack_format<interleaved>} : vector<32xbf16> -> vector<16xf32>
        %add3A_429 = arith.addf %add3A_393, %unpack3A_427 : vector<16xf32>
        %add3A_430 = arith.addf %add3A_394, %unpack3A_428 : vector<16xf32>
        %add3A_431 = arith.addi %add3A_253, %and3A_72 : vector<16xi32>
        %gather3A_432 = arith.constant 0 : i32
        %gather3A_433 = arith.constant 0 : i32
        %gather3A_434 = tpu.memref_slice %arg7[%scan3A_178, %gather3A_432, %gather3A_433] : memref<2x400x64xi32, #tpu.memory_space<vmem>> -> memref<1x400x64xi32, #tpu.memory_space<vmem>>
        %gather3A_435 = tpu.memref_squeeze %gather3A_434 : memref<1x400x64xi32, #tpu.memory_space<vmem>> -> memref<400x64xi32, #tpu.memory_space<vmem>>
        %gather3A_436 = tpu.vector_load_idx %gather3A_435[%broadcast_in_dim3A_7, %add3A_431] : memref<400x64xi32, #tpu.memory_space<vmem>>[vector<16xi32>, vector<16xi32>], vector<16xi32>,
        %gather3A_437 = arith.constant 0 : i32
        %gather3A_438 = arith.constant 0 : i32
        %gather3A_439 = tpu.memref_slice %arg8[%scan3A_179, %gather3A_437, %gather3A_438] : memref<2x400x64xi32, #tpu.memory_space<vmem>> -> memref<1x400x64xi32, #tpu.memory_space<vmem>>
        %gather3A_440 = tpu.memref_squeeze %gather3A_439 : memref<1x400x64xi32, #tpu.memory_space<vmem>> -> memref<400x64xi32, #tpu.memory_space<vmem>>
        %gather3A_441 = tpu.vector_load_idx %gather3A_440[%broadcast_in_dim3A_7, %add3A_431] : memref<400x64xi32, #tpu.memory_space<vmem>>[vector<16xi32>, vector<16xi32>], vector<16xi32>,
        %bitcast3A_442 = vector.bitcast %gather3A_436 : vector<16xi32> to vector<32xbf16>
        %bitcast3A_443 = vector.bitcast %gather3A_441 : vector<16xi32> to vector<32xbf16>
        %mul3A_444 = arith.mulf %bitcast3A_442, %bitcast3A_443 : vector<32xbf16>
        %unpack3A_445 = tpu.unpack_subelements %mul3A_444, 0 {pack_format = #tpu.pack_format<interleaved>} : vector<32xbf16> -> vector<16xf32>
        %unpack3A_446 = tpu.unpack_subelements %mul3A_444, 1 {pack_format = #tpu.pack_format<interleaved>} : vector<32xbf16> -> vector<16xf32>
        %add3A_447 = arith.addf %add3A_411, %unpack3A_445 : vector<16xf32>
        %add3A_448 = arith.addf %add3A_412, %unpack3A_446 : vector<16xf32>
        %add3A_449 = arith.addi %add3A_253, %and3A_78 : vector<16xi32>
        %gather3A_450 = arith.constant 0 : i32
        %gather3A_451 = arith.constant 0 : i32
        %gather3A_452 = tpu.memref_slice %arg7[%scan3A_178, %gather3A_450, %gather3A_451] : memref<2x400x64xi32, #tpu.memory_space<vmem>> -> memref<1x400x64xi32, #tpu.memory_space<vmem>>
        %gather3A_453 = tpu.memref_squeeze %gather3A_452 : memref<1x400x64xi32, #tpu.memory_space<vmem>> -> memref<400x64xi32, #tpu.memory_space<vmem>>
        %gather3A_454 = tpu.vector_load_idx %gather3A_453[%broadcast_in_dim3A_7, %add3A_449] : memref<400x64xi32, #tpu.memory_space<vmem>>[vector<16xi32>, vector<16xi32>], vector<16xi32>,
        %gather3A_455 = arith.constant 0 : i32
        %gather3A_456 = arith.constant 0 : i32
        %gather3A_457 = tpu.memref_slice %arg8[%scan3A_179, %gather3A_455, %gather3A_456] : memref<2x400x64xi32, #tpu.memory_space<vmem>> -> memref<1x400x64xi32, #tpu.memory_space<vmem>>
        %gather3A_458 = tpu.memref_squeeze %gather3A_457 : memref<1x400x64xi32, #tpu.memory_space<vmem>> -> memref<400x64xi32, #tpu.memory_space<vmem>>
        %gather3A_459 = tpu.vector_load_idx %gather3A_458[%broadcast_in_dim3A_7, %add3A_449] : memref<400x64xi32, #tpu.memory_space<vmem>>[vector<16xi32>, vector<16xi32>], vector<16xi32>,
        %bitcast3A_460 = vector.bitcast %gather3A_454 : vector<16xi32> to vector<32xbf16>
        %bitcast3A_461 = vector.bitcast %gather3A_459 : vector<16xi32> to vector<32xbf16>
        %mul3A_462 = arith.mulf %bitcast3A_460, %bitcast3A_461 : vector<32xbf16>
        %unpack3A_463 = tpu.unpack_subelements %mul3A_462, 0 {pack_format = #tpu.pack_format<interleaved>} : vector<32xbf16> -> vector<16xf32>
        %unpack3A_464 = tpu.unpack_subelements %mul3A_462, 1 {pack_format = #tpu.pack_format<interleaved>} : vector<32xbf16> -> vector<16xf32>
        %add3A_465 = arith.addf %add3A_429, %unpack3A_463 : vector<16xf32>
        %add3A_466 = arith.addf %add3A_430, %unpack3A_464 : vector<16xf32>
        %add3A_467 = arith.addi %add3A_253, %and3A_84 : vector<16xi32>
        %gather3A_468 = arith.constant 0 : i32
        %gather3A_469 = arith.constant 0 : i32
        %gather3A_470 = tpu.memref_slice %arg7[%scan3A_178, %gather3A_468, %gather3A_469] : memref<2x400x64xi32, #tpu.memory_space<vmem>> -> memref<1x400x64xi32, #tpu.memory_space<vmem>>
        %gather3A_471 = tpu.memref_squeeze %gather3A_470 : memref<1x400x64xi32, #tpu.memory_space<vmem>> -> memref<400x64xi32, #tpu.memory_space<vmem>>
        %gather3A_472 = tpu.vector_load_idx %gather3A_471[%broadcast_in_dim3A_7, %add3A_467] : memref<400x64xi32, #tpu.memory_space<vmem>>[vector<16xi32>, vector<16xi32>], vector<16xi32>,
        %gather3A_473 = arith.constant 0 : i32
        %gather3A_474 = arith.constant 0 : i32
        %gather3A_475 = tpu.memref_slice %arg8[%scan3A_179, %gather3A_473, %gather3A_474] : memref<2x400x64xi32, #tpu.memory_space<vmem>> -> memref<1x400x64xi32, #tpu.memory_space<vmem>>
        %gather3A_476 = tpu.memref_squeeze %gather3A_475 : memref<1x400x64xi32, #tpu.memory_space<vmem>> -> memref<400x64xi32, #tpu.memory_space<vmem>>
        %gather3A_477 = tpu.vector_load_idx %gather3A_476[%broadcast_in_dim3A_7, %add3A_467] : memref<400x64xi32, #tpu.memory_space<vmem>>[vector<16xi32>, vector<16xi32>], vector<16xi32>,
        %bitcast3A_478 = vector.bitcast %gather3A_472 : vector<16xi32> to vector<32xbf16>
        %bitcast3A_479 = vector.bitcast %gather3A_477 : vector<16xi32> to vector<32xbf16>
        %mul3A_480 = arith.mulf %bitcast3A_478, %bitcast3A_479 : vector<32xbf16>
        %unpack3A_481 = tpu.unpack_subelements %mul3A_480, 0 {pack_format = #tpu.pack_format<interleaved>} : vector<32xbf16> -> vector<16xf32>
        %unpack3A_482 = tpu.unpack_subelements %mul3A_480, 1 {pack_format = #tpu.pack_format<interleaved>} : vector<32xbf16> -> vector<16xf32>
        %add3A_483 = arith.addf %add3A_447, %unpack3A_481 : vector<16xf32>
        %add3A_484 = arith.addf %add3A_448, %unpack3A_482 : vector<16xf32>
        %add3A_485 = arith.addi %add3A_253, %and3A_90 : vector<16xi32>
        %gather3A_486 = arith.constant 0 : i32
        %gather3A_487 = arith.constant 0 : i32
        %gather3A_488 = tpu.memref_slice %arg7[%scan3A_178, %gather3A_486, %gather3A_487] : memref<2x400x64xi32, #tpu.memory_space<vmem>> -> memref<1x400x64xi32, #tpu.memory_space<vmem>>
        %gather3A_489 = tpu.memref_squeeze %gather3A_488 : memref<1x400x64xi32, #tpu.memory_space<vmem>> -> memref<400x64xi32, #tpu.memory_space<vmem>>
        %gather3A_490 = tpu.vector_load_idx %gather3A_489[%broadcast_in_dim3A_7, %add3A_485] : memref<400x64xi32, #tpu.memory_space<vmem>>[vector<16xi32>, vector<16xi32>], vector<16xi32>,
        %gather3A_491 = arith.constant 0 : i32
        %gather3A_492 = arith.constant 0 : i32
        %gather3A_493 = tpu.memref_slice %arg8[%scan3A_179, %gather3A_491, %gather3A_492] : memref<2x400x64xi32, #tpu.memory_space<vmem>> -> memref<1x400x64xi32, #tpu.memory_space<vmem>>
        %gather3A_494 = tpu.memref_squeeze %gather3A_493 : memref<1x400x64xi32, #tpu.memory_space<vmem>> -> memref<400x64xi32, #tpu.memory_space<vmem>>
        %gather3A_495 = tpu.vector_load_idx %gather3A_494[%broadcast_in_dim3A_7, %add3A_485] : memref<400x64xi32, #tpu.memory_space<vmem>>[vector<16xi32>, vector<16xi32>], vector<16xi32>,
        %bitcast3A_496 = vector.bitcast %gather3A_490 : vector<16xi32> to vector<32xbf16>
        %bitcast3A_497 = vector.bitcast %gather3A_495 : vector<16xi32> to vector<32xbf16>
        %mul3A_498 = arith.mulf %bitcast3A_496, %bitcast3A_497 : vector<32xbf16>
        %unpack3A_499 = tpu.unpack_subelements %mul3A_498, 0 {pack_format = #tpu.pack_format<interleaved>} : vector<32xbf16> -> vector<16xf32>
        %unpack3A_500 = tpu.unpack_subelements %mul3A_498, 1 {pack_format = #tpu.pack_format<interleaved>} : vector<32xbf16> -> vector<16xf32>
        %add3A_501 = arith.addf %add3A_465, %unpack3A_499 : vector<16xf32>
        %add3A_502 = arith.addf %add3A_466, %unpack3A_500 : vector<16xf32>
        %add3A_503 = arith.addi %add3A_253, %and3A_96 : vector<16xi32>
        %gather3A_504 = arith.constant 0 : i32
        %gather3A_505 = arith.constant 0 : i32
        %gather3A_506 = tpu.memref_slice %arg7[%scan3A_178, %gather3A_504, %gather3A_505] : memref<2x400x64xi32, #tpu.memory_space<vmem>> -> memref<1x400x64xi32, #tpu.memory_space<vmem>>
        %gather3A_507 = tpu.memref_squeeze %gather3A_506 : memref<1x400x64xi32, #tpu.memory_space<vmem>> -> memref<400x64xi32, #tpu.memory_space<vmem>>
        %gather3A_508 = tpu.vector_load_idx %gather3A_507[%broadcast_in_dim3A_7, %add3A_503] : memref<400x64xi32, #tpu.memory_space<vmem>>[vector<16xi32>, vector<16xi32>], vector<16xi32>,
        %gather3A_509 = arith.constant 0 : i32
        %gather3A_510 = arith.constant 0 : i32
        %gather3A_511 = tpu.memref_slice %arg8[%scan3A_179, %gather3A_509, %gather3A_510] : memref<2x400x64xi32, #tpu.memory_space<vmem>> -> memref<1x400x64xi32, #tpu.memory_space<vmem>>
        %gather3A_512 = tpu.memref_squeeze %gather3A_511 : memref<1x400x64xi32, #tpu.memory_space<vmem>> -> memref<400x64xi32, #tpu.memory_space<vmem>>
        %gather3A_513 = tpu.vector_load_idx %gather3A_512[%broadcast_in_dim3A_7, %add3A_503] : memref<400x64xi32, #tpu.memory_space<vmem>>[vector<16xi32>, vector<16xi32>], vector<16xi32>,
        %bitcast3A_514 = vector.bitcast %gather3A_508 : vector<16xi32> to vector<32xbf16>
        %bitcast3A_515 = vector.bitcast %gather3A_513 : vector<16xi32> to vector<32xbf16>
        %mul3A_516 = arith.mulf %bitcast3A_514, %bitcast3A_515 : vector<32xbf16>
        %unpack3A_517 = tpu.unpack_subelements %mul3A_516, 0 {pack_format = #tpu.pack_format<interleaved>} : vector<32xbf16> -> vector<16xf32>
        %unpack3A_518 = tpu.unpack_subelements %mul3A_516, 1 {pack_format = #tpu.pack_format<interleaved>} : vector<32xbf16> -> vector<16xf32>
        %add3A_519 = arith.addf %add3A_483, %unpack3A_517 : vector<16xf32>
        %add3A_520 = arith.addf %add3A_484, %unpack3A_518 : vector<16xf32>
        %add3A_521 = arith.addi %add3A_253, %and3A_102 : vector<16xi32>
        %gather3A_522 = arith.constant 0 : i32
        %gather3A_523 = arith.constant 0 : i32
        %gather3A_524 = tpu.memref_slice %arg7[%scan3A_178, %gather3A_522, %gather3A_523] : memref<2x400x64xi32, #tpu.memory_space<vmem>> -> memref<1x400x64xi32, #tpu.memory_space<vmem>>
        %gather3A_525 = tpu.memref_squeeze %gather3A_524 : memref<1x400x64xi32, #tpu.memory_space<vmem>> -> memref<400x64xi32, #tpu.memory_space<vmem>>
        %gather3A_526 = tpu.vector_load_idx %gather3A_525[%broadcast_in_dim3A_7, %add3A_521] : memref<400x64xi32, #tpu.memory_space<vmem>>[vector<16xi32>, vector<16xi32>], vector<16xi32>,
        %gather3A_527 = arith.constant 0 : i32
        %gather3A_528 = arith.constant 0 : i32
        %gather3A_529 = tpu.memref_slice %arg8[%scan3A_179, %gather3A_527, %gather3A_528] : memref<2x400x64xi32, #tpu.memory_space<vmem>> -> memref<1x400x64xi32, #tpu.memory_space<vmem>>
        %gather3A_530 = tpu.memref_squeeze %gather3A_529 : memref<1x400x64xi32, #tpu.memory_space<vmem>> -> memref<400x64xi32, #tpu.memory_space<vmem>>
        %gather3A_531 = tpu.vector_load_idx %gather3A_530[%broadcast_in_dim3A_7, %add3A_521] : memref<400x64xi32, #tpu.memory_space<vmem>>[vector<16xi32>, vector<16xi32>], vector<16xi32>,
        %bitcast3A_532 = vector.bitcast %gather3A_526 : vector<16xi32> to vector<32xbf16>
        %bitcast3A_533 = vector.bitcast %gather3A_531 : vector<16xi32> to vector<32xbf16>
        %mul3A_534 = arith.mulf %bitcast3A_532, %bitcast3A_533 : vector<32xbf16>
        %unpack3A_535 = tpu.unpack_subelements %mul3A_534, 0 {pack_format = #tpu.pack_format<interleaved>} : vector<32xbf16> -> vector<16xf32>
        %unpack3A_536 = tpu.unpack_subelements %mul3A_534, 1 {pack_format = #tpu.pack_format<interleaved>} : vector<32xbf16> -> vector<16xf32>
        %add3A_537 = arith.addf %add3A_501, %unpack3A_535 : vector<16xf32>
        %add3A_538 = arith.addf %add3A_502, %unpack3A_536 : vector<16xf32>
        scf.yield %add3A_519, %add3A_520, %add3A_537, %add3A_538 : vector<16xf32>, vector<16xf32>, vector<16xf32>, vector<16xf32>
      }
      %scan3A_236 = arith.constant 4 : i32
      %add3A_237 = arith.addf %scan3A_235#0, %scan3A_235#1 : vector<16xf32>
      %add3A_238 = arith.addf %scan3A_235#2, %scan3A_235#3 : vector<16xf32>
      %add3A_239 = arith.addf %add3A_237, %add3A_238 : vector<16xf32>
      %mul3A_240 = arith.constant 16 : i32
      %mul3A_241 = arith.muli %scan3A_224, %mul3A_240 : i32
      %swap3A = arith.constant 0 : i32
      %swap3A_242 = arith.index_cast %swap3A : i32 to index
      %swap3A_243 = arith.index_cast %mul3A_241 : i32 to index
      %swap3A_244 = tpu.vector_load %arg9[%swap3A_242, %swap3A_243] {strides = array<i32>} : memref<2x400xf32, #tpu.memory_space<vmem>>, vector<16xf32>,
      tpu.vector_store %arg9[%swap3A_242, %swap3A_243], %add3A_239 {strides = array<i32>} : memref<2x400xf32, #tpu.memory_space<vmem>>, vector<16xf32>,
    }
    %scan3A_184 = arith.constant 25 : i32
    %scan3A_185 = arith.constant 0 : i32
    %scan3A_186 = arith.constant 0 : i32
    %scan3A_187 = arith.constant 25 : i32
    %scan3A_188 = arith.addi %scan3A_186, %scan3A_187 : i32
    %scan3A_189 = arith.constant 5 : i32
    scf.for %scan3A_224 = %scan3A_186 to %scan3A_188 step %scan3A_189  : i32 {
      %mul3A_225 = arith.constant 16 : i32
      %mul3A_226 = arith.muli %scan3A_224, %mul3A_225 : i32
      %get3A = arith.constant 0 : i32
      %get3A_227 = arith.index_cast %get3A : i32 to index
      %get3A_228 = arith.index_cast %mul3A_226 : i32 to index
      %get3A_229 = tpu.vector_load %arg9[%get3A_227, %get3A_228] {strides = array<i32>} : memref<2x400xf32, #tpu.memory_space<vmem>>, vector<16xf32>,
      %neg3A = arith.constant 0.000000e+00 : f32
      %neg3A_230 = vector.broadcast %neg3A : f32 to vector<16xf32>
      %neg3A_231 = arith.subf %neg3A_230, %get3A_229 : vector<16xf32>
      %exp3A = math.exp %neg3A_231 : vector<16xf32>
      %add3A_232 = arith.constant 1.000000e+00 : f32
      %add3A_233 = vector.broadcast %add3A_232 : f32 to vector<16xf32>
      %add3A_234 = arith.addf %add3A_233, %exp3A : vector<16xf32>
      %div3A = arith.constant 1.000000e+00 : f32
      %div3A_235 = vector.broadcast %div3A : f32 to vector<16xf32>
      %div3A_236 = arith.divf %div3A_235, %add3A_234 : vector<16xf32>
      %mul3A_237 = arith.constant 16 : i32
      %mul3A_238 = arith.muli %scan3A_224, %mul3A_237 : i32
      %swap3A = arith.constant 0 : i32
      %swap3A_239 = arith.index_cast %swap3A : i32 to index
      %swap3A_240 = arith.index_cast %mul3A_238 : i32 to index
      %swap3A_241 = tpu.vector_load %arg9[%swap3A_239, %swap3A_240] {strides = array<i32>} : memref<2x400xf32, #tpu.memory_space<vmem>>, vector<16xf32>,
      tpu.vector_store %arg9[%swap3A_239, %swap3A_240], %div3A_236 {strides = array<i32>} : memref<2x400xf32, #tpu.memory_space<vmem>>, vector<16xf32>,
      %scan3A_242 = arith.constant 1 : i32
      %scan3A_243 = arith.addi %scan3A_224, %scan3A_242 : i32
      %mul3A_244 = arith.constant 16 : i32
      %mul3A_245 = arith.muli %scan3A_243, %mul3A_244 : i32
      %get3A_246 = arith.constant 0 : i32
      %get3A_247 = arith.index_cast %get3A_246 : i32 to index
      %get3A_248 = arith.index_cast %mul3A_245 : i32 to index
      %get3A_249 = tpu.vector_load %arg9[%get3A_247, %get3A_248] {strides = array<i32>} : memref<2x400xf32, #tpu.memory_space<vmem>>, vector<16xf32>,
      %neg3A_250 = arith.constant 0.000000e+00 : f32
      %neg3A_251 = vector.broadcast %neg3A_250 : f32 to vector<16xf32>
      %neg3A_252 = arith.subf %neg3A_251, %get3A_249 : vector<16xf32>
      %exp3A_253 = math.exp %neg3A_252 : vector<16xf32>
      %add3A_254 = arith.constant 1.000000e+00 : f32
      %add3A_255 = vector.broadcast %add3A_254 : f32 to vector<16xf32>
      %add3A_256 = arith.addf %add3A_255, %exp3A_253 : vector<16xf32>
      %div3A_257 = arith.constant 1.000000e+00 : f32
      %div3A_258 = vector.broadcast %div3A_257 : f32 to vector<16xf32>
      %div3A_259 = arith.divf %div3A_258, %add3A_256 : vector<16xf32>
      %mul3A_260 = arith.constant 16 : i32
      %mul3A_261 = arith.muli %scan3A_243, %mul3A_260 : i32
      %swap3A_262 = arith.constant 0 : i32
      %swap3A_263 = arith.index_cast %swap3A_262 : i32 to index
      %swap3A_264 = arith.index_cast %mul3A_261 : i32 to index
      %swap3A_265 = tpu.vector_load %arg9[%swap3A_263, %swap3A_264] {strides = array<i32>} : memref<2x400xf32, #tpu.memory_space<vmem>>, vector<16xf32>,
      tpu.vector_store %arg9[%swap3A_263, %swap3A_264], %div3A_259 {strides = array<i32>} : memref<2x400xf32, #tpu.memory_space<vmem>>, vector<16xf32>,
      %scan3A_266 = arith.constant 2 : i32
      %scan3A_267 = arith.addi %scan3A_224, %scan3A_266 : i32
      %mul3A_268 = arith.constant 16 : i32
      %mul3A_269 = arith.muli %scan3A_267, %mul3A_268 : i32
      %get3A_270 = arith.constant 0 : i32
      %get3A_271 = arith.index_cast %get3A_270 : i32 to index
      %get3A_272 = arith.index_cast %mul3A_269 : i32 to index
      %get3A_273 = tpu.vector_load %arg9[%get3A_271, %get3A_272] {strides = array<i32>} : memref<2x400xf32, #tpu.memory_space<vmem>>, vector<16xf32>,
      %neg3A_274 = arith.constant 0.000000e+00 : f32
      %neg3A_275 = vector.broadcast %neg3A_274 : f32 to vector<16xf32>
      %neg3A_276 = arith.subf %neg3A_275, %get3A_273 : vector<16xf32>
      %exp3A_277 = math.exp %neg3A_276 : vector<16xf32>
      %add3A_278 = arith.constant 1.000000e+00 : f32
      %add3A_279 = vector.broadcast %add3A_278 : f32 to vector<16xf32>
      %add3A_280 = arith.addf %add3A_279, %exp3A_277 : vector<16xf32>
      %div3A_281 = arith.constant 1.000000e+00 : f32
      %div3A_282 = vector.broadcast %div3A_281 : f32 to vector<16xf32>
      %div3A_283 = arith.divf %div3A_282, %add3A_280 : vector<16xf32>
      %mul3A_284 = arith.constant 16 : i32
      %mul3A_285 = arith.muli %scan3A_267, %mul3A_284 : i32
      %swap3A_286 = arith.constant 0 : i32
      %swap3A_287 = arith.index_cast %swap3A_286 : i32 to index
      %swap3A_288 = arith.index_cast %mul3A_285 : i32 to index
      %swap3A_289 = tpu.vector_load %arg9[%swap3A_287, %swap3A_288] {strides = array<i32>} : memref<2x400xf32, #tpu.memory_space<vmem>>, vector<16xf32>,
      tpu.vector_store %arg9[%swap3A_287, %swap3A_288], %div3A_283 {strides = array<i32>} : memref<2x400xf32, #tpu.memory_space<vmem>>, vector<16xf32>,
      %scan3A_290 = arith.constant 3 : i32
      %scan3A_291 = arith.addi %scan3A_224, %scan3A_290 : i32
      %mul3A_292 = arith.constant 16 : i32
      %mul3A_293 = arith.muli %scan3A_291, %mul3A_292 : i32
      %get3A_294 = arith.constant 0 : i32
      %get3A_295 = arith.index_cast %get3A_294 : i32 to index
      %get3A_296 = arith.index_cast %mul3A_293 : i32 to index
      %get3A_297 = tpu.vector_load %arg9[%get3A_295, %get3A_296] {strides = array<i32>} : memref<2x400xf32, #tpu.memory_space<vmem>>, vector<16xf32>,
      %neg3A_298 = arith.constant 0.000000e+00 : f32
      %neg3A_299 = vector.broadcast %neg3A_298 : f32 to vector<16xf32>
      %neg3A_300 = arith.subf %neg3A_299, %get3A_297 : vector<16xf32>
      %exp3A_301 = math.exp %neg3A_300 : vector<16xf32>
      %add3A_302 = arith.constant 1.000000e+00 : f32
      %add3A_303 = vector.broadcast %add3A_302 : f32 to vector<16xf32>
      %add3A_304 = arith.addf %add3A_303, %exp3A_301 : vector<16xf32>
      %div3A_305 = arith.constant 1.000000e+00 : f32
      %div3A_306 = vector.broadcast %div3A_305 : f32 to vector<16xf32>
      %div3A_307 = arith.divf %div3A_306, %add3A_304 : vector<16xf32>
      %mul3A_308 = arith.constant 16 : i32
      %mul3A_309 = arith.muli %scan3A_291, %mul3A_308 : i32
      %swap3A_310 = arith.constant 0 : i32
      %swap3A_311 = arith.index_cast %swap3A_310 : i32 to index
      %swap3A_312 = arith.index_cast %mul3A_309 : i32 to index
      %swap3A_313 = tpu.vector_load %arg9[%swap3A_311, %swap3A_312] {strides = array<i32>} : memref<2x400xf32, #tpu.memory_space<vmem>>, vector<16xf32>,
      tpu.vector_store %arg9[%swap3A_311, %swap3A_312], %div3A_307 {strides = array<i32>} : memref<2x400xf32, #tpu.memory_space<vmem>>, vector<16xf32>,
      %scan3A_314 = arith.constant 4 : i32
      %scan3A_315 = arith.addi %scan3A_224, %scan3A_314 : i32
      %mul3A_316 = arith.constant 16 : i32
      %mul3A_317 = arith.muli %scan3A_315, %mul3A_316 : i32
      %get3A_318 = arith.constant 0 : i32
      %get3A_319 = arith.index_cast %get3A_318 : i32 to index
      %get3A_320 = arith.index_cast %mul3A_317 : i32 to index
      %get3A_321 = tpu.vector_load %arg9[%get3A_319, %get3A_320] {strides = array<i32>} : memref<2x400xf32, #tpu.memory_space<vmem>>, vector<16xf32>,
      %neg3A_322 = arith.constant 0.000000e+00 : f32
      %neg3A_323 = vector.broadcast %neg3A_322 : f32 to vector<16xf32>
      %neg3A_324 = arith.subf %neg3A_323, %get3A_321 : vector<16xf32>
      %exp3A_325 = math.exp %neg3A_324 : vector<16xf32>
      %add3A_326 = arith.constant 1.000000e+00 : f32
      %add3A_327 = vector.broadcast %add3A_326 : f32 to vector<16xf32>
      %add3A_328 = arith.addf %add3A_327, %exp3A_325 : vector<16xf32>
      %div3A_329 = arith.constant 1.000000e+00 : f32
      %div3A_330 = vector.broadcast %div3A_329 : f32 to vector<16xf32>
      %div3A_331 = arith.divf %div3A_330, %add3A_328 : vector<16xf32>
      %mul3A_332 = arith.constant 16 : i32
      %mul3A_333 = arith.muli %scan3A_315, %mul3A_332 : i32
      %swap3A_334 = arith.constant 0 : i32
      %swap3A_335 = arith.index_cast %swap3A_334 : i32 to index
      %swap3A_336 = arith.index_cast %mul3A_333 : i32 to index
      %swap3A_337 = tpu.vector_load %arg9[%swap3A_335, %swap3A_336] {strides = array<i32>} : memref<2x400xf32, #tpu.memory_space<vmem>>, vector<16xf32>,
      tpu.vector_store %arg9[%swap3A_335, %swap3A_336], %div3A_331 {strides = array<i32>} : memref<2x400xf32, #tpu.memory_space<vmem>>, vector<16xf32>,
    }
    %scan3A_190 = arith.constant 25 : i32
    %add3A_191 = arith.constant 9600 : i32
    %add3A_192 = arith.addi %mul3A_2, %add3A_191 : i32
    %dma_start3A_193 = arith.constant 0 : i32
    %dma_start3A_194 = arith.constant 0 : i32
    %dma_start3A_195 = tpu.memref_slice %arg9[%dma_start3A_193, %dma_start3A_194] : memref<2x400xf32, #tpu.memory_space<vmem>> -> memref<1x400xf32, #tpu.memory_space<vmem>>
    %dma_start3A_196 = tpu.memref_squeeze %dma_start3A_195 : memref<1x400xf32, #tpu.memory_space<vmem>> -> memref<400xf32, #tpu.memory_space<vmem>>
    %dma_start3A_197 = tpu.memref_slice %arg4[%add3A_192] : memref<320000xf32, #tpu.memory_space<hbm>> -> memref<400xf32, #tpu.memory_space<hbm>>
    %dma_start3A_198 = tpu.memref_slice %arg4[%add3A_192] : memref<320000xf32, #tpu.memory_space<hbm>> -> memref<400xf32, #tpu.memory_space<hbm>>
    %dma_start3A_199 = arith.constant 0 : i32
    %dma_start3A_200 = tpu.memref_slice %arg9[%dma_start3A_193, %dma_start3A_199] : memref<2x400xf32, #tpu.memory_space<vmem>> -> memref<1x400xf32, #tpu.memory_space<vmem>>
    %dma_start3A_201 = tpu.memref_squeeze %dma_start3A_200 : memref<1x400xf32, #tpu.memory_space<vmem>> -> memref<400xf32, #tpu.memory_space<vmem>>
    tpu.enqueue_dma source(%dma_start3A_201 : memref<400xf32, #tpu.memory_space<vmem>>) target(%dma_start3A_198 : memref<400xf32, #tpu.memory_space<hbm>>) target_semaphore(%arg12 : memref<!tpu.dma_semaphore, #tpu.memory_space<semaphore_mem>>)
    %add3A_202 = arith.constant 9200 : i32
    %add3A_203 = arith.addi %mul3A_2, %add3A_202 : i32
    %dma_wait3A_204 = arith.constant 1 : i32
    %dma_wait3A_205 = arith.constant 0 : i32
    %dma_wait3A_206 = tpu.memref_slice %arg9[%dma_wait3A_204, %dma_wait3A_205] : memref<2x400xf32, #tpu.memory_space<vmem>> -> memref<1x400xf32, #tpu.memory_space<vmem>>
    %dma_wait3A_207 = tpu.memref_squeeze %dma_wait3A_206 : memref<1x400xf32, #tpu.memory_space<vmem>> -> memref<400xf32, #tpu.memory_space<vmem>>
    %dma_wait3A_208 = tpu.memref_slice %arg4[%add3A_203] : memref<320000xf32, #tpu.memory_space<hbm>> -> memref<400xf32, #tpu.memory_space<hbm>>
    %dma_wait3A_209 = tpu.memref_slice %arg4[%add3A_203] : memref<320000xf32, #tpu.memory_space<hbm>> -> memref<400xf32, #tpu.memory_space<hbm>>
    %dma_wait3A_210 = arith.constant 0 : i32
    %dma_wait3A_211 = tpu.memref_slice %arg9[%dma_wait3A_204, %dma_wait3A_210] : memref<2x400xf32, #tpu.memory_space<vmem>> -> memref<1x400xf32, #tpu.memory_space<vmem>>
    %dma_wait3A_212 = tpu.memref_squeeze %dma_wait3A_211 : memref<1x400xf32, #tpu.memory_space<vmem>> -> memref<400xf32, #tpu.memory_space<vmem>>
    tpu.wait_dma2 semaphore(%arg12 : memref<!tpu.dma_semaphore, #tpu.memory_space<semaphore_mem>>) src(%dma_wait3A_212 : memref<400xf32, #tpu.memory_space<vmem>>) dst(%dma_wait3A_209 : memref<400xf32, #tpu.memory_space<hbm>>)
    %add3A_213 = arith.constant 9600 : i32
    %add3A_214 = arith.addi %mul3A_2, %add3A_213 : i32
    %dma_wait3A_215 = arith.constant 0 : i32
    %dma_wait3A_216 = arith.constant 0 : i32
    %dma_wait3A_217 = tpu.memref_slice %arg9[%dma_wait3A_215, %dma_wait3A_216] : memref<2x400xf32, #tpu.memory_space<vmem>> -> memref<1x400xf32, #tpu.memory_space<vmem>>
    %dma_wait3A_218 = tpu.memref_squeeze %dma_wait3A_217 : memref<1x400xf32, #tpu.memory_space<vmem>> -> memref<400xf32, #tpu.memory_space<vmem>>
    %dma_wait3A_219 = tpu.memref_slice %arg4[%add3A_214] : memref<320000xf32, #tpu.memory_space<hbm>> -> memref<400xf32, #tpu.memory_space<hbm>>
    %dma_wait3A_220 = tpu.memref_slice %arg4[%add3A_214] : memref<320000xf32, #tpu.memory_space<hbm>> -> memref<400xf32, #tpu.memory_space<hbm>>
    %dma_wait3A_221 = arith.constant 0 : i32
    %dma_wait3A_222 = tpu.memref_slice %arg9[%dma_wait3A_215, %dma_wait3A_221] : memref<2x400xf32, #tpu.memory_space<vmem>> -> memref<1x400xf32, #tpu.memory_space<vmem>>
    %dma_wait3A_223 = tpu.memref_squeeze %dma_wait3A_222 : memref<1x400xf32, #tpu.memory_space<vmem>> -> memref<400xf32, #tpu.memory_space<vmem>>
    tpu.wait_dma2 semaphore(%arg12 : memref<!tpu.dma_semaphore, #tpu.memory_space<semaphore_mem>>) src(%dma_wait3A_223 : memref<400xf32, #tpu.memory_space<vmem>>) dst(%dma_wait3A_220 : memref<400xf32, #tpu.memory_space<hbm>>)
    return
  }
}

</mosaic_0001>

<sc_bundles>
// kernel: kernel.3.cloned.1.call-start
scs
__scs_entry_jumppad:
0x0: {  	(pc) =	sbr.rel $0x88, $3  }
0x1: {  	(tag) =	ssettag $0x0;
	lr =	simm.s32 $0x1  }
0x2: {  	[smem:$0x3F9F] =	sst lr;
	_ =	strace $0xD0000000  }
0x3: {  	_ = 	snop  }
0x4: {  	_ = 	snop  }
0x5: {  	_ = 	snop  }
0x6: {  	_ = 	snop  }
0x7: {  	_ = 	snop  }
__scs_overlays_trampoline_lowered:
0x8: {  	[smem:$0x3FAE] =	sst s0  }
0x9: {  	[smem:$0x3FAF] =	sst s1  }
0xa: {  	[smem:$0x3FB0] =	sst s2  }
0xb: {  	[smem:$0x3FB1] =	sst s3  }
0xc: {  	[smem:$0x3FB2] =	sst s4  }
0xd: {  	[smem:$0x3FB3] =	sst s5  }
0xe: {  	[smem:$0x3FB4] =	sst s6  }
0xf: {  	[smem:$0x3FB5] =	sst s7  }
0x10: {  	[smem:$0x3FB6] =	sst s8  }
0x11: {  	[smem:$0x3FB7] =	sst s9;
	s0 =	simm.s32 @!p0 $0x0  }
0x12: {  	s1 =	sld [smem:$0x3F9D];
	s0 =	simm.s32 @p0 $0x1  }
0x13: {  	[smem:$0x3FB8] =	sst s0;
	s0 =	simm.s32 @!p1 $0x0  }
0x14: {  	s2 =	sld [smem:$0x3F9C];
	s0 =	simm.s32 @p1 $0x1  }
0x15: {  	[smem:$0x3FB9] =	sst s0;
	s0 =	simm.s32 @!p2 $0x0  }
0x16: {  	s3 =	sld [smem:$0x3FDB];
	s0 =	simm.s32 @p2 $0x1  }
0x17: {  	s4 =	simm.s32 $0x1BF5;
	[smem:$0x3FBB] =	sst s0  }
0x18: {  	s0 =	sld [smem:$0x3F9E];
	_ =	swait.ge [sflag:s4], $0x0  }
0x19: {  	s7 =	sld [smem:$0x3F9F]  }
0x1a: {  	s8 =	sadd.s32 $0xFFFFE003, lr  }
0x1b: {  	s9 =	sadd.s32 $0xFFFFFEF7, lr;
	s5 =	simm.s32 $0xFFFFFFFF;
	p2 =	slt.u32 s8, $0xFFFFF086  }
0x1c: {  	p1 =	slt.u32 s9, $0xF7A;
	s5 =	simm.s32 @!p2 $0x0  }
0x1d: {  	s5 =	simm.s32 @p1 $0x1;
	p0 =	seq.s32 s7, s2  }
0x1e: {  	s7 =	smul.u32 @!p0 $0xF7A, s2;
	p2 =	seq.s32 @!p0 s5, $0x0  }
0x1f: {  	s9 =	smul.u32 $0xF7A, s1;
	s8 =	simm.s32 @!p0 $0x1BF5;
	p2 =	por !p2, p0  }
0x20: {  	[sflag:s8] =	ssyncset.s32 @!p0 $0xFFFFF086;
	s6 =	sadd.s32 @!p0 s3, s7;
	s7 =	simm.s32 @!p0 $0x108  }
0x21: {  	s3 =	sadd.s32 s3, s9;
	s6 =	sadd.s32 @!p0 $0x88, s6;
	s7 =	simm.s32 @p2 $0x1082  }
0x22: {  	[simem:s7], [sflag:s8] =	dma.local @!p0 [hbm:s6], $0xF7A  }
0x23: {  	s9 =	sor.u32 $0xD0000000, s2;
	s6 =	simm.s32 $0x108;
	_ =	swait.ge @!p0 [sflag:s8], $0x0  }
0x24: {  	s3 =	sadd.s32 $0x88, s3;
	s6 =	simm.s32 @!p1 $0x1082;
	[sflag:s4] =	ssyncset.s32 $0xFFFFF086  }
0x25: {  	[simem:s6], [sflag:s4] =	dma.local [hbm:s3], $0xF7A  }
0x26: {  	[smem:$0x3F9F] =	sst s1;
	(tag) =	ssettag s2;
	_ =	strace s9  }
0x27: {  	s1 =	sld [smem:$0x3FAF]  }
0x28: {  	s2 =	sld [smem:$0x3FB0]  }
0x29: {  	s4 =	sld [smem:$0x3FB2]  }
0x2a: {  	p0 =	seq.s32 s5, $0x0;
	s5 =	sld [smem:$0x3FB3]  }
0x2b: {  	s6 =	sld [smem:$0x3FB4]  }
0x2c: {  	s7 =	sld [smem:$0x3FB5]  }
0x2d: {  	s3 =	simm.s32 $0x108;
	s8 =	sld [smem:$0x3FB6]  }
0x2e: {  	s3 =	simm.s32 @!p0 $0x1082;
	s9 =	sld [smem:$0x3FB7]  }
0x2f: {  	lr =	sadd.s32 s0, s3;
	s0 =	sld [smem:$0x3FAE]  }
0x30: {  	s3 =	sld [smem:$0x3FB1]  }
0x31: {  	[smem:$0x3FBA] =	sst s10  }
0x32: {  	s10 =	sld [smem:$0x3FB8];
	_ =	sdelay $0x3  }
0x33: {  	p0 =	seq.s32 s10, $0x1;
	s10 =	sld [smem:$0x3FBA];
	_ =	sdelay $0x3  }
0x34: {  	[smem:$0x3FBA] =	sst s10  }
0x35: {  	s10 =	sld [smem:$0x3FB9];
	_ =	sdelay $0x3  }
0x36: {  	p1 =	seq.s32 s10, $0x1;
	s10 =	sld [smem:$0x3FBA];
	_ =	sdelay $0x3  }
0x37: {  	[smem:$0x3FBA] =	sst s10  }
0x38: {  	s10 =	sld [smem:$0x3FBB]  }
0x39: {  	_ = 	snop;
	(pc) =	sbr.ind lr, $3  }
0x3a: {  	_ = 	snop  }
0x3b: {  	_ = 	snop  }
0x3c: {  	p2 =	seq.s32 s10, $0x1;
	s10 =	sld [smem:$0x3FBA]  }
0x3d: {  	_ =	shalt  }
0x3e: {  	_ =	shalt  }
0x3f: {  	_ =	shalt  }
0x40: {  	_ =	shalt  }
0x41: {  	_ =	shalt  }
0x42: {  	_ =	shalt  }
0x43: {  	_ =	shalt  }
0x44: {  	_ =	shalt  }
0x45: {  	_ =	shalt  }
0x46: {  	_ =	shalt  }
0x47: {  	_ =	shalt  }
0x48: {  	_ =	shalt  }
0x49: {  	_ =	shalt  }
0x4a: {  	_ =	shalt  }
0x4b: {  	_ =	shalt  }
0x4c: {  	_ =	shalt  }
0x4d: {  	_ =	shalt  }
0x4e: {  	_ =	shalt  }
0x4f: {  	_ =	shalt  }
0x50: {  	_ =	shalt  }
0x51: {  	_ =	shalt  }
0x52: {  	_ =	shalt  }
0x53: {  	_ =	shalt  }
0x54: {  	_ =	shalt  }
0x55: {  	_ =	shalt  }
0x56: {  	_ =	shalt  }
0x57: {  	_ =	shalt  }
0x58: {  	_ =	shalt  }
0x59: {  	_ =	shalt  }
0x5a: {  	_ =	shalt  }
0x5b: {  	_ =	shalt  }
0x5c: {  	_ =	shalt  }
0x5d: {  	_ =	shalt  }
0x5e: {  	_ =	shalt  }
0x5f: {  	_ =	shalt  }
0x60: {  	_ =	shalt  }
0x61: {  	_ =	shalt  }
0x62: {  	_ =	shalt  }
0x63: {  	_ =	shalt  }
0x64: {  	_ =	shalt  }
0x65: {  	_ =	shalt  }
0x66: {  	_ =	shalt  }
0x67: {  	_ =	shalt  }
0x68: {  	_ =	shalt  }
0x69: {  	_ =	shalt  }
0x6a: {  	_ =	shalt  }
0x6b: {  	_ =	shalt  }
0x6c: {  	_ =	shalt  }
0x6d: {  	_ =	shalt  }
0x6e: {  	_ =	shalt  }
0x6f: {  	_ =	shalt  }
0x70: {  	_ =	shalt  }
0x71: {  	_ =	shalt  }
0x72: {  	_ =	shalt  }
0x73: {  	_ =	shalt  }
0x74: {  	_ =	shalt  }
0x75: {  	_ =	shalt  }
0x76: {  	_ =	shalt  }
0x77: {  	_ =	shalt  }
0x78: {  	_ =	shalt  }
0x79: {  	_ =	shalt  }
0x7a: {  	_ =	shalt  }
0x7b: {  	_ =	shalt  }
0x7c: {  	_ =	shalt  }
0x7d: {  	_ =	shalt  }
0x7e: {  	_ =	shalt  }
0x7f: {  	_ =	shalt  }
0x80: {  	_ =	shalt  }
0x81: {  	_ =	shalt  }
0x82: {  	_ =	shalt  }
0x83: {  	_ =	shalt  }
0x84: {  	_ =	shalt  }
0x85: {  	_ =	shalt  }
0x86: {  	_ =	shalt  }
0x87: {  	_ =	shalt  }
.Lfunc_end0:
.L_simem_size_0:
called_computation_lowered:
.L_overlay_start_0:
0x88: {  	s2 =	sld [smem:$0x3FD9]  }
0x89: {  	s3 =	sld [smem:$0x3FFE];
	_ =	sdelay $0x1  }
0x8a: {  	s1 =	srdreg.scid  }
0x8b: {  	s0 =	sand.u32 $0x1, s1  }
0x8c: {  	s17 =	sshll.u32 s0, $0xA;
	s2 =	sadd.s32 s3, s2  }
0x8d: {  	s2 =	sadd.s32 s2, s17  }
0x8e: {  	[smem:$0x3FC6] =	sst s2  }
0x8f: {  	_ = 	snop  }
0x90: {  	s2 =	sld [smem:$0x3FD0];
	(tm) =	ssettm $0x1  }
0x91: {  	s18 =	sld [smem:$0x3FFB];
	_ =	sdelay $0x3  }
0x92: {  	_ =	strace s18  }
0x93: {  	s3 =	sld [smem:$0x3FFC];
	_ =	sdelay $0x3  }
0x94: {  	_ =	strace s3  }
0x95: {  	s3 =	sld [smem:$0x3FFD];
	_ =	sdelay $0x3  }
0x96: {  	_ =	strace s3  }
0x97: {  	_ =	strace $0x8FFFFFFF  }
0x98: {  	s19 =	sld [smem:$0x3FDB];
	_ =	sdelay $0x1  }
0x99: {  	s4 =	simm.s32 $_scs_section_size  }
0x9a: {  	s5 =	simm.s32 $_size__tile_overlayer_lowered;
	s6 =	simm.s32 $_tile_overlayer_lowered  }
0x9b: {  	s22 =	simm.s32 $0x1BFF;
	s21 =	sshll.u32 s6, $0x1;
	s3 =	sadd.s32 s4, s19  }
0x9c: {  	s7 =	simm.s32 $0x0;
	s20 =	sshll.u32 s5, $0x1;
	s5 =	sadd.s32 s21, s3  }
0x9d: {  	[timem:s7], [sflag:s22] =	dma.local [hbm:s5], s20  }
0x9e: {  	_ =	swait.ge [sflag:s22], s20  }
0x9f: {  	s4 =	ssub.s32 $0x0, s20;
	[sflag:s22] =	ssyncset.done $0x0  }
0xa0: {  	[sflag:s22] =	ssyncadd.s32 s4;
	_ =	sdelay $0x1  }
0xa1: {  	s23 =	simm.s32 $0x1B8B  }
0xa2: {  	_ =	swait.ge [sflag:s23], $0x1  }
0xa3: {  	[sflag:s23] =	ssyncset.done $0x0  }
0xa4: {  	s25 =	simm.s32 $0x1B8E;
	s24 =	sld [smem:$0x3FFE];
	[sflag:s23] =	ssyncadd.s32 $0xFFFFFFFF  }
0xa5: {  	s26 =	simm.s32 $execute0_lowered;
	[smem:$0x3FD2] =	sst s25  }
0xa6: {  	s5 =	sshll.u32 s26, $0x1;
	_ =	strace $0x80000046;
	[dreg:$0x1] =	wrdreg $0xFFFFFFFF  }
0xa7: {  	s28 =	simm.s32 $_size_execute0_lowered;
	s3 =	sadd.s32 s3, s5;
	[dreg:$0x0] =	wrdreg $0x0  }
0xa8: {  	s5 =	sshll.u32 s28, $0x1;
	[dreg:$0x2] =	wrdreg s3  }
0xa9: {  	[dreg:$0x3] =	wrdreg s5  }
0xaa: {  	[dreg:$0x4] =	wrdreg $0xC0  }
0xab: {  	_ =	task [dreg:s7], $0x5FFFF  }
0xac: {  	[dreg:$0x1] =	wrdreg $0xFFFFFFFF  }
0xad: {  	[dreg:$0x0] =	wrdreg $0x60  }
0xae: {  	[dreg:$0x2] =	wrdreg s24  }
0xaf: {  	[dreg:$0x3] =	wrdreg s2  }
0xb0: {  	[dreg:$0x4] =	wrdreg $0x9  }
0xb1: {  	_ =	task.clear_ibuf [dreg:s7], $0x5FFFF;
	_ =	strace $0x90000046  }
0xb2: {  	s29 =	simm.s32 $0x9;
	_ =	strace $0x80000048  }
0xb3: {  	_ =	swait.ge [sflag:s29], $0x1  }
0xb4: {  	[sflag:s29] =	ssyncadd.s32 $0xFFFFFFFF  }
0xb5: {  	_ =	strace $0x90000048  }
0xb6: {  	_ =	sfence  }
0xb7: {  	s30 =	sld [smem:$0x0];
	_ =	sdelay $0x2  }
0xb8: {  	s31 =	sshll.u32 s1, $0xD;
	s1 =	sshrl.u32 s1, $0x2  }
0xb9: {  	s3 =	sand.u32 $0x4000, s31;
	s1 =	sadd.s32 s1, s30  }
0xba: {  	s0 =	sor.u32 s3, s0;
	s1 =	sshll.u32 s1, $0x11  }
0xbb: {  	s0 =	sor.u32 s1, s0  }
0xbc: {  	s0 =	sadd.s32 $0x8F2B, s0  }
0xbd: {  	[sflag:s0] =	ssyncadd.remote.s32 $0x1  }
0xbe: {  	_ =	sfence.sel $0xFFFF  }
0xbf: {  	[dreg:$0x0] =	wrdreg $0xFFFFFFFF;
	(pc) =	sbr.abs _section_cstart, $3  }
0xc0: {  	[dreg:$0x1] =	wrdreg $0xFFFFFFFF  }
0xc1: {  	_ =	task.clear_ibuf [dreg:s7], $0x2FFFF;
	_ =	strace $0x9FFFFFFF  }
0xc2: {  	(tm) =	ssettm $0x7FFFFFFF  }
0xc3: {  	_ =	shalt  }
tec
execute0_lowered:
.L_overlay_start_1:
0x0: {  	(tag) =	ssettag $0x1  }
0x1: {  	v0 =	vimm.s32 $0xC4834201  }
0x2: {  	vm11 =	vcmask $0xF00;
	vm10 =	vcmask $0x1310;
	vm9 =	vcmask $0x1714  }
0x3: {  	v1 =	vlaneseq.u32;
	vm8 =	vcmask $0x1B18;
	v3 =	vimm.s32 $0xC6854403  }
0x4: {  	vm6 =	vcmask $0x1F1C;
	vm5 =	vcmask $0x2320;
	vm0 =	vcmask $0x2724  }
0x5: {  	vm1 =	vcmask $0x2B28;
	vm2 =	vcmask $0x2F2C;
	vm3 =	vcmask $0x3330  }
0x6: {  	vm4 =	vcmask $0x3734;
	vm7 =	vcmask $0x3B38;
	v5 =	vimm.s32 $0xC8874605  }
0x7: {  	v6 =	vimm.s32 $0xC9884706;
	v7 =	vimm.s32 $0xCA894807;
	v8 =	vimm.s32 $0xCB8A4908  }
0x8: {  	v9 =	vimm.s32 $0xCC8B4A09;
	v10 =	vimm.s32 $0xCD8C4B0A;
	v11 =	vimm.s32 $0xCE8D4C0B  }
0x9: {  	v12 =	vimm.s32 $0xCF8E4D0C;
	v13 =	vimm.s32 $0xC08F4E0D;
	v14 =	vimm.s32 $0xC1804F0E  }
0xa: {  	v15 =	vimm.s32 $0xC281400F;
	v0 =	vunpack.c.0.s8.s32 v0;
	v3 =	vunpack.c.0.s8.s32 v3  }
0xb: {  	v5 =	vunpack.c.0.s8.s32 v5;
	v6 =	vunpack.c.0.s8.s32 v6;
	v7 =	vunpack.c.0.s8.s32 v7  }
0xc: {  	v8 =	vunpack.c.0.s8.s32 v8;
	v9 =	vunpack.c.0.s8.s32 v9;
	v10 =	vunpack.c.0.s8.s32 v10  }
0xd: {  	v11 =	vunpack.c.0.s8.s32 v11;
	v12 =	vunpack.c.0.s8.s32 v12;
	v13 =	vunpack.c.0.s8.s32 v13  }
0xe: {  	v14 =	vunpack.c.0.s8.s32 v14;
	v15 =	vunpack.c.0.s8.s32 v15;
	v0 =	vand.u32 $0xFF, v0  }
0xf: {  	v3 =	vand.u32 $0xFF, v3;
	v5 =	vand.u32 $0xFF, v5;
	v6 =	vand.u32 $0xFF, v6  }
0x10: {  	v7 =	vand.u32 $0xFF, v7;
	v8 =	vand.u32 $0xFF, v8;
	v9 =	vand.u32 $0xFF, v9  }
0x11: {  	v10 =	vand.u32 $0xFF, v10;
	v11 =	vand.u32 $0xFF, v11;
	v12 =	vand.u32 $0xFF, v12  }
0x12: {  	v13 =	vand.u32 $0xFF, v13;
	v14 =	vand.u32 $0xFF, v14;
	v15 =	vand.u32 $0xFF, v15  }
0x13: {  	v0 =	vnsel vm11, $0x3C0, v0;
	v3 =	vnsel vm11, $0x3C2, v3;
	v5 =	vnsel vm11, $0x3C4, v5  }
0x14: {  	v6 =	vnsel vm11, $0x3C5, v6;
	v7 =	vnsel vm11, $0x3C6, v7;
	v8 =	vnsel vm11, $0x3C7, v8  }
0x15: {  	v9 =	vnsel vm11, $0x3C8, v9;
	v10 =	vnsel vm11, $0x3C9, v10;
	v11 =	vnsel vm11, $0x3CA, v11  }
0x16: {  	v12 =	vnsel vm11, $0x3CB, v12;
	v13 =	vnsel vm11, $0x3CC, v13;
	v14 =	vnsel vm11, $0x3CD, v14  }
0x17: {  	v15 =	vnsel vm11, $0x3CE, v15;
	v0 =	vsel vm10, $0x105, v0;
	v3 =	vsel vm10, $0x107, v3  }
0x18: {  	v5 =	vsel vm10, $0x109, v5;
	v6 =	vsel vm10, $0x10A, v6;
	v7 =	vsel vm10, $0x10B, v7  }
0x19: {  	v8 =	vsel vm10, $0x10C, v8;
	v9 =	vsel vm10, $0x10D, v9;
	v10 =	vsel vm10, $0x10E, v10  }
0x1a: {  	v11 =	vsel vm10, $0x10F, v11;
	v12 =	vsel vm10, $0x100, v12;
	v13 =	vsel vm10, $0x101, v13  }
0x1b: {  	v14 =	vsel vm10, $0x102, v14;
	v15 =	vsel vm10, $0x103, v15;
	v0 =	vsel vm9, $0x146, v0  }
0x1c: {  	v3 =	vsel vm9, $0x148, v3;
	v5 =	vsel vm9, $0x14A, v5;
	v6 =	vsel vm9, $0x14B, v6  }
0x1d: {  	v7 =	vsel vm9, $0x14C, v7;
	v8 =	vsel vm9, $0x14D, v8;
	v9 =	vsel vm9, $0x14E, v9  }
0x1e: {  	v10 =	vsel vm9, $0x14F, v10;
	v11 =	vsel vm9, $0x140, v11;
	v12 =	vsel vm9, $0x141, v12  }
0x1f: {  	v13 =	vsel vm9, $0x142, v13;
	v14 =	vsel vm9, $0x143, v14;
	v15 =	vsel vm9, $0x144, v15  }
0x20: {  	v2 =	vsel vm8, $0x187, v0;
	v0 =	vimm.s32 $0xC5844302;
	v3 =	vsel vm8, $0x189, v3  }
0x21: {  	v5 =	vsel vm8, $0x18B, v5;
	v6 =	vsel vm8, $0x18C, v6;
	v7 =	vsel vm8, $0x18D, v7  }
0x22: {  	v8 =	vsel vm8, $0x18E, v8;
	v9 =	vsel vm8, $0x18F, v9;
	v10 =	vsel vm8, $0x180, v10  }
0x23: {  	v11 =	vsel vm8, $0x181, v11;
	v12 =	vsel vm8, $0x182, v12;
	v13 =	vsel vm8, $0x183, v13  }
0x24: {  	v14 =	vsel vm8, $0x184, v14;
	v15 =	vsel vm8, $0x185, v15;
	v4 =	vunpack.c.0.s8.s32 v0  }
0x25: {  	v0 =	vmul.u32 $0x41, v1;
	v1 =	vsel vm6, $0x1C8, v2;
	v3 =	vsel vm6, $0x1CA, v3  }
0x26: {  	v5 =	vsel vm6, $0x1CC, v5;
	v6 =	vsel vm6, $0x1CD, v6;
	v7 =	vsel vm6, $0x1CE, v7  }
0x27: {  	v8 =	vsel vm6, $0x1CF, v8;
	v9 =	vsel vm6, $0x1C0, v9;
	v10 =	vsel vm6, $0x1C1, v10  }
0x28: {  	v11 =	vsel vm6, $0x1C2, v11;
	v12 =	vsel vm6, $0x1C3, v12;
	v13 =	vsel vm6, $0x1C4, v13  }
0x29: {  	v14 =	vsel vm6, $0x1C5, v14;
	v15 =	vsel vm6, $0x1C6, v15;
	v1 =	vsel vm5, $0x209, v1  }
0x2a: {  	v3 =	vsel vm5, $0x20B, v3;
	v5 =	vsel vm5, $0x20D, v5;
	v6 =	vsel vm5, $0x20E, v6  }
0x2b: {  	v7 =	vsel vm5, $0x20F, v7;
	v8 =	vsel vm5, $0x200, v8;
	v9 =	vsel vm5, $0x201, v9  }
0x2c: {  	v10 =	vsel vm5, $0x202, v10;
	v11 =	vsel vm5, $0x203, v11;
	v12 =	vsel vm5, $0x204, v12  }
0x2d: {  	v13 =	vsel vm5, $0x205, v13;
	v14 =	vsel vm5, $0x206, v14;
	v15 =	vsel vm5, $0x207, v15  }
0x2e: {  	v2 =	vand.u32 $0xFF, v4;
	v1 =	vsel vm0, $0x24A, v1;
	v3 =	vsel vm0, $0x24C, v3  }
0x2f: {  	v4 =	vimm.s32 $0xC7864504;
	v5 =	vsel vm0, $0x24E, v5;
	v6 =	vsel vm0, $0x24F, v6  }
0x30: {  	v7 =	vsel vm0, $0x240, v7;
	v8 =	vsel vm0, $0x241, v8;
	v9 =	vsel vm0, $0x242, v9  }
0x31: {  	v10 =	vsel vm0, $0x243, v10;
	v11 =	vsel vm0, $0x244, v11;
	v12 =	vsel vm0, $0x245, v12  }
0x32: {  	v13 =	vsel vm0, $0x246, v13;
	v14 =	vsel vm0, $0x247, v14;
	v15 =	vsel vm0, $0x248, v15  }
0x33: {  	v2 =	vnsel vm11, $0x3C1, v2;
	v1 =	vsel vm1, $0x28B, v1;
	v3 =	vsel vm1, $0x28D, v3  }
0x34: {  	v4 =	vunpack.c.0.s8.s32 v4;
	v5 =	vsel vm1, $0x28F, v5;
	v6 =	vsel vm1, $0x280, v6  }
0x35: {  	v7 =	vsel vm1, $0x281, v7;
	v8 =	vsel vm1, $0x282, v8;
	v9 =	vsel vm1, $0x283, v9  }
0x36: {  	v10 =	vsel vm1, $0x284, v10;
	v11 =	vsel vm1, $0x285, v11;
	v12 =	vsel vm1, $0x286, v12  }
0x37: {  	v13 =	vsel vm1, $0x287, v13;
	v14 =	vsel vm1, $0x288, v14;
	v15 =	vsel vm1, $0x289, v15  }
0x38: {  	v2 =	vsel vm10, $0x106, v2;
	v1 =	vsel vm2, $0x2CC, v1;
	v3 =	vsel vm2, $0x2CE, v3  }
0x39: {  	v5 =	vsel vm2, $0x2C0, v5;
	v6 =	vsel vm2, $0x2C1, v6;
	v7 =	vsel vm2, $0x2C2, v7  }
0x3a: {  	v8 =	vsel vm2, $0x2C3, v8;
	v9 =	vsel vm2, $0x2C4, v9;
	v10 =	vsel vm2, $0x2C5, v10  }
0x3b: {  	v11 =	vsel vm2, $0x2C6, v11;
	v12 =	vsel vm2, $0x2C7, v12;
	v13 =	vsel vm2, $0x2C8, v13  }
0x3c: {  	v14 =	vsel vm2, $0x2C9, v14;
	v15 =	vsel vm2, $0x2CA, v15;
	v2 =	vsel vm9, $0x147, v2  }
0x3d: {  	v1 =	vsel vm3, $0x30D, v1;
	v3 =	vsel vm3, $0x30F, v3;
	v4 =	vand.u32 $0xFF, v4  }
0x3e: {  	v5 =	vsel vm3, $0x301, v5;
	v7 =	vsel vm3, $0x303, v7;
	v2 =	vsel vm8, $0x188, v2  }
0x3f: {  	v8 =	vsel vm3, $0x304, v8;
	v9 =	vsel vm3, $0x305, v9;
	v2 =	vsel vm6, $0x1C9, v2  }
0x40: {  	v10 =	vsel vm3, $0x306, v10;
	v11 =	vsel vm3, $0x307, v11;
	v2 =	vsel vm5, $0x20A, v2  }
0x41: {  	v12 =	vsel vm3, $0x308, v12;
	v13 =	vsel vm3, $0x309, v13;
	v2 =	vsel vm0, $0x24B, v2  }
0x42: {  	v14 =	vsel vm3, $0x30A, v14;
	v15 =	vsel vm3, $0x30B, v15;
	v2 =	vsel vm1, $0x28C, v2  }
0x43: {  	v3 =	vsel vm4, $0x340, v3;
	v4 =	vnsel vm11, $0x3C3, v4;
	v2 =	vsel vm2, $0x2CD, v2  }
0x44: {  	s1 =	srdreg.scid;
	s0 =	stileid.u32;
	v5 =	vsel vm4, $0x342, v5;
	v7 =	vsel vm4, $0x344, v7;
	v2 =	vsel vm3, $0x30E, v2  }
0x45: {  	s1 =	sand.u32 $0x1, s1;
	s3 =	sshll.u32 s0, $0x1;
	v8 =	vsel vm4, $0x345, v8;
	v4 =	vsel vm10, $0x108, v4;
	v2 =	vsel vm4, $0x34F, v2  }
0x46: {  	s6 =	rddreg [dreg:$0x0];
	s4 =	sor.u32 s1, s3;
	s3 =	simm.s32 $0x0;
	[tilespmem:$0x1FF40] =	vst v0;
	v4 =	vsel vm9, $0x149, v4;
	v54 =	vsel vm7, $0x380, v2;
	v2 =	vsel vm7, $0x381, v3  }
0x47: {  	s12 =	simm.s32 $0x2710;
	[smem:$0x7FF] =	sst s3;
	v10 =	vsel vm4, $0x347, v10;
	v12 =	vsel vm4, $0x349, v12;
	v4 =	vsel vm8, $0x18A, v4;
	[tilespmem:$0x1FF50] =	vst v2  }
0x48: {  	s2 =	rddreg [dreg:$0x1];
	v14 =	vsel vm4, $0x34B, v14;
	v4 =	vsel vm6, $0x1CB, v4;
	v3 =	vsel vm7, $0x38A, v12;
	_ =	strace $0x80000047;
	[tilespmem:$0x1FF60] =	vst v54  }
0x49: {  	s13 =	simm.s32 $0x190;
	s14 =	simm.s32 $0x4E20;
	v13 =	vsel vm4, $0x34A, v13;
	v4 =	vsel vm5, $0x20C, v4;
	v12 =	vsel vm7, $0x38C, v14;
	[tilespmem:$0x1FF80] =	vst v3  }
0x4a: {  	s11 =	simm.s32 $0x4;
	s15 =	simm.s32 $0x11620;
	s16 =	simm.s32 $0xB220;
	v15 =	vsel vm4, $0x34C, v15;
	v62 =	vsel vm7, $0x38B, v13;
	v4 =	vsel vm0, $0x24D, v4;
	[tilespmem:$0x1FF90] =	vst v12  }
0x4b: {  	s17 =	simm.s32 $0x28A0;
	s18 =	simm.s32 $0x17A20;
	s19 =	simm.s32 $0x1;
	v50 =	vsel vm7, $0x383, v5;
	v5 =	vsel vm7, $0x388, v10;
	v4 =	vsel vm1, $0x28E, v4;
	[tilespmem:$0x1FFA0] =	vst v62  }
0x4c: {  	s20 =	simm.s32 $0x2;
	s21 =	simm.s32 $0x1DE20;
	s4 =	smul.u32 $0x2710, s4;
	v9 =	vsel vm4, $0x346, v9;
	v13 =	vsel vm7, $0x38D, v15;
	v4 =	vsel vm2, $0x2CF, v4;
	[tilespmem:$0x1FFB0] =	vst v5  }
0x4d: {  	s22 =	simm.s32 $0x1DFB0;
	s23 =	simm.s32 $0x3;
	s1 =	ssub.s32 $0x2, s1;
	v11 =	vsel vm4, $0x348, v11;
	v60 =	vsel vm7, $0x387, v9;
	v4 =	vsel vm3, $0x300, v4;
	[tilespmem:$0x1FFC0] =	vst v13  }
0x4e: {  	s24 =	simm.s32 $0x0;
	s31 =	sshrl.u32 s1, $0x1;
	s7 =	sshrl.u32 s4, $0x3;
	v63 =	vsel vm7, $0x386, v8;
	v2 =	vsel vm7, $0x385, v7;
	v4 =	vsel vm4, $0x341, v4;
	[tilespmem:$0x1FFD0] =	vst v60  }
0x4f: {  	s5 =	sadd.s32 $0x600, s6;
	s1 =	ssub.s32 s1, s31;
	s8 =	sadd.s32 s7, s6;
	v6 =	vsel vm3, $0x302, v6;
	v1 =	vsel vm4, $0x34E, v1;
	v8 =	vmovc v2;
	v2 =	vsel vm7, $0x389, v11;
	[tilespmem:$0x1FFE0] =	vst v63  }
0x50: {  	s10 =	smax.u32 s1, $0x1;
	s9 =	sadd.s32 s2, s7;
	s6 =	sadd.s32 $0x14000, s8;
	v6 =	vsel vm4, $0x343, v6;
	v0 =	vsel vm7, $0x38F, v1;
	[tilespmem:$0x1FF70] =	vst v2  }
0x51: {  	s7 =	sadd.s32 $0x1DC40, s8;
	s8 =	sadd.s32 $0x190, s4;
	s9 =	sadd.s32 $0x4B0, s9;
	v57 =	vsel vm7, $0x384, v6;
	v51 =	vsel vm7, $0x382, v4;
	v14 =	vmovc v2;
	[tilespmem:$0x1FFF0] =	vst v8;
	v4 =	vmov v0  }
.LBB2_1:
0x52: {  	[tilespmem:s3], [sflag:$0x4] =	stream.linear.gather [hbm4b:s6+s3], $0x2710, $0x38;
	[tilespmem:$0x1E140] =	vst v63  }
0x53: {  	_ =	swait.ge [sflag:s11], $0x2710  }
0x54: {  	[sflag:s11] =	ssyncset.done $0x0  }
0x55: {  	[sflag:s11] =	ssyncadd.s32 $0xFFFFD8F0  }
0x56: {  	[tilespmem:s12], [sflag:$0x4] =	stream.linear.gather [hbm4b:s7+s3], $0x2710, $0x38;
	[tilespmem:$0x1E140] =	vst v63  }
0x57: {  	_ =	swait.ge [sflag:s11], $0x2710  }
0x58: {  	[sflag:s11] =	ssyncset.done $0x0  }
0x59: {  	[sflag:s11] =	ssyncadd.s32 $0xFFFFD8F0  }
0x5a: {  	[tilespmem:s14], [sflag:$0x1] =	stream.indirect.gather [hbm4b:s5+s13], $0x40, s3, s13, $0xb8;
	[tilespmem:$0x1E140] =	vst v63  }
0x5b: {  	_ = 	snop  }
0x5c: {  	[tilespmem:s15], [sflag:$0x2] =	stream.indirect.gather [hbm4b:s5+s13], $0x40, s12, s13, $0xb8;
	[tilespmem:$0x1E140] =	vst v63  }
0x5d: {  	_ = 	snop  }
0x5e: {  	[tilespmem:s16], [sflag:$0x1] =	stream.indirect.gather [hbm4b:s5+s13], $0x40, s13, s13, $0xb8;
	[tilespmem:$0x1E140] =	vst v63  }
0x5f: {  	s25 =	simm.s32 $0x0  }
0x60: {  	[tilespmem:s18], [sflag:$0x2] =	stream.indirect.gather [hbm4b:s5+s13], $0x40, s17, s13, $0xb8;
	[tilespmem:$0x1E140] =	vst v63  }
.LBB2_2:
0x61: {  	_ =	swait.ge [sflag:s19], $0x6400  }
0x62: {  	[sflag:s19] =	ssyncset.done $0x0  }
0x63: {  	[sflag:s19] =	ssyncadd.s32 $0xFFFF9C00  }
0x64: {  	_ =	swait.ge [sflag:s20], $0x6400  }
0x65: {  	p0 =	seq.s32 s25, $0x0;
	[sflag:s20] =	ssyncset.done $0x0  }
0x66: {  	s1 =	simm.s32 @!p0 $0x3;
	[sflag:s20] =	ssyncadd.s32 $0xFFFF9C00  }
0x67: {  	_ =	swait.ge @!p0 [sflag:s1], $0x190  }
0x68: {  	[sflag:s1] =	ssyncset.done @!p0 $0x0  }
0x69: {  	s26 =	simm.s32 $0x0;
	s28 =	simm.s32 $0x0;
	v6 =	vld [tilespmem:$0x1FF40];
	[sflag:s1] =	ssyncadd.s32 @!p0 $0xFFFFFE70  }
.LBB2_3:
0x6a: {  	s29 =	sshll.u32 s28, $0xA  }
0x6b: {  	s1 =	sor.u32 s29, s26  }
0x6c: {  	v18 =	vor.u32 s1, v4  }
0x6d: {  	v17 =	vor.u32 s1, v50  }
0x6e: {  	v19 =	vor.u32 s1, v51;
	_ =	sdelay $0x1  }
0x6f: {  	v0 =	vld [tilespmem:$0x1FF50]  }
0x70: {  	v21 =	vor.u32 s1, v57;
	v20 =	vld.idx.msk [tilespmem:v18+s15+$0x0], $0xffff  }
0x71: {  	v25 =	vor.u32 s1, v60;
	v22 =	vld.idx.msk [tilespmem:v17+s15+$0x0], $0xffff  }
0x72: {  	v23 =	vor.u32 s1, v13;
	v30 =	vld.idx.msk [tilespmem:v19+s14+$0x0], $0xffff  }
0x73: {  	v26 =	vor.u32 s1, v63;
	v19 =	vld.idx.msk [tilespmem:v19+s15+$0x0], $0xffff  }
0x74: {  	v28 =	vor.u32 s1, v5;
	v31 =	vld.idx.msk [tilespmem:v17+s14+$0x0], $0xffff  }
0x75: {  	v34 =	vld.idx.msk [tilespmem:v21+s14+$0x0], $0xffff  }
0x76: {  	v36 =	vld.idx.msk [tilespmem:v25+s15+$0x0], $0xffff  }
0x77: {  	v17 =	vld.idx.msk [tilespmem:v23+s15+$0x0], $0xffff  }
0x78: {  	v38 =	vor.u32 s1, v8;
	v41 =	vld.idx.msk [tilespmem:v26+s15+$0x0], $0xffff  }
0x79: {  	v27 =	vld.idx.msk [tilespmem:v28+s14+$0x0], $0xffff  }
0x7a: {  	v32 =	vor.u32 s1, v62;
	v47 =	vld.idx.msk [tilespmem:v26+s14+$0x0], $0xffff  }
0x7b: {  	v25 =	vld.idx.msk [tilespmem:v25+s14+$0x0], $0xffff  }
0x7c: {  	v40 =	vor.u32 s1, v54;
	v39 =	vld.idx.msk [tilespmem:v18+s14+$0x0], $0xffff  }
0x7d: {  	v33 =	vor.u32 s1, v6;
	v26 =	vld.idx.msk [tilespmem:v38+s14+$0x0], $0xffff  }
0x7e: {  	v35 =	vld.idx.msk [tilespmem:v28+s15+$0x0], $0xffff  }
0x7f: {  	v24 =	vor.u32 s1, v0;
	v29 =	vld.idx.msk [tilespmem:v32+s14+$0x0], $0xffff  }
0x80: {  	v48 =	vld.idx.msk [tilespmem:v21+s15+$0x0], $0xffff  }
0x81: {  	v43 =	vld.idx.msk [tilespmem:v40+s14+$0x0], $0xffff  }
0x82: {  	v37 =	vld.idx.msk [tilespmem:v33+s15+$0x0], $0xffff  }
0x83: {  	v45 =	vimm.f32 $0.0e+00;
	v42 =	vld.idx.msk [tilespmem:v33+s14+$0x0], $0xffff  }
0x84: {  	v28 =	vor.u32 s1, v14;
	v16 =	vld.idx.msk [tilespmem:v24+s15+$0x0], $0xffff;
	v21 =	vmul.bf16 v22, v31;
	v30 =	vmul.bf16 v19, v30  }
0x85: {  	v18 =	vor.u32 s1, v12;
	v31 =	vmul.bf16 v20, v39;
	v39 =	vld.idx.msk [tilespmem:v40+s15+$0x0], $0xffff;
	v40 =	vmul.bf16 v36, v25  }
0x86: {  	v33 =	vor.u32 s1, v3;
	v44 =	vld.idx.msk [tilespmem:v24+s14+$0x0], $0xffff;
	v24 =	vmul.bf16 v48, v34;
	v36 =	vmul.bf16 v41, v47  }
0x87: {  	v32 =	vld.idx.msk [tilespmem:v32+s15+$0x0], $0xffff;
	v34 =	vimm.f32 $0.0e+00;
	v19 =	vunpack.i.u.bf16.f32 v21;
	v21 =	vunpack.i.l.bf16.f32 v21  }
0x88: {  	v38 =	vld.idx.msk [tilespmem:v38+s15+$0x0], $0xffff;
	v22 =	vunpack.i.u.bf16.f32 v30;
	v20 =	vunpack.i.l.bf16.f32 v30;
	v30 =	vunpack.i.u.bf16.f32 v31  }
0x89: {  	s30 =	simm.s32 $0x10;
	v41 =	vld.idx.msk [tilespmem:v28+s14+$0x0], $0xffff;
	v46 =	vunpack.i.l.bf16.f32 v31;
	v31 =	vimm.f32 $0.0e+00;
	v30 =	vadd.f32 v30, v45  }
.LBB2_4:
0x8a: {  	v28 =	vld.idx.msk [tilespmem:v28+s15+$0x0], $0xffff  }
0x8b: {  	s31 =	sor.u32 s29, s30;
	v0 =	vld [tilespmem:$0x1FF50]  }
0x8c: {  	v49 =	vld.idx.msk [tilespmem:v33+s14+$0x0], $0xffff;
	v9 =	vmov v50;
	v50 =	vor.u32 s31, v50  }
0x8d: {  	v33 =	vld.idx.msk [tilespmem:v33+s15+$0x0], $0xffff;
	v47 =	vunpack.i.u.bf16.f32 v24;
	v48 =	vunpack.i.l.bf16.f32 v40  }
0x8e: {  	v53 =	vld.idx.msk [tilespmem:v18+s14+$0x0], $0xffff;
	v52 =	vunpack.i.u.bf16.f32 v36;
	v55 =	vor.u32 s31, v8;
	v62 =	vor.u32 s31, v63  }
0x8f: {  	v7 =	vmovc v60;
	v10 =	vmovc v63;
	v60 =	vor.u32 s31, v60;
	v63 =	vor.u32 s31, v5;
	v27 =	vmul.bf16 v35, v27;
	v35 =	vld.idx.msk [tilespmem:v23+s14+$0x0], $0xffff  }
0x90: {  	v37 =	vmul.bf16 v37, v42;
	v42 =	vadd.f32 v46, v45;
	v29 =	vmul.bf16 v32, v29;
	v32 =	vld.idx.msk [tilespmem:v18+s15+$0x0], $0xffff  }
0x91: {  	v45 =	vor.u32 s31, v6;
	v46 =	vor.u32 s31, v4;
	v44 =	vmul.bf16 v16, v44;
	v59 =	vld.idx.msk [tilespmem:v50+s15+$0x0], $0xffff  }
0x92: {  	v11 =	vmovc v4;
	v49 =	vmul.bf16 v33, v49;
	v56 =	vunpack.i.u.bf16.f32 v37;
	v33 =	vunpack.i.l.bf16.f32 v37;
	v37 =	vld.idx.msk [tilespmem:v50+s14+$0x0], $0xffff  }
0x93: {  	v3 =	vmovc v6;
	v39 =	vmul.bf16 v39, v43;
	v4 =	vmovc v51;
	v51 =	vor.u32 s31, v51;
	v58 =	vunpack.i.l.bf16.f32 v44;
	v2 =	vld.idx.msk [tilespmem:v62+s15+$0x0], $0xffff  }
0x94: {  	v23 =	vor.u32 s31, v12;
	v6 =	vmovc v12;
	v12 =	vmovc v8;
	v8 =	vor.u32 s31, v57;
	v42 =	vadd.f32 v58, v42;
	v58 =	vld.idx.msk [tilespmem:v60+s15+$0x0], $0xffff  }
0x95: {  	v43 =	vunpack.i.u.bf16.f32 v27;
	v34 =	vadd.f32 v56, v34;
	v56 =	vunpack.i.l.bf16.f32 v27;
	v27 =	vld.idx.msk [tilespmem:v63+s14+$0x0], $0xffff  }
0x96: {  	v15 =	vor.u32 s31, v54;
	v40 =	vunpack.i.u.bf16.f32 v40;
	v36 =	vunpack.i.l.bf16.f32 v36;
	v60 =	vld.idx.msk [tilespmem:v60+s14+$0x0], $0xffff  }
0x97: {  	v24 =	vunpack.i.l.bf16.f32 v24;
	v26 =	vmul.bf16 v38, v26;
	v25 =	vor.u32 s31, v0;
	v38 =	vld.idx.msk [tilespmem:v46+s15+$0x0], $0xffff  }
0x98: {  	v18 =	vmovc v23;
	v41 =	vmul.bf16 v28, v41;
	v23 =	vor.u32 s31, v13;
	v28 =	vunpack.i.u.bf16.f32 v44;
	v44 =	vld.idx.msk [tilespmem:v51+s14+$0x0], $0xffff  }
0x99: {  	v61 =	vunpack.i.u.bf16.f32 v39;
	v0 =	vunpack.i.l.bf16.f32 v29;
	v30 =	vadd.f32 v28, v30;
	v51 =	vld.idx.msk [tilespmem:v51+s15+$0x0], $0xffff  }
0x9a: {  	v28 =	vor.u32 s31, v14;
	v50 =	vmul.bf16 v32, v53;
	v53 =	vld.idx.msk [tilespmem:v8+s14+$0x0], $0xffff;
	v32 =	vunpack.i.l.bf16.f32 v39  }
0x9b: {  	v39 =	vunpack.i.l.bf16.f32 v41;
	v19 =	vadd.f32 v19, v30;
	v30 =	vunpack.i.u.bf16.f32 v41;
	v41 =	vld.idx.msk [tilespmem:v62+s14+$0x0], $0xffff  }
0x9c: {  	v31 =	vadd.f32 v33, v31;
	v35 =	vmul.bf16 v17, v35;
	v33 =	vadd.f32 v61, v34;
	v62 =	vld [tilespmem:$0x1FFA0]  }
0x9d: {  	v21 =	vadd.f32 v21, v42;
	v34 =	vunpack.i.u.bf16.f32 v26;
	v26 =	vunpack.i.l.bf16.f32 v26;
	v46 =	vld.idx.msk [tilespmem:v46+s14+$0x0], $0xffff  }
0x9e: {  	v16 =	vld.idx.msk [tilespmem:v25+s15+$0x0], $0xffff;
	v31 =	vadd.f32 v32, v31;
	v1 =	vunpack.i.u.bf16.f32 v50;
	v22 =	vadd.f32 v22, v33  }
0x9f: {  	v17 =	vld.idx.msk [tilespmem:v23+s15+$0x0], $0xffff;
	v19 =	vadd.f32 v34, v19;
	v34 =	vunpack.i.u.bf16.f32 v29;
	v21 =	vadd.f32 v26, v21  }
0xa0: {  	v29 =	vld [tilespmem:$0x1FF80];
	v61 =	vunpack.i.l.bf16.f32 v35;
	v59 =	vmul.bf16 v59, v37;
	v20 =	vadd.f32 v20, v31  }
0xa1: {  	v26 =	vld.idx.msk [tilespmem:v55+s14+$0x0], $0xffff;
	v31 =	vunpack.i.u.bf16.f32 v35;
	v22 =	vadd.f32 v47, v22;
	v21 =	vadd.f32 v48, v21  }
0xa2: {  	v37 =	vld.idx.msk [tilespmem:v45+s15+$0x0], $0xffff;
	v40 =	vadd.f32 v40, v19;
	v19 =	vunpack.i.u.bf16.f32 v59;
	v42 =	vor.u32 s31, v62  }
0xa3: {  	v35 =	vld.idx.msk [tilespmem:v63+s15+$0x0], $0xffff;
	v20 =	vadd.f32 v24, v20;
	v24 =	vunpack.i.u.bf16.f32 v49;
	v22 =	vadd.f32 v52, v22  }
0xa4: {  	v63 =	vmovc v10;
	v48 =	vld.idx.msk [tilespmem:v8+s15+$0x0], $0xffff;
	v47 =	vadd.f32 v39, v21;
	v30 =	vadd.f32 v30, v40;
	v21 =	vunpack.i.l.bf16.f32 v59  }
0xa5: {  	v8 =	vmovc v12;
	v52 =	vunpack.i.l.bf16.f32 v49;
	v39 =	vld.idx.msk [tilespmem:v15+s15+$0x0], $0xffff;
	v40 =	vmul.bf16 v58, v60;
	v20 =	vadd.f32 v36, v20  }
0xa6: {  	v36 =	vmul.bf16 v38, v46;
	v46 =	vmul.bf16 v51, v44;
	v38 =	vld.idx.msk [tilespmem:v55+s15+$0x0], $0xffff;
	v22 =	vadd.f32 v43, v22  }
0xa7: {  	p1 =	sne.s32 s30, $0x30;
	v12 =	vmovc v6;
	v33 =	vor.u32 s31, v29;
	v30 =	vadd.f32 v34, v30;
	v0 =	vadd.f32 v0, v47;
	v29 =	vld.idx.msk [tilespmem:v42+s14+$0x0], $0xffff  }
.Ltmp0:
0xa8: {  	v6 =	vmovc v3;
	v60 =	vmovc v7;
	v59 =	vadd.f32 v56, v20;
	v20 =	vunpack.i.l.bf16.f32 v46;
	v56 =	vunpack.i.l.bf16.f32 v50;
	v32 =	vld.idx.msk [tilespmem:v42+s15+$0x0], $0xffff;
	(pc) =	sbr.rel @p1 .LBB2_4-.Ltmp0, $4  }
0xa9: {  	v51 =	vmovc v4;
	v42 =	vld.idx.msk [tilespmem:v45+s14+$0x0], $0xffff;
	v24 =	vadd.f32 v24, v22;
	v22 =	vunpack.i.u.bf16.f32 v46;
	v45 =	vadd.f32 v61, v0  }
0xaa: {  	v4 =	vmovc v11;
	v44 =	vld.idx.msk [tilespmem:v25+s14+$0x0], $0xffff;
	v46 =	vunpack.i.l.bf16.f32 v36;
	v55 =	vadd.f32 v52, v59;
	v59 =	vadd.f32 v31, v30  }
0xab: {  	v43 =	vld.idx.msk [tilespmem:v15+s14+$0x0], $0xffff;
	v50 =	vmovc v9;
	v34 =	vadd.f32 v1, v24;
	v24 =	vunpack.i.u.bf16.f32 v36;
	v36 =	vmul.bf16 v2, v41  }
0xac: {  	s30 =	sadd.s32 $0x10, s30;
	v41 =	vld.idx.msk [tilespmem:v28+s14+$0x0], $0xffff;
	v31 =	vadd.f32 v56, v55;
	v30 =	vadd.f32 v24, v59;
	v24 =	vmul.bf16 v48, v53  }
0xad: {  	_ =	sdelay $0x3  }
0xae: {  	v0 =	vld.idx.msk [tilespmem:v23+s14+$0x0], $0xffff;
	v25 =	vmul.bf16 v35, v27;
	v48 =	vadd.f32 v46, v45  }
0xaf: {  	v1 =	vld.idx.msk [tilespmem:v28+s15+$0x0], $0xffff;
	v35 =	vunpack.i.l.bf16.f32 v40;
	v53 =	vunpack.i.u.bf16.f32 v36;
	v26 =	vmul.bf16 v38, v26  }
0xb0: {  	v2 =	vld.idx.msk [tilespmem:v33+s14+$0x0], $0xffff;
	v29 =	vmul.bf16 v32, v29;
	v56 =	vunpack.i.u.bf16.f32 v40;
	v36 =	vunpack.i.l.bf16.f32 v36  }
0xb1: {  	v47 =	vld.idx.msk [tilespmem:v33+s15+$0x0], $0xffff;
	v61 =	vmul.bf16 v37, v42;
	v33 =	vunpack.i.u.bf16.f32 v24;
	v42 =	vunpack.i.u.bf16.f32 v25  }
0xb2: {  	v49 =	vld.idx.msk [tilespmem:v18+s14+$0x0], $0xffff;
	v16 =	vmul.bf16 v16, v44;
	v25 =	vunpack.i.l.bf16.f32 v25;
	v44 =	vunpack.i.l.bf16.f32 v29  }
0xb3: {  	v52 =	vld.idx.msk [tilespmem:v18+s15+$0x0], $0xffff;
	v46 =	vunpack.i.u.bf16.f32 v26;
	v39 =	vmul.bf16 v39, v43;
	v55 =	vunpack.i.u.bf16.f32 v61  }
0xb4: {  	v23 =	vunpack.i.l.bf16.f32 v61;
	v58 =	vunpack.i.l.bf16.f32 v16;
	v16 =	vunpack.i.u.bf16.f32 v16  }
0xb5: {  	v61 =	vadd.f32 v55, v34;
	v23 =	vadd.f32 v23, v31;
	v1 =	vmul.bf16 v1, v41  }
0xb6: {  	v59 =	vunpack.i.u.bf16.f32 v39;
	v2 =	vmul.bf16 v47, v2;
	v0 =	vmul.bf16 v17, v0  }
0xb7: {  	v39 =	vunpack.i.l.bf16.f32 v39;
	v28 =	vadd.f32 v58, v48;
	v16 =	vadd.f32 v16, v30  }
0xb8: {  	v18 =	vmul.bf16 v52, v49;
	v17 =	vadd.f32 v59, v61;
	v23 =	vadd.f32 v39, v23  }
0xb9: {  	v47 =	vunpack.i.l.bf16.f32 v26;
	v21 =	vadd.f32 v21, v28;
	v16 =	vadd.f32 v19, v16  }
0xba: {  	v48 =	vunpack.i.l.bf16.f32 v24;
	v17 =	vadd.f32 v22, v17;
	v20 =	vadd.f32 v20, v23  }
0xbb: {  	v52 =	vunpack.i.u.bf16.f32 v29;
	v19 =	vadd.f32 v47, v21;
	v16 =	vadd.f32 v46, v16  }
0xbc: {  	v45 =	vunpack.i.u.bf16.f32 v18;
	v17 =	vadd.f32 v33, v17;
	v20 =	vadd.f32 v48, v20  }
0xbd: {  	v49 =	vunpack.i.l.bf16.f32 v1;
	v19 =	vadd.f32 v35, v19;
	v16 =	vadd.f32 v56, v16  }
0xbe: {  	v1 =	vunpack.i.u.bf16.f32 v1;
	v17 =	vadd.f32 v53, v17;
	v20 =	vadd.f32 v36, v20  }
0xbf: {  	v55 =	vunpack.i.u.bf16.f32 v2;
	v19 =	vadd.f32 v49, v19;
	v1 =	vadd.f32 v1, v16  }
0xc0: {  	v2 =	vunpack.i.l.bf16.f32 v2;
	v17 =	vadd.f32 v42, v17;
	v56 =	vadd.f32 v25, v20  }
0xc1: {  	v53 =	vunpack.i.l.bf16.f32 v0;
	v19 =	vadd.f32 v44, v19;
	v1 =	vadd.f32 v52, v1  }
0xc2: {  	v0 =	vunpack.i.u.bf16.f32 v0;
	v17 =	vadd.f32 v55, v17;
	v2 =	vadd.f32 v2, v56  }
0xc3: {  	v59 =	vunpack.i.l.bf16.f32 v18;
	v61 =	vadd.f32 v53, v19;
	v0 =	vadd.f32 v0, v1  }
0xc4: {  	s1 =	sshll.u32 s28, $0x4;
	s28 =	sadd.s32 $0x1, s28;
	v58 =	vadd.f32 v45, v17;
	v1 =	vadd.f32 v59, v2  }
0xc5: {  	p1 =	sne.s32 s28, $0x19  }
.Ltmp1:
0xc6: {  	v0 =	vadd.f32 v0, v61;
	v1 =	vadd.f32 v58, v1;
	(pc) =	sbr.rel @p1 .LBB2_3-.Ltmp1, $4  }
0xc7: {  	_ = 	snop  }
0xc8: {  	v0 =	vadd.f32 v0, v1  }
0xc9: {  	s1 =	sand.u32 $0x3FFFFFF0, s1  }
0xca: {  	v3 =	vld [tilespmem:$0x1FF80];
	[tilespmem:s1+$0x1DE20] =	vst v0  }
0xcb: {  	s28 =	simm.s32 $0x1DE40  }
0xcc: {  	v0 =	vld [tilespmem:s28+$0xFFFFFFE0];
	_ =	sdelay $0x4  }
0xcd: {  	v1 =	vld [tilespmem:s28+$0x0];
	v0 =	vsub.f32 $0.0e+00, v0;
	_ =	sdelay $0x1  }
0xce: {  	v2 =	vld [tilespmem:s28+$0x10];
	v0 =	vmul.f32 $1.442695020e+00, v0  }
0xcf: {  	v16 =	vld [tilespmem:s28+$0x20]  }
0xd0: {  	v48 =	vld [tilespmem:s28+$0xFFFFFFF0];
	(erf) = vpow2.f32 v0  }
0xd1: {  	v1 =	vsub.f32 $0.0e+00, v1;
	_ =	sdelay $0x1  }
0xd2: {  	v49 =	vsub.f32 $0.0e+00, v2;
	v1 =	vmul.f32 $1.442695020e+00, v1  }
0xd3: {  	v52 =	vsub.f32 $0.0e+00, v16  }
0xd4: {  	v0 =	vsub.f32 $0.0e+00, v48;
	(erf) = vpow2.f32 v1;
	v1 =	vmul.f32 $1.442695020e+00, v49  }
0xd5: {  	v2 =	vmul.f32 $1.442695020e+00, v52  }
0xd6: {  	v0 =	vmul.f32 $1.442695020e+00, v0;
	(erf) = vpow2.f32 v1  }
0xd7: {  	(erf) = vpow2.f32 v2  }
0xd8: {  	v53 =	vpop (erf);
	(erf) = vpow2.f32 v0;
	_ =	sdelay $0x5  }
0xd9: {  	v54 =	vadd.f32 $1.000000000e+00, v53;
	v55 =	vpop (erf)  }
0xda: {  	v1 =	vadd.f32 $1.000000000e+00, v55;
	v56 =	vpop (erf)  }
0xdb: {  	(erf) = vrcp.f32 v54;
	v0 =	vadd.f32 $1.000000000e+00, v56;
	v58 =	vpop (erf)  }
0xdc: {  	(erf) = vrcp.f32 v1;
	v1 =	vadd.f32 $1.000000000e+00, v58;
	v59 =	vpop (erf)  }
0xdd: {  	(erf) = vrcp.f32 v0;
	v2 =	vadd.f32 $1.000000000e+00, v59  }
0xde: {  	(erf) = vrcp.f32 v1  }
0xdf: {  	(erf) = vrcp.f32 v2;
	_ =	sdelay $0x4  }
0xe0: {  	v61 =	vpop (erf)  }
0xe1: {  	s1 =	simm.s32 $0x0;
	s26 =	simm.s32 $0x1DE90;
	[tilespmem:s28+$0xFFFFFFE0] =	vst v61;
	v16 =	vpop (erf)  }
.LBB2_7:
0xe2: {  	v0 =	vld [tilespmem:s26+$0xFFFFFFE0];
	[tilespmem:s28+$0x0] =	vst v16;
	v1 =	vpop (erf)  }
0xe3: {  	v2 =	vld [tilespmem:s26+$0x0];
	[tilespmem:s28+$0x10] =	vst v1;
	v1 =	vpop (erf)  }
0xe4: {  	v16 =	vld [tilespmem:s26+$0x10];
	[tilespmem:s28+$0x20] =	vst v1;
	v1 =	vpop (erf)  }
0xe5: {  	s1 =	sadd.s32 $0x5, s1;
	v17 =	vld [tilespmem:s26+$0x20];
	[tilespmem:s28+$0xFFFFFFF0] =	vst v1;
	s28 =	smov.u32 s26  }
0xe6: {  	p1 =	slt.u32 s1, $0x14;
	v1 =	vld [tilespmem:s26+$0xFFFFFFF0]  }
0xe7: {  	v0 =	vsub.f32 $0.0e+00, v0  }
0xe8: {  	v2 =	vsub.f32 $0.0e+00, v2  }
0xe9: {  	v0 =	vmul.f32 $1.442695020e+00, v0;
	v16 =	vsub.f32 $0.0e+00, v16  }
0xea: {  	v2 =	vmul.f32 $1.442695020e+00, v2;
	v17 =	vsub.f32 $0.0e+00, v17  }
0xeb: {  	v1 =	vsub.f32 $0.0e+00, v1;
	v16 =	vmul.f32 $1.442695020e+00, v16;
	(erf) = vpow2.f32 v0  }
0xec: {  	v0 =	vmul.f32 $1.442695020e+00, v17;
	(erf) = vpow2.f32 v2  }
0xed: {  	v1 =	vmul.f32 $1.442695020e+00, v1;
	(erf) = vpow2.f32 v16  }
0xee: {  	(erf) = vpow2.f32 v0  }
0xef: {  	(erf) = vpow2.f32 v1;
	_ =	sdelay $0x4  }
0xf0: {  	v0 =	vpop (erf)  }
0xf1: {  	v3 =	vadd.f32 $1.000000000e+00, v0;
	v1 =	vpop (erf)  }
0xf2: {  	v1 =	vadd.f32 $1.000000000e+00, v1;
	v2 =	vpop (erf)  }
0xf3: {  	v2 =	vadd.f32 $1.000000000e+00, v2;
	(erf) = vrcp.f32 v3;
	v0 =	vpop (erf)  }
0xf4: {  	v0 =	vadd.f32 $1.000000000e+00, v0;
	v16 =	vpop (erf);
	(erf) = vrcp.f32 v1  }
0xf5: {  	v1 =	vadd.f32 $1.000000000e+00, v16;
	(erf) = vrcp.f32 v2  }
0xf6: {  	(erf) = vrcp.f32 v0  }
0xf7: {  	(erf) = vrcp.f32 v1;
	_ =	sdelay $0x1  }
.Ltmp2:
0xf8: {  	(pc) =	sbr.rel @p1 .LBB2_7-.Ltmp2, $3  }
0xf9: {  	_ =	sdelay $0x1  }
0xfa: {  	v0 =	vpop (erf)  }
0xfb: {  	s26 =	sadd.s32 $0x50, s26;
	[tilespmem:s28+$0xFFFFFFE0] =	vst v0;
	v16 =	vpop (erf)  }
0xfc: {  	s26 =	smul.u32 $0x320, s25  }
0xfd: {  	[tilespmem:s28+$0x0] =	vst v16;
	v0 =	vpop (erf)  }
0xfe: {  	[tilespmem:s28+$0x10] =	vst v0;
	v59 =	vpop (erf);
	s1 =	sadd.s32 s4, s26  }
0xff: {  	[tilespmem:s28+$0x20] =	vst v59;
	v61 =	vpop (erf);
	s1 =	sshrl.u32 s1, $0x3  }
0x100: {  	[tilespmem:s28+$0xFFFFFFF0] =	vst v61;
	s1 =	sadd.s32 s2, s1  }
0x101: {  	[hbm4b:s1+s3] =	stream.linear.scatter [tilespmem:s21], [sflag:$0x3], $0x190, $0x38;
	[tilespmem:$0x1E140] =	vst v63  }
0x102: {  	s30 =	sadd.s32 $0x320, s26  }
0x103: {  	[tilespmem:s14], [sflag:$0x1] =	stream.indirect.gather [hbm4b:s5+s13], $0x40, s30, s13, $0xb8;
	[tilespmem:$0x1E140] =	vst v63  }
0x104: {  	s31 =	sadd.s32 $0x2A30, s26  }
0x105: {  	[tilespmem:s15], [sflag:$0x2] =	stream.indirect.gather [hbm4b:s5+s13], $0x40, s31, s13, $0xb8;
	[tilespmem:$0x1E140] =	vst v63  }
0x106: {  	_ =	swait.ge [sflag:s19], $0x6400  }
0x107: {  	[sflag:s19] =	ssyncset.done $0x0  }
0x108: {  	[sflag:s19] =	ssyncadd.s32 $0xFFFF9C00  }
0x109: {  	_ =	swait.ge [sflag:s20], $0x6400  }
0x10a: {  	[sflag:s20] =	ssyncset.done $0x0  }
0x10b: {  	s1 =	simm.s32 @!p0 $0x3;
	[sflag:s20] =	ssyncadd.s32 $0xFFFF9C00  }
0x10c: {  	_ =	swait.ge @!p0 [sflag:s1], $0x190  }
0x10d: {  	[sflag:s1] =	ssyncset.done @!p0 $0x0  }
0x10e: {  	s29 =	simm.s32 $0x0;
	s28 =	simm.s32 $0x0;
	[sflag:s1] =	ssyncadd.s32 @!p0 $0xFFFFFE70  }
.LBB2_9:
0x10f: {  	s30 =	sshll.u32 s29, $0xA  }
0x110: {  	s1 =	sor.u32 s30, s28  }
0x111: {  	v7 =	vld [tilespmem:$0x1FF50];
	v0 =	vor.u32 s1, v4  }
0x112: {  	v6 =	vld [tilespmem:$0x1FF60];
	v2 =	vor.u32 s1, v50  }
0x113: {  	v15 =	vld [tilespmem:$0x1FF70];
	v17 =	vor.u32 s1, v51  }
0x114: {  	v14 =	vmov v4;
	v4 =	vld [tilespmem:$0x1FF40]  }
0x115: {  	v28 =	vor.u32 s1, v5;
	v5 =	vld [tilespmem:$0x1FF80]  }
0x116: {  	v18 =	vor.u32 s1, v57;
	v19 =	vld.idx.msk [tilespmem:v0+s18+$0x0], $0xffff  }
0x117: {  	v21 =	vor.u32 s1, v60;
	v20 =	vld.idx.msk [tilespmem:v2+s18+$0x0], $0xffff  }
0x118: {  	v23 =	vor.u32 s1, v13;
	v22 =	vld.idx.msk [tilespmem:v17+s16+$0x0], $0xffff  }
0x119: {  	v24 =	vor.u32 s1, v63;
	v25 =	vld.idx.msk [tilespmem:v17+s18+$0x0], $0xffff  }
0x11a: {  	v2 =	vld.idx.msk [tilespmem:v2+s16+$0x0], $0xffff  }
0x11b: {  	v31 =	vld.idx.msk [tilespmem:v18+s16+$0x0], $0xffff  }
0x11c: {  	v30 =	vld.idx.msk [tilespmem:v21+s18+$0x0], $0xffff  }
0x11d: {  	v17 =	vld.idx.msk [tilespmem:v23+s18+$0x0], $0xffff  }
0x11e: {  	v34 =	vor.u32 s1, v8;
	v36 =	vld.idx.msk [tilespmem:v24+s18+$0x0], $0xffff  }
0x11f: {  	v27 =	vld.idx.msk [tilespmem:v28+s16+$0x0], $0xffff  }
0x120: {  	v41 =	vld.idx.msk [tilespmem:v24+s16+$0x0], $0xffff  }
0x121: {  	v1 =	vor.u32 s1, v7;
	v40 =	vld.idx.msk [tilespmem:v21+s16+$0x0], $0xffff  }
0x122: {  	v43 =	vor.u32 s1, v6;
	v0 =	vld.idx.msk [tilespmem:v0+s16+$0x0], $0xffff  }
0x123: {  	v24 =	vor.u32 s1, v62;
	v26 =	vld.idx.msk [tilespmem:v34+s16+$0x0], $0xffff  }
0x124: {  	v35 =	vld.idx.msk [tilespmem:v28+s18+$0x0], $0xffff  }
0x125: {  	v38 =	vld.idx.msk [tilespmem:v34+s18+$0x0], $0xffff  }
0x126: {  	v33 =	vor.u32 s1, v4;
	v16 =	vld.idx.msk [tilespmem:v1+s18+$0x0], $0xffff  }
0x127: {  	v39 =	vld.idx.msk [tilespmem:v43+s18+$0x0], $0xffff  }
0x128: {  	v29 =	vld.idx.msk [tilespmem:v24+s16+$0x0], $0xffff  }
0x129: {  	v45 =	vimm.f32 $0.0e+00;
	v32 =	vld.idx.msk [tilespmem:v24+s18+$0x0], $0xffff  }
0x12a: {  	v28 =	vor.u32 s1, v15;
	v34 =	vimm.f32 $0.0e+00;
	v24 =	vld.idx.msk [tilespmem:v18+s18+$0x0], $0xffff;
	v2 =	vmul.bf16 v20, v2  }
0x12b: {  	v37 =	vld.idx.msk [tilespmem:v33+s18+$0x0], $0xffff;
	v20 =	vmul.bf16 v25, v22;
	v18 =	vor.u32 s1, v12;
	v0 =	vmul.bf16 v19, v0  }
0x12c: {  	v42 =	vld.idx.msk [tilespmem:v33+s16+$0x0], $0xffff;
	v33 =	vor.u32 s1, v5;
	v40 =	vmul.bf16 v30, v40;
	v36 =	vmul.bf16 v36, v41  }
0x12d: {  	v10 =	vmovc v57;
	v43 =	vld.idx.msk [tilespmem:v43+s16+$0x0], $0xffff;
	v19 =	vunpack.i.u.bf16.f32 v2;
	v21 =	vunpack.i.l.bf16.f32 v2;
	v22 =	vunpack.i.u.bf16.f32 v20  }
0x12e: {  	v9 =	vmovc v50;
	v11 =	vmovc v13;
	v44 =	vld.idx.msk [tilespmem:v1+s16+$0x0], $0xffff;
	v20 =	vunpack.i.l.bf16.f32 v20;
	v46 =	vunpack.i.l.bf16.f32 v0;
	v0 =	vunpack.i.u.bf16.f32 v0  }
0x12f: {  	s31 =	simm.s32 $0x10;
	v8 =	vmovc v51;
	v13 =	vmovc v62;
	v41 =	vld.idx.msk [tilespmem:v28+s16+$0x0], $0xffff;
	v30 =	vadd.f32 v0, v45;
	v24 =	vmul.bf16 v24, v31;
	v31 =	vimm.f32 $0.0e+00  }
.LBB2_10:
0x130: {  	v28 =	vld.idx.msk [tilespmem:v28+s18+$0x0], $0xffff  }
0x131: {  	v62 =	vld.idx.msk [tilespmem:v33+s16+$0x0], $0xffff  }
0x132: {  	s1 =	sor.u32 s30, s31;
	v3 =	vld [tilespmem:$0x1FFF0]  }
0x133: {  	v63 =	vld.idx.msk [tilespmem:v33+s18+$0x0], $0xffff;
	v25 =	vor.u32 s1, v7  }
0x134: {  	v1 =	vadd.f32 v46, v45;
	v50 =	vld.idx.msk [tilespmem:v18+s16+$0x0], $0xffff;
	v47 =	vor.u32 s1, v9  }
0x135: {  	v29 =	vmul.bf16 v32, v29;
	v32 =	vld.idx.msk [tilespmem:v18+s18+$0x0], $0xffff;
	v45 =	vunpack.i.l.bf16.f32 v40;
	v48 =	vor.u32 s1, v8  }
0x136: {  	v49 =	vunpack.i.u.bf16.f32 v36;
	v51 =	vor.u32 s1, v6;
	v2 =	vmul.bf16 v35, v27;
	v27 =	vld.idx.msk [tilespmem:v23+s16+$0x0], $0xffff  }
0x137: {  	v54 =	vor.u32 s1, v10;
	v35 =	vor.u32 s1, v14;
	v52 =	vor.u32 s1, v3;
	v3 =	vld [tilespmem:$0x1FFD0]  }
0x138: {  	v23 =	vor.u32 s1, v12;
	v0 =	vmul.bf16 v37, v42;
	v44 =	vmul.bf16 v16, v44;
	v16 =	vld.idx.msk [tilespmem:v25+s18+$0x0], $0xffff  }
0x139: {  	v42 =	vor.u32 s1, v4;
	v39 =	vmul.bf16 v39, v43;
	v26 =	vmul.bf16 v38, v26;
	v56 =	vld.idx.msk [tilespmem:v47+s18+$0x0], $0xffff  }
0x13a: {  	v41 =	vmul.bf16 v28, v41;
	v55 =	vunpack.i.l.bf16.f32 v44;
	v28 =	vunpack.i.u.bf16.f32 v44;
	v44 =	vld.idx.msk [tilespmem:v48+s16+$0x0], $0xffff  }
0x13b: {  	v18 =	vmovc v23;
	v23 =	vor.u32 s1, v11;
	v53 =	vunpack.i.u.bf16.f32 v0;
	v48 =	vld.idx.msk [tilespmem:v48+s18+$0x0], $0xffff;
	v0 =	vunpack.i.l.bf16.f32 v0  }
0x13c: {  	v47 =	vld.idx.msk [tilespmem:v47+s16+$0x0], $0xffff;
	v1 =	vadd.f32 v55, v1;
	v61 =	vmul.bf16 v17, v27;
	v27 =	vadd.f32 v53, v34  }
0x13d: {  	v58 =	vunpack.i.u.bf16.f32 v39;
	v0 =	vadd.f32 v0, v31;
	v38 =	vld.idx.msk [tilespmem:v35+s18+$0x0], $0xffff;
	v34 =	vunpack.i.l.bf16.f32 v36  }
0x13e: {  	v36 =	vmul.bf16 v32, v50;
	v50 =	vld.idx.msk [tilespmem:v54+s16+$0x0], $0xffff;
	v1 =	vadd.f32 v21, v1;
	v21 =	vadd.f32 v58, v27  }
0x13f: {  	v40 =	vunpack.i.u.bf16.f32 v40;
	v32 =	vunpack.i.l.bf16.f32 v39;
	v57 =	vor.u32 s1, v3;
	v3 =	vld [tilespmem:$0x1FFE0]  }
0x140: {  	v37 =	vunpack.i.u.bf16.f32 v24;
	v17 =	vld.idx.msk [tilespmem:v23+s18+$0x0], $0xffff;
	v0 =	vadd.f32 v32, v0;
	v21 =	vadd.f32 v22, v21  }
0x141: {  	v30 =	vadd.f32 v28, v30;
	v31 =	vunpack.i.u.bf16.f32 v26;
	v22 =	vunpack.i.l.bf16.f32 v26;
	v26 =	vld.idx.msk [tilespmem:v52+s16+$0x0], $0xffff  }
0x142: {  	v58 =	vor.u32 s1, v13;
	v0 =	vadd.f32 v20, v0;
	v20 =	vadd.f32 v37, v21;
	v37 =	vld.idx.msk [tilespmem:v42+s18+$0x0], $0xffff  }
0x143: {  	v33 =	vor.u32 s1, v5;
	v24 =	vunpack.i.l.bf16.f32 v24;
	v19 =	vadd.f32 v19, v30;
	v42 =	vld.idx.msk [tilespmem:v42+s16+$0x0], $0xffff  }
0x144: {  	v43 =	vunpack.i.u.bf16.f32 v2;
	v46 =	vmul.bf16 v63, v62;
	v59 =	vor.u32 s1, v3;
	v3 =	vld [tilespmem:$0x1FFB0]  }
0x145: {  	v2 =	vunpack.i.l.bf16.f32 v2;
	v55 =	vunpack.i.l.bf16.f32 v29;
	v19 =	vadd.f32 v31, v19;
	v53 =	vld.idx.msk [tilespmem:v57+s18+$0x0], $0xffff  }
0x146: {  	v28 =	vor.u32 s1, v15;
	v39 =	vunpack.i.l.bf16.f32 v41;
	v30 =	vunpack.i.u.bf16.f32 v41;
	v57 =	vld.idx.msk [tilespmem:v57+s16+$0x0], $0xffff  }
0x147: {  	v31 =	vunpack.i.u.bf16.f32 v29;
	v1 =	vadd.f32 v22, v1;
	v22 =	vadd.f32 v40, v19;
	v29 =	vld.idx.msk [tilespmem:v58+s16+$0x0], $0xffff  }
0x148: {  	v62 =	vunpack.i.u.bf16.f32 v36;
	v0 =	vadd.f32 v24, v0;
	v24 =	vunpack.i.u.bf16.f32 v46;
	v32 =	vld.idx.msk [tilespmem:v58+s18+$0x0], $0xffff  }
0x149: {  	v21 =	vmul.bf16 v56, v47;
	v1 =	vadd.f32 v45, v1;
	v22 =	vadd.f32 v30, v22;
	v63 =	vld.idx.msk [tilespmem:v59+s18+$0x0], $0xffff  }
0x14a: {  	v56 =	vmul.bf16 v48, v44;
	v0 =	vadd.f32 v34, v0;
	v20 =	vadd.f32 v49, v20;
	v41 =	vld.idx.msk [tilespmem:v59+s16+$0x0], $0xffff  }
0x14b: {  	v19 =	vunpack.i.u.bf16.f32 v21;
	v1 =	vadd.f32 v39, v1;
	v60 =	vor.u32 s1, v3;
	v59 =	vld.idx.msk [tilespmem:v35+s16+$0x0], $0xffff  }
0x14c: {  	v58 =	vld.idx.msk [tilespmem:v54+s18+$0x0], $0xffff;
	v21 =	vunpack.i.l.bf16.f32 v21;
	v31 =	vadd.f32 v31, v22;
	v20 =	vadd.f32 v43, v20  }
0x14d: {  	v44 =	vld.idx.msk [tilespmem:v25+s16+$0x0], $0xffff;
	v0 =	vadd.f32 v2, v0;
	v22 =	vunpack.i.u.bf16.f32 v56;
	v1 =	vadd.f32 v55, v1  }
0x14e: {  	p0 =	sne.s32 s31, $0x30;
	v39 =	vld.idx.msk [tilespmem:v51+s18+$0x0], $0xffff;
	v3 =	vunpack.i.l.bf16.f32 v61;
	v61 =	vunpack.i.u.bf16.f32 v61;
	v24 =	vadd.f32 v24, v20  }
.Ltmp3:
0x14f: {  	v43 =	vld.idx.msk [tilespmem:v51+s16+$0x0], $0xffff;
	v20 =	vunpack.i.l.bf16.f32 v56;
	v40 =	vmul.bf16 v53, v57;
	v45 =	vadd.f32 v3, v1;
	(pc) =	sbr.rel @p0 .LBB2_10-.Ltmp3, $4  }
0x150: {  	v34 =	vadd.f32 v62, v24;
	v27 =	vld.idx.msk [tilespmem:v60+s16+$0x0], $0xffff;
	v30 =	vmul.bf16 v38, v59;
	v59 =	vunpack.i.l.bf16.f32 v46  }
0x151: {  	v62 =	vadd.f32 v61, v31;
	v24 =	vmul.bf16 v58, v50;
	v35 =	vld.idx.msk [tilespmem:v60+s18+$0x0], $0xffff;
	v0 =	vadd.f32 v59, v0  }
0x152: {  	v38 =	vld.idx.msk [tilespmem:v52+s18+$0x0], $0xffff;
	v60 =	vunpack.i.l.bf16.f32 v36;
	v36 =	vmul.bf16 v63, v41;
	v3 =	vunpack.i.u.bf16.f32 v30  }
0x153: {  	s31 =	sadd.s32 $0x10, s31;
	v41 =	vld.idx.msk [tilespmem:v28+s16+$0x0], $0xffff;
	v46 =	vunpack.i.l.bf16.f32 v30;
	v31 =	vadd.f32 v60, v0;
	v30 =	vadd.f32 v3, v62  }
0x154: {  	_ =	sdelay $0x3  }
0x155: {  	v0 =	vld.idx.msk [tilespmem:v23+s16+$0x0], $0xffff;
	v3 =	vmul.bf16 v37, v42;
	v56 =	vadd.f32 v46, v45  }
0x156: {  	v1 =	vld.idx.msk [tilespmem:v28+s18+$0x0], $0xffff;
	v57 =	vunpack.i.u.bf16.f32 v24;
	v58 =	vunpack.i.l.bf16.f32 v40;
	v60 =	vmul.bf16 v39, v43  }
0x157: {  	v2 =	vld.idx.msk [tilespmem:v33+s16+$0x0], $0xffff;
	v16 =	vmul.bf16 v16, v44;
	v63 =	vunpack.i.u.bf16.f32 v36;
	v29 =	vmul.bf16 v32, v29  }
0x158: {  	v25 =	vld.idx.msk [tilespmem:v33+s18+$0x0], $0xffff;
	v45 =	vunpack.i.u.bf16.f32 v40;
	v49 =	vunpack.i.l.bf16.f32 v36;
	v55 =	vmul.bf16 v35, v27  }
0x159: {  	v59 =	vld.idx.msk [tilespmem:v18+s16+$0x0], $0xffff;
	v44 =	vunpack.i.u.bf16.f32 v3;
	v46 =	vunpack.i.l.bf16.f32 v16;
	v47 =	vunpack.i.u.bf16.f32 v60  }
0x15a: {  	v62 =	vld.idx.msk [tilespmem:v18+s18+$0x0], $0xffff;
	v16 =	vunpack.i.u.bf16.f32 v16;
	v3 =	vunpack.i.l.bf16.f32 v3;
	v50 =	vunpack.i.l.bf16.f32 v60  }
0x15b: {  	v51 =	vunpack.i.l.bf16.f32 v29;
	v48 =	vadd.f32 v44, v34;
	v27 =	vadd.f32 v46, v56  }
0x15c: {  	v26 =	vmul.bf16 v38, v26;
	v3 =	vadd.f32 v3, v31;
	v16 =	vadd.f32 v16, v30  }
0x15d: {  	v61 =	vunpack.i.u.bf16.f32 v55;
	v23 =	vunpack.i.l.bf16.f32 v55;
	v1 =	vmul.bf16 v1, v41  }
0x15e: {  	v55 =	vunpack.i.l.bf16.f32 v24;
	v2 =	vmul.bf16 v25, v2;
	v0 =	vmul.bf16 v17, v0  }
0x15f: {  	v18 =	vmul.bf16 v62, v59;
	v17 =	vadd.f32 v47, v48;
	v3 =	vadd.f32 v50, v3  }
0x160: {  	v21 =	vadd.f32 v21, v27;
	v53 =	vunpack.i.u.bf16.f32 v26;
	v16 =	vadd.f32 v19, v16  }
0x161: {  	v54 =	vunpack.i.l.bf16.f32 v26;
	v17 =	vadd.f32 v22, v17;
	v3 =	vadd.f32 v20, v3  }
0x162: {  	v52 =	vunpack.i.u.bf16.f32 v18;
	v19 =	vadd.f32 v54, v21;
	v16 =	vadd.f32 v53, v16  }
0x163: {  	v56 =	vunpack.i.l.bf16.f32 v1;
	v17 =	vadd.f32 v57, v17;
	v3 =	vadd.f32 v55, v3  }
0x164: {  	v1 =	vunpack.i.u.bf16.f32 v1;
	v19 =	vadd.f32 v58, v19;
	v16 =	vadd.f32 v45, v16  }
0x165: {  	v59 =	vunpack.i.u.bf16.f32 v2;
	v17 =	vadd.f32 v63, v17;
	v3 =	vadd.f32 v49, v3  }
0x166: {  	v2 =	vunpack.i.l.bf16.f32 v2;
	v19 =	vadd.f32 v56, v19;
	v1 =	vadd.f32 v1, v16  }
0x167: {  	v57 =	vunpack.i.u.bf16.f32 v29;
	v17 =	vadd.f32 v61, v17;
	v3 =	vadd.f32 v23, v3  }
0x168: {  	v58 =	vunpack.i.l.bf16.f32 v0;
	v61 =	vadd.f32 v51, v19;
	v1 =	vadd.f32 v57, v1  }
0x169: {  	v0 =	vunpack.i.u.bf16.f32 v0;
	v60 =	vadd.f32 v59, v17;
	v2 =	vadd.f32 v2, v3  }
0x16a: {  	v62 =	vunpack.i.l.bf16.f32 v18;
	v17 =	vadd.f32 v58, v61;
	v0 =	vadd.f32 v0, v1  }
0x16b: {  	s1 =	sshll.u32 s29, $0x4;
	s29 =	sadd.s32 $0x1, s29;
	v3 =	vadd.f32 v52, v60;
	v63 =	vadd.f32 v62, v2  }
0x16c: {  	p0 =	sne.s32 s29, $0x19  }
.Ltmp4:
0x16d: {  	v0 =	vadd.f32 v0, v17;
	v1 =	vadd.f32 v3, v63;
	(pc) =	sbr.rel @p0 .LBB2_9-.Ltmp4, $4  }
0x16e: {  	v5 =	vld [tilespmem:$0x1FFB0]  }
0x16f: {  	v51 =	vmov v8;
	v8 =	vld [tilespmem:$0x1FFF0];
	v0 =	vadd.f32 v0, v1  }
0x170: {  	s1 =	sand.u32 $0x3FFFFFF0, s1;
	v60 =	vld [tilespmem:$0x1FFD0]  }
0x171: {  	v4 =	vmovc v14;
	v50 =	vmovc v9;
	v57 =	vmov v10;
	v62 =	vmov v13;
	v13 =	vmov v11;
	v63 =	vld [tilespmem:$0x1FFE0];
	[tilespmem:s1+$0x1DFB0] =	vst v0  }
0x172: {  	s28 =	simm.s32 $0x1DFF0  }
0x173: {  	v0 =	vld [tilespmem:s28+$0xFFFFFFC0];
	_ =	sdelay $0x4  }
0x174: {  	v1 =	vld [tilespmem:s28+$0xFFFFFFD0];
	v0 =	vsub.f32 $0.0e+00, v0;
	_ =	sdelay $0x1  }
0x175: {  	v2 =	vld [tilespmem:s28+$0xFFFFFFE0];
	v0 =	vmul.f32 $1.442695020e+00, v0  }
0x176: {  	v3 =	vld [tilespmem:s28+$0x0]  }
0x177: {  	v48 =	vld [tilespmem:s28+$0xFFFFFFF0];
	(erf) = vpow2.f32 v0  }
0x178: {  	v1 =	vsub.f32 $0.0e+00, v1;
	_ =	sdelay $0x1  }
0x179: {  	v49 =	vsub.f32 $0.0e+00, v2;
	v1 =	vmul.f32 $1.442695020e+00, v1  }
0x17a: {  	v52 =	vsub.f32 $0.0e+00, v3  }
0x17b: {  	v0 =	vsub.f32 $0.0e+00, v48;
	(erf) = vpow2.f32 v1;
	v1 =	vmul.f32 $1.442695020e+00, v49  }
0x17c: {  	v2 =	vmul.f32 $1.442695020e+00, v52  }
0x17d: {  	v0 =	vmul.f32 $1.442695020e+00, v0;
	(erf) = vpow2.f32 v1  }
0x17e: {  	(erf) = vpow2.f32 v2  }
0x17f: {  	v53 =	vpop (erf);
	(erf) = vpow2.f32 v0;
	_ =	sdelay $0x5  }
0x180: {  	v54 =	vadd.f32 $1.000000000e+00, v53;
	v55 =	vpop (erf)  }
0x181: {  	v1 =	vadd.f32 $1.000000000e+00, v55;
	v56 =	vpop (erf)  }
0x182: {  	(erf) = vrcp.f32 v54;
	v0 =	vadd.f32 $1.000000000e+00, v56;
	v58 =	vpop (erf)  }
0x183: {  	(erf) = vrcp.f32 v1;
	v1 =	vadd.f32 $1.000000000e+00, v58;
	v59 =	vpop (erf)  }
0x184: {  	(erf) = vrcp.f32 v0;
	v2 =	vadd.f32 $1.000000000e+00, v59  }
0x185: {  	(erf) = vrcp.f32 v1  }
0x186: {  	(erf) = vrcp.f32 v2;
	_ =	sdelay $0x4  }
0x187: {  	v61 =	vpop (erf)  }
0x188: {  	s1 =	simm.s32 $0x0;
	s29 =	simm.s32 $0x1E040;
	[tilespmem:s28+$0xFFFFFFC0] =	vst v61;
	v16 =	vpop (erf)  }
.LBB2_13:
0x189: {  	v0 =	vld [tilespmem:s29+$0xFFFFFFC0];
	[tilespmem:s28+$0xFFFFFFD0] =	vst v16;
	v1 =	vpop (erf)  }
0x18a: {  	v2 =	vld [tilespmem:s29+$0xFFFFFFD0];
	[tilespmem:s28+$0xFFFFFFE0] =	vst v1;
	v1 =	vpop (erf)  }
0x18b: {  	v3 =	vld [tilespmem:s29+$0xFFFFFFE0];
	[tilespmem:s28+$0x0] =	vst v1;
	v1 =	vpop (erf)  }
0x18c: {  	s1 =	sadd.s32 $0x5, s1;
	v16 =	vld [tilespmem:s29+$0x0];
	[tilespmem:s28+$0xFFFFFFF0] =	vst v1;
	s28 =	smov.u32 s29  }
0x18d: {  	p0 =	slt.u32 s1, $0x14;
	v1 =	vld [tilespmem:s29+$0xFFFFFFF0]  }
0x18e: {  	v0 =	vsub.f32 $0.0e+00, v0  }
0x18f: {  	v2 =	vsub.f32 $0.0e+00, v2  }
0x190: {  	v0 =	vmul.f32 $1.442695020e+00, v0;
	v3 =	vsub.f32 $0.0e+00, v3  }
0x191: {  	v2 =	vmul.f32 $1.442695020e+00, v2;
	v16 =	vsub.f32 $0.0e+00, v16  }
0x192: {  	v3 =	vmul.f32 $1.442695020e+00, v3;
	v1 =	vsub.f32 $0.0e+00, v1;
	(erf) = vpow2.f32 v0  }
0x193: {  	v0 =	vmul.f32 $1.442695020e+00, v16;
	(erf) = vpow2.f32 v2  }
0x194: {  	v1 =	vmul.f32 $1.442695020e+00, v1;
	(erf) = vpow2.f32 v3  }
0x195: {  	(erf) = vpow2.f32 v0  }
0x196: {  	(erf) = vpow2.f32 v1;
	_ =	sdelay $0x4  }
0x197: {  	v0 =	vpop (erf)  }
0x198: {  	v3 =	vadd.f32 $1.000000000e+00, v0;
	v1 =	vpop (erf)  }
0x199: {  	v6 =	vadd.f32 $1.000000000e+00, v1;
	v2 =	vpop (erf)  }
0x19a: {  	v2 =	vadd.f32 $1.000000000e+00, v2;
	(erf) = vrcp.f32 v3;
	v0 =	vpop (erf)  }
0x19b: {  	v0 =	vadd.f32 $1.000000000e+00, v0;
	(erf) = vrcp.f32 v6;
	v1 =	vpop (erf)  }
0x19c: {  	v1 =	vadd.f32 $1.000000000e+00, v1;
	(erf) = vrcp.f32 v2  }
0x19d: {  	(erf) = vrcp.f32 v0  }
0x19e: {  	(erf) = vrcp.f32 v1;
	_ =	sdelay $0x1  }
.Ltmp5:
0x19f: {  	(pc) =	sbr.rel @p0 .LBB2_13-.Ltmp5, $3  }
0x1a0: {  	_ =	sdelay $0x1  }
0x1a1: {  	v0 =	vpop (erf)  }
0x1a2: {  	s29 =	sadd.s32 $0x50, s29;
	[tilespmem:s28+$0xFFFFFFC0] =	vst v0;
	v16 =	vpop (erf)  }
0x1a3: {  	p0 =	seq.s32 s25, $0xB  }
.Ltmp6:
0x1a4: {  	[tilespmem:s28+$0xFFFFFFD0] =	vst v16;
	v0 =	vpop (erf);
	(pc) =	sbr.rel @p0 .LBB2_16-.Ltmp6, $4  }
0x1a5: {  	s1 =	sadd.s32 s26, s8;
	[tilespmem:s28+$0xFFFFFFE0] =	vst v0;
	v0 =	vpop (erf)  }
0x1a6: {  	v54 =	vld [tilespmem:$0x1FF60];
	s1 =	sshrl.u32 s1, $0x3;
	[tilespmem:s28+$0x0] =	vst v0;
	v0 =	vpop (erf)  }
0x1a7: {  	v14 =	vld [tilespmem:$0x1FF70];
	s1 =	sadd.s32 s2, s1;
	[tilespmem:s28+$0xFFFFFFF0] =	vst v0  }
0x1a8: {  	v3 =	vld [tilespmem:$0x1FF80];
	[hbm4b:s1+s3] =	stream.linear.scatter [tilespmem:s22], [sflag:$0x3], $0x190, $0x38  }
.Ltmp7:
0x1a9: {  	(pc) =	sbr.rel .LBB2_2-.Ltmp7, $4  }
0x1aa: {  	s1 =	sadd.s32 $0x4B0, s26  }
0x1ab: {  	[tilespmem:s16], [sflag:$0x1] =	stream.indirect.gather [hbm4b:s5+s13], $0x40, s1, s13, $0xb8;
	[tilespmem:$0x1E140] =	vst v63  }
0x1ac: {  	s31 =	sadd.s32 $0x2BC0, s26;
	s25 =	sadd.s32 $0x1, s25  }
0x1ad: {  	[tilespmem:s18], [sflag:$0x2] =	stream.indirect.gather [hbm4b:s5+s13], $0x40, s31, s13, $0xb8;
	[tilespmem:$0x1E140] =	vst v63  }
.LBB2_16:
0x1ae: {  	_ =	swait.ge [sflag:s19], $0x6400  }
0x1af: {  	[sflag:s19] =	ssyncset.done $0x0  }
0x1b0: {  	[sflag:s19] =	ssyncadd.s32 $0xFFFF9C00  }
0x1b1: {  	_ =	swait.ge [sflag:s20], $0x6400  }
0x1b2: {  	[sflag:s20] =	ssyncset.done $0x0  }
0x1b3: {  	[sflag:s20] =	ssyncadd.s32 $0xFFFF9C00  }
0x1b4: {  	_ =	swait.ge [sflag:s23], $0x190  }
0x1b5: {  	[sflag:s23] =	ssyncset.done $0x0  }
0x1b6: {  	s25 =	simm.s32 $0x0;
	s26 =	simm.s32 $0x0;
	[sflag:s23] =	ssyncadd.s32 $0xFFFFFE70  }
.LBB2_17:
0x1b7: {  	s28 =	sshll.u32 s26, $0xA  }
0x1b8: {  	v7 =	vld [tilespmem:$0x1FF50];
	s1 =	sor.u32 s28, s25  }
0x1b9: {  	v6 =	vld [tilespmem:$0x1FF60];
	v0 =	vor.u32 s1, v4  }
0x1ba: {  	v15 =	vld [tilespmem:$0x1FF70];
	v2 =	vor.u32 s1, v50  }
0x1bb: {  	v14 =	vmov v4;
	v3 =	vor.u32 s1, v51;
	v4 =	vld [tilespmem:$0x1FF40]  }
0x1bc: {  	v23 =	vor.u32 s1, v13;
	v13 =	vld [tilespmem:$0x1FF90]  }
0x1bd: {  	v25 =	vor.u32 s1, v5;
	v5 =	vld [tilespmem:$0x1FF80]  }
0x1be: {  	v18 =	vor.u32 s1, v57;
	v19 =	vld.idx.msk [tilespmem:v0+s15+$0x0], $0xffff  }
0x1bf: {  	v21 =	vor.u32 s1, v60;
	v20 =	vld.idx.msk [tilespmem:v2+s15+$0x0], $0xffff  }
0x1c0: {  	v22 =	vld.idx.msk [tilespmem:v3+s14+$0x0], $0xffff  }
0x1c1: {  	v24 =	vor.u32 s1, v63;
	v3 =	vld.idx.msk [tilespmem:v3+s15+$0x0], $0xffff  }
0x1c2: {  	v2 =	vld.idx.msk [tilespmem:v2+s14+$0x0], $0xffff  }
0x1c3: {  	v31 =	vld.idx.msk [tilespmem:v18+s14+$0x0], $0xffff  }
0x1c4: {  	v30 =	vld.idx.msk [tilespmem:v21+s15+$0x0], $0xffff  }
0x1c5: {  	v17 =	vld.idx.msk [tilespmem:v23+s15+$0x0], $0xffff  }
0x1c6: {  	v34 =	vor.u32 s1, v8;
	v36 =	vld.idx.msk [tilespmem:v24+s15+$0x0], $0xffff  }
0x1c7: {  	v27 =	vld.idx.msk [tilespmem:v25+s14+$0x0], $0xffff  }
0x1c8: {  	v41 =	vld.idx.msk [tilespmem:v24+s14+$0x0], $0xffff  }
0x1c9: {  	v1 =	vor.u32 s1, v7;
	v40 =	vld.idx.msk [tilespmem:v21+s14+$0x0], $0xffff  }
0x1ca: {  	v0 =	vld.idx.msk [tilespmem:v0+s14+$0x0], $0xffff  }
0x1cb: {  	v24 =	vor.u32 s1, v62;
	v26 =	vld.idx.msk [tilespmem:v34+s14+$0x0], $0xffff  }
0x1cc: {  	v35 =	vld.idx.msk [tilespmem:v25+s15+$0x0], $0xffff  }
0x1cd: {  	v38 =	vld.idx.msk [tilespmem:v34+s15+$0x0], $0xffff  }
0x1ce: {  	v33 =	vor.u32 s1, v4;
	v16 =	vld.idx.msk [tilespmem:v1+s15+$0x0], $0xffff  }
0x1cf: {  	v44 =	vld.idx.msk [tilespmem:v1+s14+$0x0], $0xffff  }
0x1d0: {  	v25 =	vor.u32 s1, v6;
	v29 =	vld.idx.msk [tilespmem:v24+s14+$0x0], $0xffff  }
0x1d1: {  	v45 =	vimm.f32 $0.0e+00;
	v32 =	vld.idx.msk [tilespmem:v24+s15+$0x0], $0xffff  }
0x1d2: {  	v28 =	vor.u32 s1, v15;
	v34 =	vimm.f32 $0.0e+00;
	v24 =	vld.idx.msk [tilespmem:v18+s15+$0x0], $0xffff;
	v2 =	vmul.bf16 v20, v2  }
0x1d3: {  	v37 =	vld.idx.msk [tilespmem:v33+s15+$0x0], $0xffff;
	v3 =	vmul.bf16 v3, v22;
	v18 =	vor.u32 s1, v13;
	v0 =	vmul.bf16 v19, v0  }
0x1d4: {  	v42 =	vld.idx.msk [tilespmem:v33+s14+$0x0], $0xffff;
	v33 =	vor.u32 s1, v5;
	v40 =	vmul.bf16 v30, v40;
	v36 =	vmul.bf16 v36, v41  }
0x1d5: {  	v12 =	vmovc v63;
	v39 =	vld.idx.msk [tilespmem:v25+s15+$0x0], $0xffff;
	v19 =	vunpack.i.u.bf16.f32 v2;
	v21 =	vunpack.i.l.bf16.f32 v2;
	v22 =	vunpack.i.u.bf16.f32 v3  }
0x1d6: {  	v11 =	vmovc v8;
	v10 =	vmovc v57;
	v43 =	vld.idx.msk [tilespmem:v25+s14+$0x0], $0xffff;
	v20 =	vunpack.i.l.bf16.f32 v3;
	v46 =	vunpack.i.l.bf16.f32 v0;
	v0 =	vunpack.i.u.bf16.f32 v0  }
0x1d7: {  	v9 =	vmovc v50;
	s29 =	simm.s32 $0x10;
	v8 =	vmovc v51;
	v41 =	vld.idx.msk [tilespmem:v28+s14+$0x0], $0xffff;
	v30 =	vadd.f32 v0, v45;
	v24 =	vmul.bf16 v24, v31;
	v31 =	vimm.f32 $0.0e+00  }
.LBB2_18:
0x1d8: {  	v3 =	vld.idx.msk [tilespmem:v23+s14+$0x0], $0xffff  }
0x1d9: {  	s1 =	sor.u32 s28, s29;
	v63 =	vld.idx.msk [tilespmem:v33+s15+$0x0], $0xffff  }
0x1da: {  	v1 =	vadd.f32 v46, v45;
	v49 =	vld.idx.msk [tilespmem:v18+s14+$0x0], $0xffff;
	v25 =	vor.u32 s1, v7  }
0x1db: {  	v29 =	vmul.bf16 v32, v29;
	v32 =	vld.idx.msk [tilespmem:v18+s15+$0x0], $0xffff;
	v23 =	vor.u32 s1, v13;
	v46 =	vor.u32 s1, v9  }
0x1dc: {  	v47 =	vor.u32 s1, v8;
	v18 =	vmov v23;
	v23 =	vld [tilespmem:$0x1FFD0]  }
0x1dd: {  	v2 =	vmul.bf16 v35, v27;
	v27 =	vld.idx.msk [tilespmem:v28+s15+$0x0], $0xffff  }
0x1de: {  	v45 =	vunpack.i.l.bf16.f32 v40;
	v48 =	vunpack.i.u.bf16.f32 v36;
	v28 =	vld.idx.msk [tilespmem:v33+s14+$0x0], $0xffff  }
0x1df: {  	v50 =	vor.u32 s1, v6;
	v58 =	vor.u32 s1, v12;
	v44 =	vmul.bf16 v16, v44;
	v16 =	vld.idx.msk [tilespmem:v25+s15+$0x0], $0xffff  }
0x1e0: {  	v51 =	vor.u32 s1, v11;
	v40 =	vunpack.i.u.bf16.f32 v40;
	v53 =	vor.u32 s1, v10;
	v55 =	vld.idx.msk [tilespmem:v46+s15+$0x0], $0xffff  }
0x1e1: {  	v35 =	vor.u32 s1, v14;
	v0 =	vmul.bf16 v37, v42;
	v42 =	vor.u32 s1, v4;
	v57 =	vld.idx.msk [tilespmem:v47+s14+$0x0], $0xffff  }
0x1e2: {  	v37 =	vunpack.i.u.bf16.f32 v24;
	v39 =	vmul.bf16 v39, v43;
	v26 =	vmul.bf16 v38, v26;
	v47 =	vld.idx.msk [tilespmem:v47+s15+$0x0], $0xffff  }
0x1e3: {  	v24 =	vunpack.i.l.bf16.f32 v24;
	v43 =	vunpack.i.u.bf16.f32 v2;
	v52 =	vunpack.i.u.bf16.f32 v0;
	v46 =	vld.idx.msk [tilespmem:v46+s14+$0x0], $0xffff  }
0x1e4: {  	v54 =	vunpack.i.l.bf16.f32 v44;
	v44 =	vunpack.i.u.bf16.f32 v44;
	v0 =	vunpack.i.l.bf16.f32 v0;
	v61 =	vld.idx.msk [tilespmem:v58+s15+$0x0], $0xffff  }
0x1e5: {  	v56 =	vor.u32 s1, v23;
	v23 =	vld [tilespmem:$0x1FFC0];
	v33 =	vadd.f32 v52, v34;
	v34 =	vunpack.i.l.bf16.f32 v36  }
0x1e6: {  	v36 =	vmul.bf16 v32, v49;
	v49 =	vld.idx.msk [tilespmem:v53+s14+$0x0], $0xffff;
	v32 =	vunpack.i.l.bf16.f32 v39;
	v1 =	vadd.f32 v54, v1  }
0x1e7: {  	v30 =	vadd.f32 v44, v30;
	v38 =	vld.idx.msk [tilespmem:v35+s15+$0x0], $0xffff;
	v41 =	vmul.bf16 v27, v41;
	v27 =	vunpack.i.u.bf16.f32 v39  }
0x1e8: {  	v59 =	vmul.bf16 v63, v28;
	v28 =	vld [tilespmem:$0x1FFB0];
	v1 =	vadd.f32 v21, v1;
	v21 =	vadd.f32 v27, v33  }
0x1e9: {  	v19 =	vadd.f32 v19, v30;
	v39 =	vunpack.i.l.bf16.f32 v41;
	v30 =	vunpack.i.u.bf16.f32 v41;
	v41 =	vld.idx.msk [tilespmem:v58+s14+$0x0], $0xffff  }
0x1ea: {  	v3 =	vmul.bf16 v17, v3;
	v0 =	vadd.f32 v0, v31;
	v58 =	vor.u32 s1, v62;
	v62 =	vld.idx.msk [tilespmem:v35+s14+$0x0], $0xffff  }
0x1eb: {  	v31 =	vunpack.i.u.bf16.f32 v26;
	v21 =	vadd.f32 v22, v21;
	v22 =	vunpack.i.l.bf16.f32 v26;
	v26 =	vld.idx.msk [tilespmem:v51+s14+$0x0], $0xffff  }
0x1ec: {  	v2 =	vunpack.i.l.bf16.f32 v2;
	v44 =	vunpack.i.l.bf16.f32 v29;
	v0 =	vadd.f32 v32, v0;
	v52 =	vld.idx.msk [tilespmem:v56+s15+$0x0], $0xffff  }
0x1ed: {  	v63 =	vunpack.i.l.bf16.f32 v3;
	v3 =	vunpack.i.u.bf16.f32 v3;
	v19 =	vadd.f32 v31, v19;
	v56 =	vld.idx.msk [tilespmem:v56+s14+$0x0], $0xffff  }
0x1ee: {  	v54 =	vunpack.i.u.bf16.f32 v36;
	v0 =	vadd.f32 v20, v0;
	v20 =	vadd.f32 v37, v21;
	v37 =	vld.idx.msk [tilespmem:v42+s15+$0x0], $0xffff  }
0x1ef: {  	v33 =	vor.u32 s1, v5;
	v31 =	vunpack.i.u.bf16.f32 v29;
	v57 =	vmul.bf16 v47, v57;
	v42 =	vld.idx.msk [tilespmem:v42+s14+$0x0], $0xffff  }
0x1f0: {  	v23 =	vor.u32 s1, v23;
	v1 =	vadd.f32 v22, v1;
	v22 =	vadd.f32 v40, v19;
	v29 =	vld.idx.msk [tilespmem:v58+s14+$0x0], $0xffff  }
0x1f1: {  	v60 =	vor.u32 s1, v28;
	v28 =	vor.u32 s1, v15;
	v21 =	vmul.bf16 v55, v46;
	v32 =	vld.idx.msk [tilespmem:v58+s15+$0x0], $0xffff  }
0x1f2: {  	v0 =	vadd.f32 v24, v0;
	v22 =	vadd.f32 v30, v22;
	v30 =	vmul.bf16 v38, v62;
	v62 =	vld [tilespmem:$0x1FFA0]  }
0x1f3: {  	v24 =	vunpack.i.u.bf16.f32 v59;
	v1 =	vadd.f32 v45, v1;
	v20 =	vadd.f32 v48, v20;
	v58 =	vld.idx.msk [tilespmem:v53+s15+$0x0], $0xffff  }
0x1f4: {  	v59 =	vunpack.i.l.bf16.f32 v59;
	v19 =	vunpack.i.u.bf16.f32 v21;
	v0 =	vadd.f32 v34, v0;
	v38 =	vld.idx.msk [tilespmem:v51+s15+$0x0], $0xffff  }
0x1f5: {  	v21 =	vunpack.i.l.bf16.f32 v21;
	v1 =	vadd.f32 v39, v1;
	v39 =	vld.idx.msk [tilespmem:v50+s15+$0x0], $0xffff;
	v20 =	vadd.f32 v43, v20  }
0x1f6: {  	p0 =	sne.s32 s29, $0x30;
	v17 =	vld.idx.msk [tilespmem:v23+s15+$0x0], $0xffff;
	v31 =	vadd.f32 v31, v22;
	v0 =	vadd.f32 v2, v0;
	v22 =	vunpack.i.u.bf16.f32 v57  }
.Ltmp8:
0x1f7: {  	v46 =	vunpack.i.l.bf16.f32 v30;
	v40 =	vmul.bf16 v52, v56;
	v27 =	vld.idx.msk [tilespmem:v60+s14+$0x0], $0xffff;
	v1 =	vadd.f32 v44, v1;
	(pc) =	sbr.rel @p0 .LBB2_18-.Ltmp8, $4  }
0x1f8: {  	v35 =	vld.idx.msk [tilespmem:v60+s15+$0x0], $0xffff;
	v60 =	vunpack.i.l.bf16.f32 v36;
	v24 =	vadd.f32 v24, v20;
	v0 =	vadd.f32 v59, v0  }
0x1f9: {  	v43 =	vld.idx.msk [tilespmem:v50+s14+$0x0], $0xffff;
	v36 =	vmul.bf16 v61, v41;
	v45 =	vadd.f32 v63, v1;
	v63 =	vadd.f32 v3, v31  }
0x1fa: {  	v44 =	vld.idx.msk [tilespmem:v25+s14+$0x0], $0xffff;
	v20 =	vunpack.i.l.bf16.f32 v57;
	v3 =	vunpack.i.u.bf16.f32 v30;
	v34 =	vadd.f32 v54, v24  }
0x1fb: {  	s29 =	sadd.s32 $0x10, s29;
	v41 =	vld.idx.msk [tilespmem:v28+s14+$0x0], $0xffff;
	v31 =	vadd.f32 v60, v0;
	v24 =	vmul.bf16 v58, v49;
	v30 =	vadd.f32 v3, v63  }
0x1fc: {  	_ =	sdelay $0x2  }
0x1fd: {  	v3 =	vmul.bf16 v37, v42;
	v54 =	vadd.f32 v46, v45  }
0x1fe: {  	v0 =	vld.idx.msk [tilespmem:v23+s14+$0x0], $0xffff;
	v56 =	vunpack.i.l.bf16.f32 v40;
	v61 =	vunpack.i.u.bf16.f32 v36;
	v26 =	vmul.bf16 v38, v26  }
0x1ff: {  	v1 =	vld.idx.msk [tilespmem:v28+s15+$0x0], $0xffff;
	v29 =	vmul.bf16 v32, v29;
	v48 =	vunpack.i.l.bf16.f32 v36;
	v53 =	vmul.bf16 v35, v27  }
0x200: {  	v2 =	vld.idx.msk [tilespmem:v33+s14+$0x0], $0xffff;
	v55 =	vunpack.i.u.bf16.f32 v24;
	v58 =	vmul.bf16 v39, v43;
	v63 =	vunpack.i.u.bf16.f32 v3  }
0x201: {  	v25 =	vld.idx.msk [tilespmem:v33+s15+$0x0], $0xffff;
	v3 =	vunpack.i.l.bf16.f32 v3;
	v50 =	vunpack.i.l.bf16.f32 v29;
	v52 =	vunpack.i.u.bf16.f32 v26  }
0x202: {  	v57 =	vld.idx.msk [tilespmem:v18+s14+$0x0], $0xffff;
	v59 =	vunpack.i.u.bf16.f32 v53;
	v16 =	vmul.bf16 v16, v44;
	v44 =	vunpack.i.u.bf16.f32 v40  }
0x203: {  	v60 =	vld.idx.msk [tilespmem:v18+s15+$0x0], $0xffff;
	v47 =	vadd.f32 v63, v34;
	v3 =	vadd.f32 v3, v31;
	v23 =	vunpack.i.l.bf16.f32 v53  }
0x204: {  	v53 =	vunpack.i.l.bf16.f32 v26;
	v46 =	vunpack.i.u.bf16.f32 v58;
	v49 =	vunpack.i.l.bf16.f32 v58  }
0x205: {  	v45 =	vunpack.i.l.bf16.f32 v16;
	v1 =	vmul.bf16 v1, v41;
	v16 =	vunpack.i.u.bf16.f32 v16  }
0x206: {  	v0 =	vmul.bf16 v17, v0;
	v17 =	vadd.f32 v46, v47;
	v3 =	vadd.f32 v49, v3  }
0x207: {  	v2 =	vmul.bf16 v25, v2;
	v27 =	vadd.f32 v45, v54;
	v16 =	vadd.f32 v16, v30  }
0x208: {  	v18 =	vmul.bf16 v60, v57;
	v17 =	vadd.f32 v22, v17;
	v3 =	vadd.f32 v20, v3  }
0x209: {  	v54 =	vunpack.i.l.bf16.f32 v24;
	v21 =	vadd.f32 v21, v27;
	v16 =	vadd.f32 v19, v16  }
0x20a: {  	v51 =	vunpack.i.u.bf16.f32 v18;
	v17 =	vadd.f32 v55, v17;
	v3 =	vadd.f32 v54, v3  }
0x20b: {  	v57 =	vunpack.i.l.bf16.f32 v0;
	v19 =	vadd.f32 v53, v21;
	v16 =	vadd.f32 v52, v16  }
0x20c: {  	v58 =	vunpack.i.u.bf16.f32 v2;
	v17 =	vadd.f32 v61, v17;
	v3 =	vadd.f32 v48, v3  }
0x20d: {  	v55 =	vunpack.i.l.bf16.f32 v1;
	v19 =	vadd.f32 v56, v19;
	v16 =	vadd.f32 v44, v16  }
0x20e: {  	v1 =	vunpack.i.u.bf16.f32 v1;
	v17 =	vadd.f32 v59, v17;
	v3 =	vadd.f32 v23, v3  }
0x20f: {  	v2 =	vunpack.i.l.bf16.f32 v2;
	v19 =	vadd.f32 v55, v19;
	v1 =	vadd.f32 v1, v16  }
0x210: {  	v56 =	vunpack.i.u.bf16.f32 v29;
	v59 =	vadd.f32 v58, v17;
	v2 =	vadd.f32 v2, v3  }
0x211: {  	v61 =	vunpack.i.l.bf16.f32 v18;
	v60 =	vadd.f32 v50, v19;
	v1 =	vadd.f32 v56, v1  }
0x212: {  	v0 =	vunpack.i.u.bf16.f32 v0;
	v3 =	vadd.f32 v51, v59;
	v63 =	vadd.f32 v61, v2  }
0x213: {  	s1 =	sshll.u32 s26, $0x4;
	s26 =	sadd.s32 $0x1, s26;
	v17 =	vadd.f32 v57, v60;
	v0 =	vadd.f32 v0, v1  }
0x214: {  	p0 =	sne.s32 s26, $0x19  }
.Ltmp9:
0x215: {  	v1 =	vadd.f32 v3, v63;
	v0 =	vadd.f32 v0, v17;
	(pc) =	sbr.rel @p0 .LBB2_17-.Ltmp9, $4  }
0x216: {  	_ = 	snop  }
0x217: {  	v5 =	vld [tilespmem:$0x1FFB0];
	v0 =	vadd.f32 v0, v1  }
0x218: {  	v4 =	vmov v14;
	v13 =	vld [tilespmem:$0x1FFC0];
	s1 =	sand.u32 $0x3FFFFFF0, s1  }
0x219: {  	v50 =	vmovc v9;
	v51 =	vmovc v8;
	v8 =	vmov v11;
	v57 =	vmov v10;
	v60 =	vld [tilespmem:$0x1FFD0];
	v63 =	vmov v12;
	[tilespmem:s1+$0x1DE20] =	vst v0  }
0x21a: {  	s25 =	simm.s32 $0x1DE40  }
0x21b: {  	v0 =	vld [tilespmem:s25+$0xFFFFFFE0];
	_ =	sdelay $0x4  }
0x21c: {  	v1 =	vld [tilespmem:s25+$0x0];
	v0 =	vsub.f32 $0.0e+00, v0;
	_ =	sdelay $0x1  }
0x21d: {  	v2 =	vld [tilespmem:s25+$0x10];
	v0 =	vmul.f32 $1.442695020e+00, v0  }
0x21e: {  	v3 =	vld [tilespmem:s25+$0x20]  }
0x21f: {  	v48 =	vld [tilespmem:s25+$0xFFFFFFF0];
	(erf) = vpow2.f32 v0  }
0x220: {  	v1 =	vsub.f32 $0.0e+00, v1;
	_ =	sdelay $0x1  }
0x221: {  	v49 =	vsub.f32 $0.0e+00, v2;
	v1 =	vmul.f32 $1.442695020e+00, v1  }
0x222: {  	v52 =	vsub.f32 $0.0e+00, v3  }
0x223: {  	v0 =	vsub.f32 $0.0e+00, v48;
	(erf) = vpow2.f32 v1;
	v1 =	vmul.f32 $1.442695020e+00, v49  }
0x224: {  	v2 =	vmul.f32 $1.442695020e+00, v52  }
0x225: {  	v0 =	vmul.f32 $1.442695020e+00, v0;
	(erf) = vpow2.f32 v1  }
0x226: {  	(erf) = vpow2.f32 v2  }
0x227: {  	v53 =	vpop (erf);
	(erf) = vpow2.f32 v0;
	_ =	sdelay $0x5  }
0x228: {  	v54 =	vadd.f32 $1.000000000e+00, v53;
	v55 =	vpop (erf)  }
0x229: {  	v1 =	vadd.f32 $1.000000000e+00, v55;
	v56 =	vpop (erf)  }
0x22a: {  	(erf) = vrcp.f32 v54;
	v0 =	vadd.f32 $1.000000000e+00, v56;
	v58 =	vpop (erf)  }
0x22b: {  	(erf) = vrcp.f32 v1;
	v1 =	vadd.f32 $1.000000000e+00, v58;
	v59 =	vpop (erf)  }
0x22c: {  	(erf) = vrcp.f32 v0;
	v2 =	vadd.f32 $1.000000000e+00, v59  }
0x22d: {  	(erf) = vrcp.f32 v1  }
0x22e: {  	(erf) = vrcp.f32 v2;
	_ =	sdelay $0x4  }
0x22f: {  	v61 =	vpop (erf)  }
0x230: {  	s1 =	simm.s32 $0x0;
	s26 =	simm.s32 $0x1DE90;
	[tilespmem:s25+$0xFFFFFFE0] =	vst v61;
	v16 =	vpop (erf)  }
.LBB2_21:
0x231: {  	v0 =	vld [tilespmem:s26+$0xFFFFFFE0];
	[tilespmem:s25+$0x0] =	vst v16;
	v1 =	vpop (erf)  }
0x232: {  	v2 =	vld [tilespmem:s26+$0x0];
	[tilespmem:s25+$0x10] =	vst v1;
	v1 =	vpop (erf)  }
0x233: {  	v3 =	vld [tilespmem:s26+$0x10];
	[tilespmem:s25+$0x20] =	vst v1;
	v1 =	vpop (erf)  }
0x234: {  	s1 =	sadd.s32 $0x5, s1;
	v16 =	vld [tilespmem:s26+$0x20];
	[tilespmem:s25+$0xFFFFFFF0] =	vst v1;
	s25 =	smov.u32 s26  }
0x235: {  	p0 =	slt.u32 s1, $0x14;
	v1 =	vld [tilespmem:s26+$0xFFFFFFF0]  }
0x236: {  	v0 =	vsub.f32 $0.0e+00, v0  }
0x237: {  	v2 =	vsub.f32 $0.0e+00, v2  }
0x238: {  	v0 =	vmul.f32 $1.442695020e+00, v0;
	v3 =	vsub.f32 $0.0e+00, v3  }
0x239: {  	v2 =	vmul.f32 $1.442695020e+00, v2;
	v16 =	vsub.f32 $0.0e+00, v16  }
0x23a: {  	v1 =	vsub.f32 $0.0e+00, v1;
	v3 =	vmul.f32 $1.442695020e+00, v3;
	(erf) = vpow2.f32 v0  }
0x23b: {  	v0 =	vmul.f32 $1.442695020e+00, v16;
	(erf) = vpow2.f32 v2  }
0x23c: {  	v1 =	vmul.f32 $1.442695020e+00, v1;
	(erf) = vpow2.f32 v3  }
0x23d: {  	(erf) = vpow2.f32 v0  }
0x23e: {  	(erf) = vpow2.f32 v1;
	_ =	sdelay $0x4  }
0x23f: {  	v0 =	vpop (erf)  }
0x240: {  	v6 =	vadd.f32 $1.000000000e+00, v0;
	v1 =	vpop (erf)  }
0x241: {  	v1 =	vadd.f32 $1.000000000e+00, v1;
	v2 =	vpop (erf)  }
0x242: {  	v2 =	vadd.f32 $1.000000000e+00, v2;
	(erf) = vrcp.f32 v6;
	v0 =	vpop (erf)  }
0x243: {  	v0 =	vadd.f32 $1.000000000e+00, v0;
	v3 =	vpop (erf);
	(erf) = vrcp.f32 v1  }
0x244: {  	v1 =	vadd.f32 $1.000000000e+00, v3;
	(erf) = vrcp.f32 v2  }
0x245: {  	(erf) = vrcp.f32 v0  }
0x246: {  	(erf) = vrcp.f32 v1;
	_ =	sdelay $0x1  }
.Ltmp10:
0x247: {  	(pc) =	sbr.rel @p0 .LBB2_21-.Ltmp10, $3  }
0x248: {  	_ =	sdelay $0x1  }
0x249: {  	v0 =	vpop (erf)  }
0x24a: {  	s26 =	sadd.s32 $0x50, s26;
	[tilespmem:s25+$0xFFFFFFE0] =	vst v0;
	v16 =	vpop (erf)  }
0x24b: {  	[tilespmem:s25+$0x0] =	vst v16;
	v0 =	vpop (erf)  }
0x24c: {  	[tilespmem:s25+$0x10] =	vst v0;
	v0 =	vpop (erf)  }
0x24d: {  	[tilespmem:s25+$0x20] =	vst v0;
	v0 =	vpop (erf)  }
0x24e: {  	[tilespmem:s25+$0xFFFFFFF0] =	vst v0  }
0x24f: {  	[hbm4b:s9+s3] =	stream.linear.scatter [tilespmem:s21], [sflag:$0x3], $0x190, $0x38;
	[tilespmem:$0x1E140] =	vst v63  }
0x250: {  	_ =	swait.ge [sflag:s23], $0x190  }
0x251: {  	s24 =	sadd.s32 $0x1, s24;
	[sflag:s23] =	ssyncset.done $0x0  }
0x252: {  	p0 =	sne.s32 s24, s10;
	[sflag:s23] =	ssyncadd.s32 $0xFFFFFE70  }
.Ltmp11:
0x253: {  	_ =	swait.ge [sflag:s23], $0x190;
	(pc) =	sbr.rel @p0 .LBB2_1-.Ltmp11, $4  }
0x254: {  	v54 =	vld [tilespmem:$0x1FF60]  }
0x255: {  	v14 =	vld [tilespmem:$0x1FF70]  }
0x256: {  	[sflag:s23] =	ssyncset.done $0x0;
	v3 =	vld [tilespmem:$0x1FF80]  }
0x257: {  	v12 =	vld [tilespmem:$0x1FF90];
	[sflag:s23] =	ssyncadd.s32 $0xFFFFFE70  }
0x258: {  	_ =	sfence.sel $0x180000  }
0x259: {  	[bflag:$0x0] =	sbarrier.arrive $0xFFFF  }
0x25a: {  	_ =	strace $0x90000047  }
0x25b: {  	[bflag:$0x2] =	sbarrier.arrive $0xFFFF  }
0x25c: {  	p0 =	sne.s32 s0, $0x0;
	s0 =	rddreg [dreg:$0x2]  }
0x25d: {  	s0 =	sadd.s32 @!p0 $0x100000, s0  }
0x25e: {  	[sflag:s0] =	ssyncadd.tile.s32 @!p0 $0x1;
	_ =	shalt  }
.Lfunc_end2:
_tile_overlayer_lowered:
.L_overlay_start_2:
0x25f: {  	(tag) =	ssettag $0x2  }
0x260: {  	s0 =	rddreg [dreg:$0x0];
	s2 =	stileid.u32  }
0x261: {  	s1 =	rddreg [dreg:$0x1];
	p0 =	sne.s32 s2, $0x0  }
0x262: {  	s3 =	rddreg [dreg:$0x2];
	[bflag:$0x3] =	sbarrier.arrive $0xFFFF;
	s2 =	simm.s32 @!p0 $0x1C04  }
0x263: {  	[timem:s3], [sflag:s2] =	dma.local @!p0 [hbm:s0], s1  }
0x264: {  	s0 =	simm.s32 @!p0 $0x4  }
0x265: {  	_ =	swait.ge @!p0 [sflag:s0], s1  }
0x266: {  	s1 =	ssub.s32 @!p0 $0x0, s1;
	[sflag:s0] =	ssyncset.done @!p0 $0x0  }
0x267: {  	[sflag:s0] =	ssyncadd.s32 @!p0 s1  }
0x268: {  	[bflag:$0x3] =	sbarrier.arrive $0xFFFF  }
0x269: {  	_ =	shalt  }

</sc_bundles>
